<compile_context>
chip_gen: v7x
topology: tpu7x:2x2x1
jax: 0.10.2.dev20260603
libtpu: 0.0.44.dev20260713+nightly
codegen_flags: <defaults>
</compile_context>

<pallas_src>
import functools

import jax
import jax.numpy as jnp
from jax import lax
from jax.experimental import pallas as pl
from jax.experimental.pallas import tpu as pltpu
from jax.experimental.pallas import tpu_sc as plsc

_LANES = 16
_NBUF = 15
_LOOKAHEAD = 10


@functools.lru_cache(maxsize=None)
def _build_sc_gather(N, D, B, K):
    info = plsc.get_sparse_core_info()
    NW = info.num_cores * info.num_subcores
    assert B % (NW * 128) == 0
    nc = B // NW
    kpad = -(-K // _LANES) * _LANES
    nbuf = min(_NBUF, K)
    look = min(_LOOKAHEAD, nbuf)

    mesh = plsc.VectorSubcoreMesh(core_axis_name="c", subcore_axis_name="s")

    @functools.partial(
        pl.kernel,
        out_type=jax.ShapeDtypeStruct((K, D, B), jnp.float32),
        mesh=mesh,
        scratch_types=[
            pltpu.VMEM((kpad,), jnp.int32),
            pltpu.VMEM((nbuf, D, nc), jnp.float32),
            pltpu.SemaphoreType.DMA,
            pltpu.SemaphoreType.DMA,
        ],
        compiler_params=pltpu.CompilerParams(
            use_tc_tiling_on_sc=True,
            needs_layout_passes=False,
            disable_bounds_checks=True,
            disable_semaphore_checks=True,
            skip_device_barrier=True,
        ),
    )
    def sc_gather(x_hbm, idx_hbm, out_hbm, idx_v, ring, gsem, wsem):
        wid = lax.axis_index("s") * info.num_cores + lax.axis_index("c")
        c0 = wid * nc
        pltpu.sync_copy(idx_hbm, idx_v.at[pl.ds(0, K)])

        lane_ids = lax.iota(jnp.int32, _LANES)
        vecs = [idx_v[pl.ds(g * _LANES, _LANES)] for g in range(kpad // _LANES)]
        scal = {}

        def idx_scalar(j):
            if j not in scal:
                scal[j] = jnp.sum(
                    jnp.where(lane_ids == (j % _LANES), vecs[j // _LANES], 0)
                )
            return scal[j]

        def gather(j):
            return pltpu.async_copy(
                x_hbm.at[idx_scalar(j), :, pl.ds(c0, nc)],
                ring.at[j % nbuf],
                gsem,
            )

        def write(j):
            return pltpu.async_copy(
                ring.at[j % nbuf], out_hbm.at[j, :, pl.ds(c0, nc)], wsem
            )

        gc = {}
        wc = {}
        for j in range(look):
            gc[j] = gather(j)
        for j in range(K):
            gc[j].wait()
            wc[j] = write(j)
            nj = j + look
            if nj < K:
                ow = nj - nbuf
                if ow >= 0:
                    wc[ow].wait()
                gc[nj] = gather(nj)
        for j in range(max(0, K - nbuf), K):
            if j >= 0 and wc[j] is not None:
                wc[j].wait()

    return sc_gather


def kernel(x, indices):
    B, N, D = x.shape
    K = indices.shape[0]
    x3 = x.transpose(1, 2, 0)
    out3 = _build_sc_gather(N, D, B, K)(x3, indices.astype(jnp.int32))
    return out3.transpose(2, 0, 1)

# --- scband reference (transcript-rebuilt; emitter-appended) ---
"""Pipeline reference for scband-gather-layer-31533649887961 (READ-ONLY COPY).

The authoritative reference and input builder live on the scoring server;
editing this copy changes nothing except your own understanding.
"""

import jax, jax.numpy as jnp
import numpy as np

# Fixed indices baked in at layer __init__ (subset of 26 out of 100 fields)
INDICES = [0, 2, 5, 7, 11, 13, 17, 19, 23, 29, 31, 37, 41, 43, 47, 53, 59, 61, 67, 71, 73, 79, 83, 89, 94, 97]
AXIS = 1


def setup_inputs(seed: int = 0) -> dict:
    key = jax.random.key(seed)
    x = jax.random.normal(key, (4096, 100, 64), dtype=jnp.float32)
    indices = jnp.array(INDICES, dtype=jnp.int32)
    return {"x": x, "indices": indices}


def reference(x, indices):
    # tf.gather(x, indices, axis=1) -> jnp.take along axis
    return jnp.take(x, indices, axis=AXIS)

if __name__ == "__main__":
    import jax
    _d = setup_inputs()
    print(jax.jit(kernel)(*tuple(_d.values())))

</pallas_src>

<mosaic_0001>
#map = affine_map<(d0, d1) -> (0, 0, 0)>
#map1 = affine_map<(d0, d1) -> (0)>
module attributes {stable_mosaic.version = 14 : i64} {
  func.func @sc_gather(%arg0: i32, %arg1: i32, %arg2: memref<100x64x4096xf32, #tpu.memory_space<hbm>>, %arg3: memref<26xi32, #tpu.memory_space<hbm>>, %arg4: memref<26x64x4096xf32, #tpu.memory_space<hbm>>, %arg5: memref<32xi32, #tpu.memory_space<vmem>>, %arg6: memref<15x64x128xf32, #tpu.memory_space<vmem>>, %arg7: memref<!tpu.dma_semaphore, #tpu.memory_space<semaphore_mem>>, %arg8: memref<!tpu.dma_semaphore, #tpu.memory_space<semaphore_mem>>) attributes {dimension_semantics = [#tpu.dimension_semantics<core_parallel>, #tpu.dimension_semantics<subcore_parallel>], iteration_bounds = array<i64: 2, 16>, scalar_prefetch = 0 : i64, scratch_operands = 4 : i64, tpu.core_type = #tpu.core_type<sc_vector_subcore>, window_params = [{transform_indices = #map}, {transform_indices = #map1}, {transform_indices = #map}]} {
    %mul3A = arith.constant 2 : i32
    %mul3A_0 = arith.muli %arg1, %mul3A : i32
    %add3A = arith.addi %mul3A_0, %arg0 : i32
    %mul3A_1 = arith.constant 128 : i32
    %mul3A_2 = arith.muli %add3A, %mul3A_1 : i32
    "tpu.region"() ({
      %run_scoped3A = tpu.sem_alloc : memref<!tpu.dma_semaphore, #tpu.memory_space<semaphore_mem>>
      %dma_start3A_1871 = arith.constant 0 : i32
      %dma_start3A_1872 = tpu.memref_slice %arg5[%dma_start3A_1871] : memref<32xi32, #tpu.memory_space<vmem>> -> memref<26xi32, #tpu.memory_space<vmem>>
      %dma_start3A_1873 = arith.constant 0 : i32
      %dma_start3A_1874 = tpu.memref_slice %arg5[%dma_start3A_1873] : memref<32xi32, #tpu.memory_space<vmem>> -> memref<26xi32, #tpu.memory_space<vmem>>
      tpu.enqueue_dma source(%arg3 : memref<26xi32, #tpu.memory_space<hbm>>) target(%dma_start3A_1874 : memref<26xi32, #tpu.memory_space<vmem>>) target_semaphore(%run_scoped3A : memref<!tpu.dma_semaphore, #tpu.memory_space<semaphore_mem>>)
      %dma_wait3A_1875 = arith.constant 0 : i32
      %dma_wait3A_1876 = tpu.memref_slice %arg5[%dma_wait3A_1875] : memref<32xi32, #tpu.memory_space<vmem>> -> memref<26xi32, #tpu.memory_space<vmem>>
      %dma_wait3A_1877 = arith.constant 0 : i32
      %dma_wait3A_1878 = tpu.memref_slice %arg5[%dma_wait3A_1877] : memref<32xi32, #tpu.memory_space<vmem>> -> memref<26xi32, #tpu.memory_space<vmem>>
      tpu.wait_dma2 semaphore(%run_scoped3A : memref<!tpu.dma_semaphore, #tpu.memory_space<semaphore_mem>>) src(%arg3 : memref<26xi32, #tpu.memory_space<hbm>>) dst(%dma_wait3A_1878 : memref<26xi32, #tpu.memory_space<vmem>>)
      tpu.yield
    }) : () -> ()
    %iota3A = tpu.iota {dimensions = array<i32: 0>} : vector<16xi32>
    %get3A = arith.constant 0 : index
    %get3A_3 = tpu.vector_load %arg5[%get3A] {strides = array<i32>} : memref<32xi32, #tpu.memory_space<vmem>>, vector<16xi32>,
    %get3A_4 = arith.constant 16 : index
    %get3A_5 = tpu.vector_load %arg5[%get3A_4] {strides = array<i32>} : memref<32xi32, #tpu.memory_space<vmem>>, vector<16xi32>,
    %eq3A = arith.constant 0 : i32
    %eq3A_6 = vector.broadcast %eq3A : i32 to vector<16xi32>
    %eq3A_7 = arith.cmpi eq, %iota3A, %eq3A_6 : vector<16xi32>
    %jit3A = arith.constant 0 : i32
    %broadcast_in_dim3A = vector.broadcast %jit3A : i32 to vector<16xi32>
    %select_n3A = arith.select %eq3A_7, %get3A_3, %broadcast_in_dim3A : vector<16xi1>, vector<16xi32>
    %reduce_sum3A = arith.constant true
    %reduce_sum3A_8 = vector.broadcast %reduce_sum3A : i1 to vector<16xi1>
    %reduce_sum3A_9 = tpu.scan <sum>, %select_n3A masked %reduce_sum3A_8 : vector<16xi32>, vector<16xi1> -> vector<16xi32>
    %reduce_sum3A_10 = vector.extract %reduce_sum3A_9[15] : i32 from vector<16xi32>
    %dma_start3A = arith.constant 0 : i32
    %dma_start3A_11 = arith.constant 0 : i32
    %dma_start3A_12 = arith.constant 0 : i32
    %dma_start3A_13 = tpu.memref_slice %arg6[%dma_start3A, %dma_start3A_11, %dma_start3A_12] : memref<15x64x128xf32, #tpu.memory_space<vmem>> -> memref<1x64x128xf32, #tpu.memory_space<vmem>>
    %dma_start3A_14 = tpu.memref_squeeze %dma_start3A_13 : memref<1x64x128xf32, #tpu.memory_space<vmem>> -> memref<64x128xf32, #tpu.memory_space<vmem>>
    %dma_start3A_15 = arith.constant 0 : i32
    %dma_start3A_16 = tpu.memref_slice %arg2[%reduce_sum3A_10, %dma_start3A_15, %mul3A_2] : memref<100x64x4096xf32, #tpu.memory_space<hbm>> -> memref<1x64x128xf32, #tpu.memory_space<hbm>>
    %dma_start3A_17 = tpu.memref_squeeze %dma_start3A_16 : memref<1x64x128xf32, #tpu.memory_space<hbm>> -> memref<64x128xf32, #tpu.memory_space<hbm>>
    %dma_start3A_18 = arith.constant 0 : i32
    %dma_start3A_19 = arith.constant 0 : i32
    %dma_start3A_20 = tpu.memref_slice %arg6[%dma_start3A, %dma_start3A_18, %dma_start3A_19] : memref<15x64x128xf32, #tpu.memory_space<vmem>> -> memref<1x64x128xf32, #tpu.memory_space<vmem>>
    %dma_start3A_21 = tpu.memref_squeeze %dma_start3A_20 : memref<1x64x128xf32, #tpu.memory_space<vmem>> -> memref<64x128xf32, #tpu.memory_space<vmem>>
    %dma_start3A_22 = arith.constant 0 : i32
    %dma_start3A_23 = tpu.memref_slice %arg2[%reduce_sum3A_10, %dma_start3A_22, %mul3A_2] : memref<100x64x4096xf32, #tpu.memory_space<hbm>> -> memref<1x64x128xf32, #tpu.memory_space<hbm>>
    %dma_start3A_24 = tpu.memref_squeeze %dma_start3A_23 : memref<1x64x128xf32, #tpu.memory_space<hbm>> -> memref<64x128xf32, #tpu.memory_space<hbm>>
    tpu.enqueue_dma source(%dma_start3A_24 : memref<64x128xf32, #tpu.memory_space<hbm>>) target(%dma_start3A_21 : memref<64x128xf32, #tpu.memory_space<vmem>>) target_semaphore(%arg7 : memref<!tpu.dma_semaphore, #tpu.memory_space<semaphore_mem>>)
    %eq3A_25 = arith.constant 1 : i32
    %eq3A_26 = vector.broadcast %eq3A_25 : i32 to vector<16xi32>
    %eq3A_27 = arith.cmpi eq, %iota3A, %eq3A_26 : vector<16xi32>
    %jit3A_28 = arith.constant 0 : i32
    %broadcast_in_dim3A_29 = vector.broadcast %jit3A_28 : i32 to vector<16xi32>
    %select_n3A_30 = arith.select %eq3A_27, %get3A_3, %broadcast_in_dim3A_29 : vector<16xi1>, vector<16xi32>
    %reduce_sum3A_31 = arith.constant true
    %reduce_sum3A_32 = vector.broadcast %reduce_sum3A_31 : i1 to vector<16xi1>
    %reduce_sum3A_33 = tpu.scan <sum>, %select_n3A_30 masked %reduce_sum3A_32 : vector<16xi32>, vector<16xi1> -> vector<16xi32>
    %reduce_sum3A_34 = vector.extract %reduce_sum3A_33[15] : i32 from vector<16xi32>
    %dma_start3A_35 = arith.constant 1 : i32
    %dma_start3A_36 = arith.constant 0 : i32
    %dma_start3A_37 = arith.constant 0 : i32
    %dma_start3A_38 = tpu.memref_slice %arg6[%dma_start3A_35, %dma_start3A_36, %dma_start3A_37] : memref<15x64x128xf32, #tpu.memory_space<vmem>> -> memref<1x64x128xf32, #tpu.memory_space<vmem>>
    %dma_start3A_39 = tpu.memref_squeeze %dma_start3A_38 : memref<1x64x128xf32, #tpu.memory_space<vmem>> -> memref<64x128xf32, #tpu.memory_space<vmem>>
    %dma_start3A_40 = arith.constant 0 : i32
    %dma_start3A_41 = tpu.memref_slice %arg2[%reduce_sum3A_34, %dma_start3A_40, %mul3A_2] : memref<100x64x4096xf32, #tpu.memory_space<hbm>> -> memref<1x64x128xf32, #tpu.memory_space<hbm>>
    %dma_start3A_42 = tpu.memref_squeeze %dma_start3A_41 : memref<1x64x128xf32, #tpu.memory_space<hbm>> -> memref<64x128xf32, #tpu.memory_space<hbm>>
    %dma_start3A_43 = arith.constant 0 : i32
    %dma_start3A_44 = arith.constant 0 : i32
    %dma_start3A_45 = tpu.memref_slice %arg6[%dma_start3A_35, %dma_start3A_43, %dma_start3A_44] : memref<15x64x128xf32, #tpu.memory_space<vmem>> -> memref<1x64x128xf32, #tpu.memory_space<vmem>>
    %dma_start3A_46 = tpu.memref_squeeze %dma_start3A_45 : memref<1x64x128xf32, #tpu.memory_space<vmem>> -> memref<64x128xf32, #tpu.memory_space<vmem>>
    %dma_start3A_47 = arith.constant 0 : i32
    %dma_start3A_48 = tpu.memref_slice %arg2[%reduce_sum3A_34, %dma_start3A_47, %mul3A_2] : memref<100x64x4096xf32, #tpu.memory_space<hbm>> -> memref<1x64x128xf32, #tpu.memory_space<hbm>>
    %dma_start3A_49 = tpu.memref_squeeze %dma_start3A_48 : memref<1x64x128xf32, #tpu.memory_space<hbm>> -> memref<64x128xf32, #tpu.memory_space<hbm>>
    tpu.enqueue_dma source(%dma_start3A_49 : memref<64x128xf32, #tpu.memory_space<hbm>>) target(%dma_start3A_46 : memref<64x128xf32, #tpu.memory_space<vmem>>) target_semaphore(%arg7 : memref<!tpu.dma_semaphore, #tpu.memory_space<semaphore_mem>>)
    %eq3A_50 = arith.constant 2 : i32
    %eq3A_51 = vector.broadcast %eq3A_50 : i32 to vector<16xi32>
    %eq3A_52 = arith.cmpi eq, %iota3A, %eq3A_51 : vector<16xi32>
    %jit3A_53 = arith.constant 0 : i32
    %broadcast_in_dim3A_54 = vector.broadcast %jit3A_53 : i32 to vector<16xi32>
    %select_n3A_55 = arith.select %eq3A_52, %get3A_3, %broadcast_in_dim3A_54 : vector<16xi1>, vector<16xi32>
    %reduce_sum3A_56 = arith.constant true
    %reduce_sum3A_57 = vector.broadcast %reduce_sum3A_56 : i1 to vector<16xi1>
    %reduce_sum3A_58 = tpu.scan <sum>, %select_n3A_55 masked %reduce_sum3A_57 : vector<16xi32>, vector<16xi1> -> vector<16xi32>
    %reduce_sum3A_59 = vector.extract %reduce_sum3A_58[15] : i32 from vector<16xi32>
    %dma_start3A_60 = arith.constant 2 : i32
    %dma_start3A_61 = arith.constant 0 : i32
    %dma_start3A_62 = arith.constant 0 : i32
    %dma_start3A_63 = tpu.memref_slice %arg6[%dma_start3A_60, %dma_start3A_61, %dma_start3A_62] : memref<15x64x128xf32, #tpu.memory_space<vmem>> -> memref<1x64x128xf32, #tpu.memory_space<vmem>>
    %dma_start3A_64 = tpu.memref_squeeze %dma_start3A_63 : memref<1x64x128xf32, #tpu.memory_space<vmem>> -> memref<64x128xf32, #tpu.memory_space<vmem>>
    %dma_start3A_65 = arith.constant 0 : i32
    %dma_start3A_66 = tpu.memref_slice %arg2[%reduce_sum3A_59, %dma_start3A_65, %mul3A_2] : memref<100x64x4096xf32, #tpu.memory_space<hbm>> -> memref<1x64x128xf32, #tpu.memory_space<hbm>>
    %dma_start3A_67 = tpu.memref_squeeze %dma_start3A_66 : memref<1x64x128xf32, #tpu.memory_space<hbm>> -> memref<64x128xf32, #tpu.memory_space<hbm>>
    %dma_start3A_68 = arith.constant 0 : i32
    %dma_start3A_69 = arith.constant 0 : i32
    %dma_start3A_70 = tpu.memref_slice %arg6[%dma_start3A_60, %dma_start3A_68, %dma_start3A_69] : memref<15x64x128xf32, #tpu.memory_space<vmem>> -> memref<1x64x128xf32, #tpu.memory_space<vmem>>
    %dma_start3A_71 = tpu.memref_squeeze %dma_start3A_70 : memref<1x64x128xf32, #tpu.memory_space<vmem>> -> memref<64x128xf32, #tpu.memory_space<vmem>>
    %dma_start3A_72 = arith.constant 0 : i32
    %dma_start3A_73 = tpu.memref_slice %arg2[%reduce_sum3A_59, %dma_start3A_72, %mul3A_2] : memref<100x64x4096xf32, #tpu.memory_space<hbm>> -> memref<1x64x128xf32, #tpu.memory_space<hbm>>
    %dma_start3A_74 = tpu.memref_squeeze %dma_start3A_73 : memref<1x64x128xf32, #tpu.memory_space<hbm>> -> memref<64x128xf32, #tpu.memory_space<hbm>>
    tpu.enqueue_dma source(%dma_start3A_74 : memref<64x128xf32, #tpu.memory_space<hbm>>) target(%dma_start3A_71 : memref<64x128xf32, #tpu.memory_space<vmem>>) target_semaphore(%arg7 : memref<!tpu.dma_semaphore, #tpu.memory_space<semaphore_mem>>)
    %eq3A_75 = arith.constant 3 : i32
    %eq3A_76 = vector.broadcast %eq3A_75 : i32 to vector<16xi32>
    %eq3A_77 = arith.cmpi eq, %iota3A, %eq3A_76 : vector<16xi32>
    %jit3A_78 = arith.constant 0 : i32
    %broadcast_in_dim3A_79 = vector.broadcast %jit3A_78 : i32 to vector<16xi32>
    %select_n3A_80 = arith.select %eq3A_77, %get3A_3, %broadcast_in_dim3A_79 : vector<16xi1>, vector<16xi32>
    %reduce_sum3A_81 = arith.constant true
    %reduce_sum3A_82 = vector.broadcast %reduce_sum3A_81 : i1 to vector<16xi1>
    %reduce_sum3A_83 = tpu.scan <sum>, %select_n3A_80 masked %reduce_sum3A_82 : vector<16xi32>, vector<16xi1> -> vector<16xi32>
    %reduce_sum3A_84 = vector.extract %reduce_sum3A_83[15] : i32 from vector<16xi32>
    %dma_start3A_85 = arith.constant 3 : i32
    %dma_start3A_86 = arith.constant 0 : i32
    %dma_start3A_87 = arith.constant 0 : i32
    %dma_start3A_88 = tpu.memref_slice %arg6[%dma_start3A_85, %dma_start3A_86, %dma_start3A_87] : memref<15x64x128xf32, #tpu.memory_space<vmem>> -> memref<1x64x128xf32, #tpu.memory_space<vmem>>
    %dma_start3A_89 = tpu.memref_squeeze %dma_start3A_88 : memref<1x64x128xf32, #tpu.memory_space<vmem>> -> memref<64x128xf32, #tpu.memory_space<vmem>>
    %dma_start3A_90 = arith.constant 0 : i32
    %dma_start3A_91 = tpu.memref_slice %arg2[%reduce_sum3A_84, %dma_start3A_90, %mul3A_2] : memref<100x64x4096xf32, #tpu.memory_space<hbm>> -> memref<1x64x128xf32, #tpu.memory_space<hbm>>
    %dma_start3A_92 = tpu.memref_squeeze %dma_start3A_91 : memref<1x64x128xf32, #tpu.memory_space<hbm>> -> memref<64x128xf32, #tpu.memory_space<hbm>>
    %dma_start3A_93 = arith.constant 0 : i32
    %dma_start3A_94 = arith.constant 0 : i32
    %dma_start3A_95 = tpu.memref_slice %arg6[%dma_start3A_85, %dma_start3A_93, %dma_start3A_94] : memref<15x64x128xf32, #tpu.memory_space<vmem>> -> memref<1x64x128xf32, #tpu.memory_space<vmem>>
    %dma_start3A_96 = tpu.memref_squeeze %dma_start3A_95 : memref<1x64x128xf32, #tpu.memory_space<vmem>> -> memref<64x128xf32, #tpu.memory_space<vmem>>
    %dma_start3A_97 = arith.constant 0 : i32
    %dma_start3A_98 = tpu.memref_slice %arg2[%reduce_sum3A_84, %dma_start3A_97, %mul3A_2] : memref<100x64x4096xf32, #tpu.memory_space<hbm>> -> memref<1x64x128xf32, #tpu.memory_space<hbm>>
    %dma_start3A_99 = tpu.memref_squeeze %dma_start3A_98 : memref<1x64x128xf32, #tpu.memory_space<hbm>> -> memref<64x128xf32, #tpu.memory_space<hbm>>
    tpu.enqueue_dma source(%dma_start3A_99 : memref<64x128xf32, #tpu.memory_space<hbm>>) target(%dma_start3A_96 : memref<64x128xf32, #tpu.memory_space<vmem>>) target_semaphore(%arg7 : memref<!tpu.dma_semaphore, #tpu.memory_space<semaphore_mem>>)
    %eq3A_100 = arith.constant 4 : i32
    %eq3A_101 = vector.broadcast %eq3A_100 : i32 to vector<16xi32>
    %eq3A_102 = arith.cmpi eq, %iota3A, %eq3A_101 : vector<16xi32>
    %jit3A_103 = arith.constant 0 : i32
    %broadcast_in_dim3A_104 = vector.broadcast %jit3A_103 : i32 to vector<16xi32>
    %select_n3A_105 = arith.select %eq3A_102, %get3A_3, %broadcast_in_dim3A_104 : vector<16xi1>, vector<16xi32>
    %reduce_sum3A_106 = arith.constant true
    %reduce_sum3A_107 = vector.broadcast %reduce_sum3A_106 : i1 to vector<16xi1>
    %reduce_sum3A_108 = tpu.scan <sum>, %select_n3A_105 masked %reduce_sum3A_107 : vector<16xi32>, vector<16xi1> -> vector<16xi32>
    %reduce_sum3A_109 = vector.extract %reduce_sum3A_108[15] : i32 from vector<16xi32>
    %dma_start3A_110 = arith.constant 4 : i32
    %dma_start3A_111 = arith.constant 0 : i32
    %dma_start3A_112 = arith.constant 0 : i32
    %dma_start3A_113 = tpu.memref_slice %arg6[%dma_start3A_110, %dma_start3A_111, %dma_start3A_112] : memref<15x64x128xf32, #tpu.memory_space<vmem>> -> memref<1x64x128xf32, #tpu.memory_space<vmem>>
    %dma_start3A_114 = tpu.memref_squeeze %dma_start3A_113 : memref<1x64x128xf32, #tpu.memory_space<vmem>> -> memref<64x128xf32, #tpu.memory_space<vmem>>
    %dma_start3A_115 = arith.constant 0 : i32
    %dma_start3A_116 = tpu.memref_slice %arg2[%reduce_sum3A_109, %dma_start3A_115, %mul3A_2] : memref<100x64x4096xf32, #tpu.memory_space<hbm>> -> memref<1x64x128xf32, #tpu.memory_space<hbm>>
    %dma_start3A_117 = tpu.memref_squeeze %dma_start3A_116 : memref<1x64x128xf32, #tpu.memory_space<hbm>> -> memref<64x128xf32, #tpu.memory_space<hbm>>
    %dma_start3A_118 = arith.constant 0 : i32
    %dma_start3A_119 = arith.constant 0 : i32
    %dma_start3A_120 = tpu.memref_slice %arg6[%dma_start3A_110, %dma_start3A_118, %dma_start3A_119] : memref<15x64x128xf32, #tpu.memory_space<vmem>> -> memref<1x64x128xf32, #tpu.memory_space<vmem>>
    %dma_start3A_121 = tpu.memref_squeeze %dma_start3A_120 : memref<1x64x128xf32, #tpu.memory_space<vmem>> -> memref<64x128xf32, #tpu.memory_space<vmem>>
    %dma_start3A_122 = arith.constant 0 : i32
    %dma_start3A_123 = tpu.memref_slice %arg2[%reduce_sum3A_109, %dma_start3A_122, %mul3A_2] : memref<100x64x4096xf32, #tpu.memory_space<hbm>> -> memref<1x64x128xf32, #tpu.memory_space<hbm>>
    %dma_start3A_124 = tpu.memref_squeeze %dma_start3A_123 : memref<1x64x128xf32, #tpu.memory_space<hbm>> -> memref<64x128xf32, #tpu.memory_space<hbm>>
    tpu.enqueue_dma source(%dma_start3A_124 : memref<64x128xf32, #tpu.memory_space<hbm>>) target(%dma_start3A_121 : memref<64x128xf32, #tpu.memory_space<vmem>>) target_semaphore(%arg7 : memref<!tpu.dma_semaphore, #tpu.memory_space<semaphore_mem>>)
    %eq3A_125 = arith.constant 5 : i32
    %eq3A_126 = vector.broadcast %eq3A_125 : i32 to vector<16xi32>
    %eq3A_127 = arith.cmpi eq, %iota3A, %eq3A_126 : vector<16xi32>
    %jit3A_128 = arith.constant 0 : i32
    %broadcast_in_dim3A_129 = vector.broadcast %jit3A_128 : i32 to vector<16xi32>
    %select_n3A_130 = arith.select %eq3A_127, %get3A_3, %broadcast_in_dim3A_129 : vector<16xi1>, vector<16xi32>
    %reduce_sum3A_131 = arith.constant true
    %reduce_sum3A_132 = vector.broadcast %reduce_sum3A_131 : i1 to vector<16xi1>
    %reduce_sum3A_133 = tpu.scan <sum>, %select_n3A_130 masked %reduce_sum3A_132 : vector<16xi32>, vector<16xi1> -> vector<16xi32>
    %reduce_sum3A_134 = vector.extract %reduce_sum3A_133[15] : i32 from vector<16xi32>
    %dma_start3A_135 = arith.constant 5 : i32
    %dma_start3A_136 = arith.constant 0 : i32
    %dma_start3A_137 = arith.constant 0 : i32
    %dma_start3A_138 = tpu.memref_slice %arg6[%dma_start3A_135, %dma_start3A_136, %dma_start3A_137] : memref<15x64x128xf32, #tpu.memory_space<vmem>> -> memref<1x64x128xf32, #tpu.memory_space<vmem>>
    %dma_start3A_139 = tpu.memref_squeeze %dma_start3A_138 : memref<1x64x128xf32, #tpu.memory_space<vmem>> -> memref<64x128xf32, #tpu.memory_space<vmem>>
    %dma_start3A_140 = arith.constant 0 : i32
    %dma_start3A_141 = tpu.memref_slice %arg2[%reduce_sum3A_134, %dma_start3A_140, %mul3A_2] : memref<100x64x4096xf32, #tpu.memory_space<hbm>> -> memref<1x64x128xf32, #tpu.memory_space<hbm>>
    %dma_start3A_142 = tpu.memref_squeeze %dma_start3A_141 : memref<1x64x128xf32, #tpu.memory_space<hbm>> -> memref<64x128xf32, #tpu.memory_space<hbm>>
    %dma_start3A_143 = arith.constant 0 : i32
    %dma_start3A_144 = arith.constant 0 : i32
    %dma_start3A_145 = tpu.memref_slice %arg6[%dma_start3A_135, %dma_start3A_143, %dma_start3A_144] : memref<15x64x128xf32, #tpu.memory_space<vmem>> -> memref<1x64x128xf32, #tpu.memory_space<vmem>>
    %dma_start3A_146 = tpu.memref_squeeze %dma_start3A_145 : memref<1x64x128xf32, #tpu.memory_space<vmem>> -> memref<64x128xf32, #tpu.memory_space<vmem>>
    %dma_start3A_147 = arith.constant 0 : i32
    %dma_start3A_148 = tpu.memref_slice %arg2[%reduce_sum3A_134, %dma_start3A_147, %mul3A_2] : memref<100x64x4096xf32, #tpu.memory_space<hbm>> -> memref<1x64x128xf32, #tpu.memory_space<hbm>>
    %dma_start3A_149 = tpu.memref_squeeze %dma_start3A_148 : memref<1x64x128xf32, #tpu.memory_space<hbm>> -> memref<64x128xf32, #tpu.memory_space<hbm>>
    tpu.enqueue_dma source(%dma_start3A_149 : memref<64x128xf32, #tpu.memory_space<hbm>>) target(%dma_start3A_146 : memref<64x128xf32, #tpu.memory_space<vmem>>) target_semaphore(%arg7 : memref<!tpu.dma_semaphore, #tpu.memory_space<semaphore_mem>>)
    %eq3A_150 = arith.constant 6 : i32
    %eq3A_151 = vector.broadcast %eq3A_150 : i32 to vector<16xi32>
    %eq3A_152 = arith.cmpi eq, %iota3A, %eq3A_151 : vector<16xi32>
    %jit3A_153 = arith.constant 0 : i32
    %broadcast_in_dim3A_154 = vector.broadcast %jit3A_153 : i32 to vector<16xi32>
    %select_n3A_155 = arith.select %eq3A_152, %get3A_3, %broadcast_in_dim3A_154 : vector<16xi1>, vector<16xi32>
    %reduce_sum3A_156 = arith.constant true
    %reduce_sum3A_157 = vector.broadcast %reduce_sum3A_156 : i1 to vector<16xi1>
    %reduce_sum3A_158 = tpu.scan <sum>, %select_n3A_155 masked %reduce_sum3A_157 : vector<16xi32>, vector<16xi1> -> vector<16xi32>
    %reduce_sum3A_159 = vector.extract %reduce_sum3A_158[15] : i32 from vector<16xi32>
    %dma_start3A_160 = arith.constant 6 : i32
    %dma_start3A_161 = arith.constant 0 : i32
    %dma_start3A_162 = arith.constant 0 : i32
    %dma_start3A_163 = tpu.memref_slice %arg6[%dma_start3A_160, %dma_start3A_161, %dma_start3A_162] : memref<15x64x128xf32, #tpu.memory_space<vmem>> -> memref<1x64x128xf32, #tpu.memory_space<vmem>>
    %dma_start3A_164 = tpu.memref_squeeze %dma_start3A_163 : memref<1x64x128xf32, #tpu.memory_space<vmem>> -> memref<64x128xf32, #tpu.memory_space<vmem>>
    %dma_start3A_165 = arith.constant 0 : i32
    %dma_start3A_166 = tpu.memref_slice %arg2[%reduce_sum3A_159, %dma_start3A_165, %mul3A_2] : memref<100x64x4096xf32, #tpu.memory_space<hbm>> -> memref<1x64x128xf32, #tpu.memory_space<hbm>>
    %dma_start3A_167 = tpu.memref_squeeze %dma_start3A_166 : memref<1x64x128xf32, #tpu.memory_space<hbm>> -> memref<64x128xf32, #tpu.memory_space<hbm>>
    %dma_start3A_168 = arith.constant 0 : i32
    %dma_start3A_169 = arith.constant 0 : i32
    %dma_start3A_170 = tpu.memref_slice %arg6[%dma_start3A_160, %dma_start3A_168, %dma_start3A_169] : memref<15x64x128xf32, #tpu.memory_space<vmem>> -> memref<1x64x128xf32, #tpu.memory_space<vmem>>
    %dma_start3A_171 = tpu.memref_squeeze %dma_start3A_170 : memref<1x64x128xf32, #tpu.memory_space<vmem>> -> memref<64x128xf32, #tpu.memory_space<vmem>>
    %dma_start3A_172 = arith.constant 0 : i32
    %dma_start3A_173 = tpu.memref_slice %arg2[%reduce_sum3A_159, %dma_start3A_172, %mul3A_2] : memref<100x64x4096xf32, #tpu.memory_space<hbm>> -> memref<1x64x128xf32, #tpu.memory_space<hbm>>
    %dma_start3A_174 = tpu.memref_squeeze %dma_start3A_173 : memref<1x64x128xf32, #tpu.memory_space<hbm>> -> memref<64x128xf32, #tpu.memory_space<hbm>>
    tpu.enqueue_dma source(%dma_start3A_174 : memref<64x128xf32, #tpu.memory_space<hbm>>) target(%dma_start3A_171 : memref<64x128xf32, #tpu.memory_space<vmem>>) target_semaphore(%arg7 : memref<!tpu.dma_semaphore, #tpu.memory_space<semaphore_mem>>)
    %eq3A_175 = arith.constant 7 : i32
    %eq3A_176 = vector.broadcast %eq3A_175 : i32 to vector<16xi32>
    %eq3A_177 = arith.cmpi eq, %iota3A, %eq3A_176 : vector<16xi32>
    %jit3A_178 = arith.constant 0 : i32
    %broadcast_in_dim3A_179 = vector.broadcast %jit3A_178 : i32 to vector<16xi32>
    %select_n3A_180 = arith.select %eq3A_177, %get3A_3, %broadcast_in_dim3A_179 : vector<16xi1>, vector<16xi32>
    %reduce_sum3A_181 = arith.constant true
    %reduce_sum3A_182 = vector.broadcast %reduce_sum3A_181 : i1 to vector<16xi1>
    %reduce_sum3A_183 = tpu.scan <sum>, %select_n3A_180 masked %reduce_sum3A_182 : vector<16xi32>, vector<16xi1> -> vector<16xi32>
    %reduce_sum3A_184 = vector.extract %reduce_sum3A_183[15] : i32 from vector<16xi32>
    %dma_start3A_185 = arith.constant 7 : i32
    %dma_start3A_186 = arith.constant 0 : i32
    %dma_start3A_187 = arith.constant 0 : i32
    %dma_start3A_188 = tpu.memref_slice %arg6[%dma_start3A_185, %dma_start3A_186, %dma_start3A_187] : memref<15x64x128xf32, #tpu.memory_space<vmem>> -> memref<1x64x128xf32, #tpu.memory_space<vmem>>
    %dma_start3A_189 = tpu.memref_squeeze %dma_start3A_188 : memref<1x64x128xf32, #tpu.memory_space<vmem>> -> memref<64x128xf32, #tpu.memory_space<vmem>>
    %dma_start3A_190 = arith.constant 0 : i32
    %dma_start3A_191 = tpu.memref_slice %arg2[%reduce_sum3A_184, %dma_start3A_190, %mul3A_2] : memref<100x64x4096xf32, #tpu.memory_space<hbm>> -> memref<1x64x128xf32, #tpu.memory_space<hbm>>
    %dma_start3A_192 = tpu.memref_squeeze %dma_start3A_191 : memref<1x64x128xf32, #tpu.memory_space<hbm>> -> memref<64x128xf32, #tpu.memory_space<hbm>>
    %dma_start3A_193 = arith.constant 0 : i32
    %dma_start3A_194 = arith.constant 0 : i32
    %dma_start3A_195 = tpu.memref_slice %arg6[%dma_start3A_185, %dma_start3A_193, %dma_start3A_194] : memref<15x64x128xf32, #tpu.memory_space<vmem>> -> memref<1x64x128xf32, #tpu.memory_space<vmem>>
    %dma_start3A_196 = tpu.memref_squeeze %dma_start3A_195 : memref<1x64x128xf32, #tpu.memory_space<vmem>> -> memref<64x128xf32, #tpu.memory_space<vmem>>
    %dma_start3A_197 = arith.constant 0 : i32
    %dma_start3A_198 = tpu.memref_slice %arg2[%reduce_sum3A_184, %dma_start3A_197, %mul3A_2] : memref<100x64x4096xf32, #tpu.memory_space<hbm>> -> memref<1x64x128xf32, #tpu.memory_space<hbm>>
    %dma_start3A_199 = tpu.memref_squeeze %dma_start3A_198 : memref<1x64x128xf32, #tpu.memory_space<hbm>> -> memref<64x128xf32, #tpu.memory_space<hbm>>
    tpu.enqueue_dma source(%dma_start3A_199 : memref<64x128xf32, #tpu.memory_space<hbm>>) target(%dma_start3A_196 : memref<64x128xf32, #tpu.memory_space<vmem>>) target_semaphore(%arg7 : memref<!tpu.dma_semaphore, #tpu.memory_space<semaphore_mem>>)
    %eq3A_200 = arith.constant 8 : i32
    %eq3A_201 = vector.broadcast %eq3A_200 : i32 to vector<16xi32>
    %eq3A_202 = arith.cmpi eq, %iota3A, %eq3A_201 : vector<16xi32>
    %jit3A_203 = arith.constant 0 : i32
    %broadcast_in_dim3A_204 = vector.broadcast %jit3A_203 : i32 to vector<16xi32>
    %select_n3A_205 = arith.select %eq3A_202, %get3A_3, %broadcast_in_dim3A_204 : vector<16xi1>, vector<16xi32>
    %reduce_sum3A_206 = arith.constant true
    %reduce_sum3A_207 = vector.broadcast %reduce_sum3A_206 : i1 to vector<16xi1>
    %reduce_sum3A_208 = tpu.scan <sum>, %select_n3A_205 masked %reduce_sum3A_207 : vector<16xi32>, vector<16xi1> -> vector<16xi32>
    %reduce_sum3A_209 = vector.extract %reduce_sum3A_208[15] : i32 from vector<16xi32>
    %dma_start3A_210 = arith.constant 8 : i32
    %dma_start3A_211 = arith.constant 0 : i32
    %dma_start3A_212 = arith.constant 0 : i32
    %dma_start3A_213 = tpu.memref_slice %arg6[%dma_start3A_210, %dma_start3A_211, %dma_start3A_212] : memref<15x64x128xf32, #tpu.memory_space<vmem>> -> memref<1x64x128xf32, #tpu.memory_space<vmem>>
    %dma_start3A_214 = tpu.memref_squeeze %dma_start3A_213 : memref<1x64x128xf32, #tpu.memory_space<vmem>> -> memref<64x128xf32, #tpu.memory_space<vmem>>
    %dma_start3A_215 = arith.constant 0 : i32
    %dma_start3A_216 = tpu.memref_slice %arg2[%reduce_sum3A_209, %dma_start3A_215, %mul3A_2] : memref<100x64x4096xf32, #tpu.memory_space<hbm>> -> memref<1x64x128xf32, #tpu.memory_space<hbm>>
    %dma_start3A_217 = tpu.memref_squeeze %dma_start3A_216 : memref<1x64x128xf32, #tpu.memory_space<hbm>> -> memref<64x128xf32, #tpu.memory_space<hbm>>
    %dma_start3A_218 = arith.constant 0 : i32
    %dma_start3A_219 = arith.constant 0 : i32
    %dma_start3A_220 = tpu.memref_slice %arg6[%dma_start3A_210, %dma_start3A_218, %dma_start3A_219] : memref<15x64x128xf32, #tpu.memory_space<vmem>> -> memref<1x64x128xf32, #tpu.memory_space<vmem>>
    %dma_start3A_221 = tpu.memref_squeeze %dma_start3A_220 : memref<1x64x128xf32, #tpu.memory_space<vmem>> -> memref<64x128xf32, #tpu.memory_space<vmem>>
    %dma_start3A_222 = arith.constant 0 : i32
    %dma_start3A_223 = tpu.memref_slice %arg2[%reduce_sum3A_209, %dma_start3A_222, %mul3A_2] : memref<100x64x4096xf32, #tpu.memory_space<hbm>> -> memref<1x64x128xf32, #tpu.memory_space<hbm>>
    %dma_start3A_224 = tpu.memref_squeeze %dma_start3A_223 : memref<1x64x128xf32, #tpu.memory_space<hbm>> -> memref<64x128xf32, #tpu.memory_space<hbm>>
    tpu.enqueue_dma source(%dma_start3A_224 : memref<64x128xf32, #tpu.memory_space<hbm>>) target(%dma_start3A_221 : memref<64x128xf32, #tpu.memory_space<vmem>>) target_semaphore(%arg7 : memref<!tpu.dma_semaphore, #tpu.memory_space<semaphore_mem>>)
    %eq3A_225 = arith.constant 9 : i32
    %eq3A_226 = vector.broadcast %eq3A_225 : i32 to vector<16xi32>
    %eq3A_227 = arith.cmpi eq, %iota3A, %eq3A_226 : vector<16xi32>
    %jit3A_228 = arith.constant 0 : i32
    %broadcast_in_dim3A_229 = vector.broadcast %jit3A_228 : i32 to vector<16xi32>
    %select_n3A_230 = arith.select %eq3A_227, %get3A_3, %broadcast_in_dim3A_229 : vector<16xi1>, vector<16xi32>
    %reduce_sum3A_231 = arith.constant true
    %reduce_sum3A_232 = vector.broadcast %reduce_sum3A_231 : i1 to vector<16xi1>
    %reduce_sum3A_233 = tpu.scan <sum>, %select_n3A_230 masked %reduce_sum3A_232 : vector<16xi32>, vector<16xi1> -> vector<16xi32>
    %reduce_sum3A_234 = vector.extract %reduce_sum3A_233[15] : i32 from vector<16xi32>
    %dma_start3A_235 = arith.constant 9 : i32
    %dma_start3A_236 = arith.constant 0 : i32
    %dma_start3A_237 = arith.constant 0 : i32
    %dma_start3A_238 = tpu.memref_slice %arg6[%dma_start3A_235, %dma_start3A_236, %dma_start3A_237] : memref<15x64x128xf32, #tpu.memory_space<vmem>> -> memref<1x64x128xf32, #tpu.memory_space<vmem>>
    %dma_start3A_239 = tpu.memref_squeeze %dma_start3A_238 : memref<1x64x128xf32, #tpu.memory_space<vmem>> -> memref<64x128xf32, #tpu.memory_space<vmem>>
    %dma_start3A_240 = arith.constant 0 : i32
    %dma_start3A_241 = tpu.memref_slice %arg2[%reduce_sum3A_234, %dma_start3A_240, %mul3A_2] : memref<100x64x4096xf32, #tpu.memory_space<hbm>> -> memref<1x64x128xf32, #tpu.memory_space<hbm>>
    %dma_start3A_242 = tpu.memref_squeeze %dma_start3A_241 : memref<1x64x128xf32, #tpu.memory_space<hbm>> -> memref<64x128xf32, #tpu.memory_space<hbm>>
    %dma_start3A_243 = arith.constant 0 : i32
    %dma_start3A_244 = arith.constant 0 : i32
    %dma_start3A_245 = tpu.memref_slice %arg6[%dma_start3A_235, %dma_start3A_243, %dma_start3A_244] : memref<15x64x128xf32, #tpu.memory_space<vmem>> -> memref<1x64x128xf32, #tpu.memory_space<vmem>>
    %dma_start3A_246 = tpu.memref_squeeze %dma_start3A_245 : memref<1x64x128xf32, #tpu.memory_space<vmem>> -> memref<64x128xf32, #tpu.memory_space<vmem>>
    %dma_start3A_247 = arith.constant 0 : i32
    %dma_start3A_248 = tpu.memref_slice %arg2[%reduce_sum3A_234, %dma_start3A_247, %mul3A_2] : memref<100x64x4096xf32, #tpu.memory_space<hbm>> -> memref<1x64x128xf32, #tpu.memory_space<hbm>>
    %dma_start3A_249 = tpu.memref_squeeze %dma_start3A_248 : memref<1x64x128xf32, #tpu.memory_space<hbm>> -> memref<64x128xf32, #tpu.memory_space<hbm>>
    tpu.enqueue_dma source(%dma_start3A_249 : memref<64x128xf32, #tpu.memory_space<hbm>>) target(%dma_start3A_246 : memref<64x128xf32, #tpu.memory_space<vmem>>) target_semaphore(%arg7 : memref<!tpu.dma_semaphore, #tpu.memory_space<semaphore_mem>>)
    %dma_wait3A = arith.constant 0 : i32
    %dma_wait3A_250 = arith.constant 0 : i32
    %dma_wait3A_251 = arith.constant 0 : i32
    %dma_wait3A_252 = tpu.memref_slice %arg6[%dma_wait3A, %dma_wait3A_250, %dma_wait3A_251] : memref<15x64x128xf32, #tpu.memory_space<vmem>> -> memref<1x64x128xf32, #tpu.memory_space<vmem>>
    %dma_wait3A_253 = tpu.memref_squeeze %dma_wait3A_252 : memref<1x64x128xf32, #tpu.memory_space<vmem>> -> memref<64x128xf32, #tpu.memory_space<vmem>>
    %dma_wait3A_254 = arith.constant 0 : i32
    %dma_wait3A_255 = tpu.memref_slice %arg2[%reduce_sum3A_10, %dma_wait3A_254, %mul3A_2] : memref<100x64x4096xf32, #tpu.memory_space<hbm>> -> memref<1x64x128xf32, #tpu.memory_space<hbm>>
    %dma_wait3A_256 = tpu.memref_squeeze %dma_wait3A_255 : memref<1x64x128xf32, #tpu.memory_space<hbm>> -> memref<64x128xf32, #tpu.memory_space<hbm>>
    %dma_wait3A_257 = arith.constant 0 : i32
    %dma_wait3A_258 = arith.constant 0 : i32
    %dma_wait3A_259 = tpu.memref_slice %arg6[%dma_wait3A, %dma_wait3A_257, %dma_wait3A_258] : memref<15x64x128xf32, #tpu.memory_space<vmem>> -> memref<1x64x128xf32, #tpu.memory_space<vmem>>
    %dma_wait3A_260 = tpu.memref_squeeze %dma_wait3A_259 : memref<1x64x128xf32, #tpu.memory_space<vmem>> -> memref<64x128xf32, #tpu.memory_space<vmem>>
    %dma_wait3A_261 = arith.constant 0 : i32
    %dma_wait3A_262 = tpu.memref_slice %arg2[%reduce_sum3A_10, %dma_wait3A_261, %mul3A_2] : memref<100x64x4096xf32, #tpu.memory_space<hbm>> -> memref<1x64x128xf32, #tpu.memory_space<hbm>>
    %dma_wait3A_263 = tpu.memref_squeeze %dma_wait3A_262 : memref<1x64x128xf32, #tpu.memory_space<hbm>> -> memref<64x128xf32, #tpu.memory_space<hbm>>
    tpu.wait_dma2 semaphore(%arg7 : memref<!tpu.dma_semaphore, #tpu.memory_space<semaphore_mem>>) src(%dma_wait3A_263 : memref<64x128xf32, #tpu.memory_space<hbm>>) dst(%dma_wait3A_260 : memref<64x128xf32, #tpu.memory_space<vmem>>)
    %dma_start3A_264 = arith.constant 0 : i32
    %dma_start3A_265 = arith.constant 0 : i32
    %dma_start3A_266 = arith.constant 0 : i32
    %dma_start3A_267 = arith.constant 0 : i32
    %dma_start3A_268 = tpu.memref_slice %arg6[%dma_start3A_264, %dma_start3A_266, %dma_start3A_267] : memref<15x64x128xf32, #tpu.memory_space<vmem>> -> memref<1x64x128xf32, #tpu.memory_space<vmem>>
    %dma_start3A_269 = tpu.memref_squeeze %dma_start3A_268 : memref<1x64x128xf32, #tpu.memory_space<vmem>> -> memref<64x128xf32, #tpu.memory_space<vmem>>
    %dma_start3A_270 = arith.constant 0 : i32
    %dma_start3A_271 = tpu.memref_slice %arg4[%dma_start3A_265, %dma_start3A_270, %mul3A_2] : memref<26x64x4096xf32, #tpu.memory_space<hbm>> -> memref<1x64x128xf32, #tpu.memory_space<hbm>>
    %dma_start3A_272 = tpu.memref_squeeze %dma_start3A_271 : memref<1x64x128xf32, #tpu.memory_space<hbm>> -> memref<64x128xf32, #tpu.memory_space<hbm>>
    %dma_start3A_273 = arith.constant 0 : i32
    %dma_start3A_274 = tpu.memref_slice %arg4[%dma_start3A_265, %dma_start3A_273, %mul3A_2] : memref<26x64x4096xf32, #tpu.memory_space<hbm>> -> memref<1x64x128xf32, #tpu.memory_space<hbm>>
    %dma_start3A_275 = tpu.memref_squeeze %dma_start3A_274 : memref<1x64x128xf32, #tpu.memory_space<hbm>> -> memref<64x128xf32, #tpu.memory_space<hbm>>
    %dma_start3A_276 = arith.constant 0 : i32
    %dma_start3A_277 = arith.constant 0 : i32
    %dma_start3A_278 = tpu.memref_slice %arg6[%dma_start3A_264, %dma_start3A_276, %dma_start3A_277] : memref<15x64x128xf32, #tpu.memory_space<vmem>> -> memref<1x64x128xf32, #tpu.memory_space<vmem>>
    %dma_start3A_279 = tpu.memref_squeeze %dma_start3A_278 : memref<1x64x128xf32, #tpu.memory_space<vmem>> -> memref<64x128xf32, #tpu.memory_space<vmem>>
    tpu.enqueue_dma source(%dma_start3A_279 : memref<64x128xf32, #tpu.memory_space<vmem>>) target(%dma_start3A_275 : memref<64x128xf32, #tpu.memory_space<hbm>>) target_semaphore(%arg8 : memref<!tpu.dma_semaphore, #tpu.memory_space<semaphore_mem>>)
    %eq3A_280 = arith.constant 10 : i32
    %eq3A_281 = vector.broadcast %eq3A_280 : i32 to vector<16xi32>
    %eq3A_282 = arith.cmpi eq, %iota3A, %eq3A_281 : vector<16xi32>
    %jit3A_283 = arith.constant 0 : i32
    %broadcast_in_dim3A_284 = vector.broadcast %jit3A_283 : i32 to vector<16xi32>
    %select_n3A_285 = arith.select %eq3A_282, %get3A_3, %broadcast_in_dim3A_284 : vector<16xi1>, vector<16xi32>
    %reduce_sum3A_286 = arith.constant true
    %reduce_sum3A_287 = vector.broadcast %reduce_sum3A_286 : i1 to vector<16xi1>
    %reduce_sum3A_288 = tpu.scan <sum>, %select_n3A_285 masked %reduce_sum3A_287 : vector<16xi32>, vector<16xi1> -> vector<16xi32>
    %reduce_sum3A_289 = vector.extract %reduce_sum3A_288[15] : i32 from vector<16xi32>
    %dma_start3A_290 = arith.constant 10 : i32
    %dma_start3A_291 = arith.constant 0 : i32
    %dma_start3A_292 = arith.constant 0 : i32
    %dma_start3A_293 = tpu.memref_slice %arg6[%dma_start3A_290, %dma_start3A_291, %dma_start3A_292] : memref<15x64x128xf32, #tpu.memory_space<vmem>> -> memref<1x64x128xf32, #tpu.memory_space<vmem>>
    %dma_start3A_294 = tpu.memref_squeeze %dma_start3A_293 : memref<1x64x128xf32, #tpu.memory_space<vmem>> -> memref<64x128xf32, #tpu.memory_space<vmem>>
    %dma_start3A_295 = arith.constant 0 : i32
    %dma_start3A_296 = tpu.memref_slice %arg2[%reduce_sum3A_289, %dma_start3A_295, %mul3A_2] : memref<100x64x4096xf32, #tpu.memory_space<hbm>> -> memref<1x64x128xf32, #tpu.memory_space<hbm>>
    %dma_start3A_297 = tpu.memref_squeeze %dma_start3A_296 : memref<1x64x128xf32, #tpu.memory_space<hbm>> -> memref<64x128xf32, #tpu.memory_space<hbm>>
    %dma_start3A_298 = arith.constant 0 : i32
    %dma_start3A_299 = arith.constant 0 : i32
    %dma_start3A_300 = tpu.memref_slice %arg6[%dma_start3A_290, %dma_start3A_298, %dma_start3A_299] : memref<15x64x128xf32, #tpu.memory_space<vmem>> -> memref<1x64x128xf32, #tpu.memory_space<vmem>>
    %dma_start3A_301 = tpu.memref_squeeze %dma_start3A_300 : memref<1x64x128xf32, #tpu.memory_space<vmem>> -> memref<64x128xf32, #tpu.memory_space<vmem>>
    %dma_start3A_302 = arith.constant 0 : i32
    %dma_start3A_303 = tpu.memref_slice %arg2[%reduce_sum3A_289, %dma_start3A_302, %mul3A_2] : memref<100x64x4096xf32, #tpu.memory_space<hbm>> -> memref<1x64x128xf32, #tpu.memory_space<hbm>>
    %dma_start3A_304 = tpu.memref_squeeze %dma_start3A_303 : memref<1x64x128xf32, #tpu.memory_space<hbm>> -> memref<64x128xf32, #tpu.memory_space<hbm>>
    tpu.enqueue_dma source(%dma_start3A_304 : memref<64x128xf32, #tpu.memory_space<hbm>>) target(%dma_start3A_301 : memref<64x128xf32, #tpu.memory_space<vmem>>) target_semaphore(%arg7 : memref<!tpu.dma_semaphore, #tpu.memory_space<semaphore_mem>>)
    %dma_wait3A_305 = arith.constant 1 : i32
    %dma_wait3A_306 = arith.constant 0 : i32
    %dma_wait3A_307 = arith.constant 0 : i32
    %dma_wait3A_308 = tpu.memref_slice %arg6[%dma_wait3A_305, %dma_wait3A_306, %dma_wait3A_307] : memref<15x64x128xf32, #tpu.memory_space<vmem>> -> memref<1x64x128xf32, #tpu.memory_space<vmem>>
    %dma_wait3A_309 = tpu.memref_squeeze %dma_wait3A_308 : memref<1x64x128xf32, #tpu.memory_space<vmem>> -> memref<64x128xf32, #tpu.memory_space<vmem>>
    %dma_wait3A_310 = arith.constant 0 : i32
    %dma_wait3A_311 = tpu.memref_slice %arg2[%reduce_sum3A_34, %dma_wait3A_310, %mul3A_2] : memref<100x64x4096xf32, #tpu.memory_space<hbm>> -> memref<1x64x128xf32, #tpu.memory_space<hbm>>
    %dma_wait3A_312 = tpu.memref_squeeze %dma_wait3A_311 : memref<1x64x128xf32, #tpu.memory_space<hbm>> -> memref<64x128xf32, #tpu.memory_space<hbm>>
    %dma_wait3A_313 = arith.constant 0 : i32
    %dma_wait3A_314 = arith.constant 0 : i32
    %dma_wait3A_315 = tpu.memref_slice %arg6[%dma_wait3A_305, %dma_wait3A_313, %dma_wait3A_314] : memref<15x64x128xf32, #tpu.memory_space<vmem>> -> memref<1x64x128xf32, #tpu.memory_space<vmem>>
    %dma_wait3A_316 = tpu.memref_squeeze %dma_wait3A_315 : memref<1x64x128xf32, #tpu.memory_space<vmem>> -> memref<64x128xf32, #tpu.memory_space<vmem>>
    %dma_wait3A_317 = arith.constant 0 : i32
    %dma_wait3A_318 = tpu.memref_slice %arg2[%reduce_sum3A_34, %dma_wait3A_317, %mul3A_2] : memref<100x64x4096xf32, #tpu.memory_space<hbm>> -> memref<1x64x128xf32, #tpu.memory_space<hbm>>
    %dma_wait3A_319 = tpu.memref_squeeze %dma_wait3A_318 : memref<1x64x128xf32, #tpu.memory_space<hbm>> -> memref<64x128xf32, #tpu.memory_space<hbm>>
    tpu.wait_dma2 semaphore(%arg7 : memref<!tpu.dma_semaphore, #tpu.memory_space<semaphore_mem>>) src(%dma_wait3A_319 : memref<64x128xf32, #tpu.memory_space<hbm>>) dst(%dma_wait3A_316 : memref<64x128xf32, #tpu.memory_space<vmem>>)
    %dma_start3A_320 = arith.constant 1 : i32
    %dma_start3A_321 = arith.constant 1 : i32
    %dma_start3A_322 = arith.constant 0 : i32
    %dma_start3A_323 = arith.constant 0 : i32
    %dma_start3A_324 = tpu.memref_slice %arg6[%dma_start3A_320, %dma_start3A_322, %dma_start3A_323] : memref<15x64x128xf32, #tpu.memory_space<vmem>> -> memref<1x64x128xf32, #tpu.memory_space<vmem>>
    %dma_start3A_325 = tpu.memref_squeeze %dma_start3A_324 : memref<1x64x128xf32, #tpu.memory_space<vmem>> -> memref<64x128xf32, #tpu.memory_space<vmem>>
    %dma_start3A_326 = arith.constant 0 : i32
    %dma_start3A_327 = tpu.memref_slice %arg4[%dma_start3A_321, %dma_start3A_326, %mul3A_2] : memref<26x64x4096xf32, #tpu.memory_space<hbm>> -> memref<1x64x128xf32, #tpu.memory_space<hbm>>
    %dma_start3A_328 = tpu.memref_squeeze %dma_start3A_327 : memref<1x64x128xf32, #tpu.memory_space<hbm>> -> memref<64x128xf32, #tpu.memory_space<hbm>>
    %dma_start3A_329 = arith.constant 0 : i32
    %dma_start3A_330 = tpu.memref_slice %arg4[%dma_start3A_321, %dma_start3A_329, %mul3A_2] : memref<26x64x4096xf32, #tpu.memory_space<hbm>> -> memref<1x64x128xf32, #tpu.memory_space<hbm>>
    %dma_start3A_331 = tpu.memref_squeeze %dma_start3A_330 : memref<1x64x128xf32, #tpu.memory_space<hbm>> -> memref<64x128xf32, #tpu.memory_space<hbm>>
    %dma_start3A_332 = arith.constant 0 : i32
    %dma_start3A_333 = arith.constant 0 : i32
    %dma_start3A_334 = tpu.memref_slice %arg6[%dma_start3A_320, %dma_start3A_332, %dma_start3A_333] : memref<15x64x128xf32, #tpu.memory_space<vmem>> -> memref<1x64x128xf32, #tpu.memory_space<vmem>>
    %dma_start3A_335 = tpu.memref_squeeze %dma_start3A_334 : memref<1x64x128xf32, #tpu.memory_space<vmem>> -> memref<64x128xf32, #tpu.memory_space<vmem>>
    tpu.enqueue_dma source(%dma_start3A_335 : memref<64x128xf32, #tpu.memory_space<vmem>>) target(%dma_start3A_331 : memref<64x128xf32, #tpu.memory_space<hbm>>) target_semaphore(%arg8 : memref<!tpu.dma_semaphore, #tpu.memory_space<semaphore_mem>>)
    %eq3A_336 = arith.constant 11 : i32
    %eq3A_337 = vector.broadcast %eq3A_336 : i32 to vector<16xi32>
    %eq3A_338 = arith.cmpi eq, %iota3A, %eq3A_337 : vector<16xi32>
    %jit3A_339 = arith.constant 0 : i32
    %broadcast_in_dim3A_340 = vector.broadcast %jit3A_339 : i32 to vector<16xi32>
    %select_n3A_341 = arith.select %eq3A_338, %get3A_3, %broadcast_in_dim3A_340 : vector<16xi1>, vector<16xi32>
    %reduce_sum3A_342 = arith.constant true
    %reduce_sum3A_343 = vector.broadcast %reduce_sum3A_342 : i1 to vector<16xi1>
    %reduce_sum3A_344 = tpu.scan <sum>, %select_n3A_341 masked %reduce_sum3A_343 : vector<16xi32>, vector<16xi1> -> vector<16xi32>
    %reduce_sum3A_345 = vector.extract %reduce_sum3A_344[15] : i32 from vector<16xi32>
    %dma_start3A_346 = arith.constant 11 : i32
    %dma_start3A_347 = arith.constant 0 : i32
    %dma_start3A_348 = arith.constant 0 : i32
    %dma_start3A_349 = tpu.memref_slice %arg6[%dma_start3A_346, %dma_start3A_347, %dma_start3A_348] : memref<15x64x128xf32, #tpu.memory_space<vmem>> -> memref<1x64x128xf32, #tpu.memory_space<vmem>>
    %dma_start3A_350 = tpu.memref_squeeze %dma_start3A_349 : memref<1x64x128xf32, #tpu.memory_space<vmem>> -> memref<64x128xf32, #tpu.memory_space<vmem>>
    %dma_start3A_351 = arith.constant 0 : i32
    %dma_start3A_352 = tpu.memref_slice %arg2[%reduce_sum3A_345, %dma_start3A_351, %mul3A_2] : memref<100x64x4096xf32, #tpu.memory_space<hbm>> -> memref<1x64x128xf32, #tpu.memory_space<hbm>>
    %dma_start3A_353 = tpu.memref_squeeze %dma_start3A_352 : memref<1x64x128xf32, #tpu.memory_space<hbm>> -> memref<64x128xf32, #tpu.memory_space<hbm>>
    %dma_start3A_354 = arith.constant 0 : i32
    %dma_start3A_355 = arith.constant 0 : i32
    %dma_start3A_356 = tpu.memref_slice %arg6[%dma_start3A_346, %dma_start3A_354, %dma_start3A_355] : memref<15x64x128xf32, #tpu.memory_space<vmem>> -> memref<1x64x128xf32, #tpu.memory_space<vmem>>
    %dma_start3A_357 = tpu.memref_squeeze %dma_start3A_356 : memref<1x64x128xf32, #tpu.memory_space<vmem>> -> memref<64x128xf32, #tpu.memory_space<vmem>>
    %dma_start3A_358 = arith.constant 0 : i32
    %dma_start3A_359 = tpu.memref_slice %arg2[%reduce_sum3A_345, %dma_start3A_358, %mul3A_2] : memref<100x64x4096xf32, #tpu.memory_space<hbm>> -> memref<1x64x128xf32, #tpu.memory_space<hbm>>
    %dma_start3A_360 = tpu.memref_squeeze %dma_start3A_359 : memref<1x64x128xf32, #tpu.memory_space<hbm>> -> memref<64x128xf32, #tpu.memory_space<hbm>>
    tpu.enqueue_dma source(%dma_start3A_360 : memref<64x128xf32, #tpu.memory_space<hbm>>) target(%dma_start3A_357 : memref<64x128xf32, #tpu.memory_space<vmem>>) target_semaphore(%arg7 : memref<!tpu.dma_semaphore, #tpu.memory_space<semaphore_mem>>)
    %dma_wait3A_361 = arith.constant 2 : i32
    %dma_wait3A_362 = arith.constant 0 : i32
    %dma_wait3A_363 = arith.constant 0 : i32
    %dma_wait3A_364 = tpu.memref_slice %arg6[%dma_wait3A_361, %dma_wait3A_362, %dma_wait3A_363] : memref<15x64x128xf32, #tpu.memory_space<vmem>> -> memref<1x64x128xf32, #tpu.memory_space<vmem>>
    %dma_wait3A_365 = tpu.memref_squeeze %dma_wait3A_364 : memref<1x64x128xf32, #tpu.memory_space<vmem>> -> memref<64x128xf32, #tpu.memory_space<vmem>>
    %dma_wait3A_366 = arith.constant 0 : i32
    %dma_wait3A_367 = tpu.memref_slice %arg2[%reduce_sum3A_59, %dma_wait3A_366, %mul3A_2] : memref<100x64x4096xf32, #tpu.memory_space<hbm>> -> memref<1x64x128xf32, #tpu.memory_space<hbm>>
    %dma_wait3A_368 = tpu.memref_squeeze %dma_wait3A_367 : memref<1x64x128xf32, #tpu.memory_space<hbm>> -> memref<64x128xf32, #tpu.memory_space<hbm>>
    %dma_wait3A_369 = arith.constant 0 : i32
    %dma_wait3A_370 = arith.constant 0 : i32
    %dma_wait3A_371 = tpu.memref_slice %arg6[%dma_wait3A_361, %dma_wait3A_369, %dma_wait3A_370] : memref<15x64x128xf32, #tpu.memory_space<vmem>> -> memref<1x64x128xf32, #tpu.memory_space<vmem>>
    %dma_wait3A_372 = tpu.memref_squeeze %dma_wait3A_371 : memref<1x64x128xf32, #tpu.memory_space<vmem>> -> memref<64x128xf32, #tpu.memory_space<vmem>>
    %dma_wait3A_373 = arith.constant 0 : i32
    %dma_wait3A_374 = tpu.memref_slice %arg2[%reduce_sum3A_59, %dma_wait3A_373, %mul3A_2] : memref<100x64x4096xf32, #tpu.memory_space<hbm>> -> memref<1x64x128xf32, #tpu.memory_space<hbm>>
    %dma_wait3A_375 = tpu.memref_squeeze %dma_wait3A_374 : memref<1x64x128xf32, #tpu.memory_space<hbm>> -> memref<64x128xf32, #tpu.memory_space<hbm>>
    tpu.wait_dma2 semaphore(%arg7 : memref<!tpu.dma_semaphore, #tpu.memory_space<semaphore_mem>>) src(%dma_wait3A_375 : memref<64x128xf32, #tpu.memory_space<hbm>>) dst(%dma_wait3A_372 : memref<64x128xf32, #tpu.memory_space<vmem>>)
    %dma_start3A_376 = arith.constant 2 : i32
    %dma_start3A_377 = arith.constant 2 : i32
    %dma_start3A_378 = arith.constant 0 : i32
    %dma_start3A_379 = arith.constant 0 : i32
    %dma_start3A_380 = tpu.memref_slice %arg6[%dma_start3A_376, %dma_start3A_378, %dma_start3A_379] : memref<15x64x128xf32, #tpu.memory_space<vmem>> -> memref<1x64x128xf32, #tpu.memory_space<vmem>>
    %dma_start3A_381 = tpu.memref_squeeze %dma_start3A_380 : memref<1x64x128xf32, #tpu.memory_space<vmem>> -> memref<64x128xf32, #tpu.memory_space<vmem>>
    %dma_start3A_382 = arith.constant 0 : i32
    %dma_start3A_383 = tpu.memref_slice %arg4[%dma_start3A_377, %dma_start3A_382, %mul3A_2] : memref<26x64x4096xf32, #tpu.memory_space<hbm>> -> memref<1x64x128xf32, #tpu.memory_space<hbm>>
    %dma_start3A_384 = tpu.memref_squeeze %dma_start3A_383 : memref<1x64x128xf32, #tpu.memory_space<hbm>> -> memref<64x128xf32, #tpu.memory_space<hbm>>
    %dma_start3A_385 = arith.constant 0 : i32
    %dma_start3A_386 = tpu.memref_slice %arg4[%dma_start3A_377, %dma_start3A_385, %mul3A_2] : memref<26x64x4096xf32, #tpu.memory_space<hbm>> -> memref<1x64x128xf32, #tpu.memory_space<hbm>>
    %dma_start3A_387 = tpu.memref_squeeze %dma_start3A_386 : memref<1x64x128xf32, #tpu.memory_space<hbm>> -> memref<64x128xf32, #tpu.memory_space<hbm>>
    %dma_start3A_388 = arith.constant 0 : i32
    %dma_start3A_389 = arith.constant 0 : i32
    %dma_start3A_390 = tpu.memref_slice %arg6[%dma_start3A_376, %dma_start3A_388, %dma_start3A_389] : memref<15x64x128xf32, #tpu.memory_space<vmem>> -> memref<1x64x128xf32, #tpu.memory_space<vmem>>
    %dma_start3A_391 = tpu.memref_squeeze %dma_start3A_390 : memref<1x64x128xf32, #tpu.memory_space<vmem>> -> memref<64x128xf32, #tpu.memory_space<vmem>>
    tpu.enqueue_dma source(%dma_start3A_391 : memref<64x128xf32, #tpu.memory_space<vmem>>) target(%dma_start3A_387 : memref<64x128xf32, #tpu.memory_space<hbm>>) target_semaphore(%arg8 : memref<!tpu.dma_semaphore, #tpu.memory_space<semaphore_mem>>)
    %eq3A_392 = arith.constant 12 : i32
    %eq3A_393 = vector.broadcast %eq3A_392 : i32 to vector<16xi32>
    %eq3A_394 = arith.cmpi eq, %iota3A, %eq3A_393 : vector<16xi32>
    %jit3A_395 = arith.constant 0 : i32
    %broadcast_in_dim3A_396 = vector.broadcast %jit3A_395 : i32 to vector<16xi32>
    %select_n3A_397 = arith.select %eq3A_394, %get3A_3, %broadcast_in_dim3A_396 : vector<16xi1>, vector<16xi32>
    %reduce_sum3A_398 = arith.constant true
    %reduce_sum3A_399 = vector.broadcast %reduce_sum3A_398 : i1 to vector<16xi1>
    %reduce_sum3A_400 = tpu.scan <sum>, %select_n3A_397 masked %reduce_sum3A_399 : vector<16xi32>, vector<16xi1> -> vector<16xi32>
    %reduce_sum3A_401 = vector.extract %reduce_sum3A_400[15] : i32 from vector<16xi32>
    %dma_start3A_402 = arith.constant 12 : i32
    %dma_start3A_403 = arith.constant 0 : i32
    %dma_start3A_404 = arith.constant 0 : i32
    %dma_start3A_405 = tpu.memref_slice %arg6[%dma_start3A_402, %dma_start3A_403, %dma_start3A_404] : memref<15x64x128xf32, #tpu.memory_space<vmem>> -> memref<1x64x128xf32, #tpu.memory_space<vmem>>
    %dma_start3A_406 = tpu.memref_squeeze %dma_start3A_405 : memref<1x64x128xf32, #tpu.memory_space<vmem>> -> memref<64x128xf32, #tpu.memory_space<vmem>>
    %dma_start3A_407 = arith.constant 0 : i32
    %dma_start3A_408 = tpu.memref_slice %arg2[%reduce_sum3A_401, %dma_start3A_407, %mul3A_2] : memref<100x64x4096xf32, #tpu.memory_space<hbm>> -> memref<1x64x128xf32, #tpu.memory_space<hbm>>
    %dma_start3A_409 = tpu.memref_squeeze %dma_start3A_408 : memref<1x64x128xf32, #tpu.memory_space<hbm>> -> memref<64x128xf32, #tpu.memory_space<hbm>>
    %dma_start3A_410 = arith.constant 0 : i32
    %dma_start3A_411 = arith.constant 0 : i32
    %dma_start3A_412 = tpu.memref_slice %arg6[%dma_start3A_402, %dma_start3A_410, %dma_start3A_411] : memref<15x64x128xf32, #tpu.memory_space<vmem>> -> memref<1x64x128xf32, #tpu.memory_space<vmem>>
    %dma_start3A_413 = tpu.memref_squeeze %dma_start3A_412 : memref<1x64x128xf32, #tpu.memory_space<vmem>> -> memref<64x128xf32, #tpu.memory_space<vmem>>
    %dma_start3A_414 = arith.constant 0 : i32
    %dma_start3A_415 = tpu.memref_slice %arg2[%reduce_sum3A_401, %dma_start3A_414, %mul3A_2] : memref<100x64x4096xf32, #tpu.memory_space<hbm>> -> memref<1x64x128xf32, #tpu.memory_space<hbm>>
    %dma_start3A_416 = tpu.memref_squeeze %dma_start3A_415 : memref<1x64x128xf32, #tpu.memory_space<hbm>> -> memref<64x128xf32, #tpu.memory_space<hbm>>
    tpu.enqueue_dma source(%dma_start3A_416 : memref<64x128xf32, #tpu.memory_space<hbm>>) target(%dma_start3A_413 : memref<64x128xf32, #tpu.memory_space<vmem>>) target_semaphore(%arg7 : memref<!tpu.dma_semaphore, #tpu.memory_space<semaphore_mem>>)
    %dma_wait3A_417 = arith.constant 3 : i32
    %dma_wait3A_418 = arith.constant 0 : i32
    %dma_wait3A_419 = arith.constant 0 : i32
    %dma_wait3A_420 = tpu.memref_slice %arg6[%dma_wait3A_417, %dma_wait3A_418, %dma_wait3A_419] : memref<15x64x128xf32, #tpu.memory_space<vmem>> -> memref<1x64x128xf32, #tpu.memory_space<vmem>>
    %dma_wait3A_421 = tpu.memref_squeeze %dma_wait3A_420 : memref<1x64x128xf32, #tpu.memory_space<vmem>> -> memref<64x128xf32, #tpu.memory_space<vmem>>
    %dma_wait3A_422 = arith.constant 0 : i32
    %dma_wait3A_423 = tpu.memref_slice %arg2[%reduce_sum3A_84, %dma_wait3A_422, %mul3A_2] : memref<100x64x4096xf32, #tpu.memory_space<hbm>> -> memref<1x64x128xf32, #tpu.memory_space<hbm>>
    %dma_wait3A_424 = tpu.memref_squeeze %dma_wait3A_423 : memref<1x64x128xf32, #tpu.memory_space<hbm>> -> memref<64x128xf32, #tpu.memory_space<hbm>>
    %dma_wait3A_425 = arith.constant 0 : i32
    %dma_wait3A_426 = arith.constant 0 : i32
    %dma_wait3A_427 = tpu.memref_slice %arg6[%dma_wait3A_417, %dma_wait3A_425, %dma_wait3A_426] : memref<15x64x128xf32, #tpu.memory_space<vmem>> -> memref<1x64x128xf32, #tpu.memory_space<vmem>>
    %dma_wait3A_428 = tpu.memref_squeeze %dma_wait3A_427 : memref<1x64x128xf32, #tpu.memory_space<vmem>> -> memref<64x128xf32, #tpu.memory_space<vmem>>
    %dma_wait3A_429 = arith.constant 0 : i32
    %dma_wait3A_430 = tpu.memref_slice %arg2[%reduce_sum3A_84, %dma_wait3A_429, %mul3A_2] : memref<100x64x4096xf32, #tpu.memory_space<hbm>> -> memref<1x64x128xf32, #tpu.memory_space<hbm>>
    %dma_wait3A_431 = tpu.memref_squeeze %dma_wait3A_430 : memref<1x64x128xf32, #tpu.memory_space<hbm>> -> memref<64x128xf32, #tpu.memory_space<hbm>>
    tpu.wait_dma2 semaphore(%arg7 : memref<!tpu.dma_semaphore, #tpu.memory_space<semaphore_mem>>) src(%dma_wait3A_431 : memref<64x128xf32, #tpu.memory_space<hbm>>) dst(%dma_wait3A_428 : memref<64x128xf32, #tpu.memory_space<vmem>>)
    %dma_start3A_432 = arith.constant 3 : i32
    %dma_start3A_433 = arith.constant 3 : i32
    %dma_start3A_434 = arith.constant 0 : i32
    %dma_start3A_435 = arith.constant 0 : i32
    %dma_start3A_436 = tpu.memref_slice %arg6[%dma_start3A_432, %dma_start3A_434, %dma_start3A_435] : memref<15x64x128xf32, #tpu.memory_space<vmem>> -> memref<1x64x128xf32, #tpu.memory_space<vmem>>
    %dma_start3A_437 = tpu.memref_squeeze %dma_start3A_436 : memref<1x64x128xf32, #tpu.memory_space<vmem>> -> memref<64x128xf32, #tpu.memory_space<vmem>>
    %dma_start3A_438 = arith.constant 0 : i32
    %dma_start3A_439 = tpu.memref_slice %arg4[%dma_start3A_433, %dma_start3A_438, %mul3A_2] : memref<26x64x4096xf32, #tpu.memory_space<hbm>> -> memref<1x64x128xf32, #tpu.memory_space<hbm>>
    %dma_start3A_440 = tpu.memref_squeeze %dma_start3A_439 : memref<1x64x128xf32, #tpu.memory_space<hbm>> -> memref<64x128xf32, #tpu.memory_space<hbm>>
    %dma_start3A_441 = arith.constant 0 : i32
    %dma_start3A_442 = tpu.memref_slice %arg4[%dma_start3A_433, %dma_start3A_441, %mul3A_2] : memref<26x64x4096xf32, #tpu.memory_space<hbm>> -> memref<1x64x128xf32, #tpu.memory_space<hbm>>
    %dma_start3A_443 = tpu.memref_squeeze %dma_start3A_442 : memref<1x64x128xf32, #tpu.memory_space<hbm>> -> memref<64x128xf32, #tpu.memory_space<hbm>>
    %dma_start3A_444 = arith.constant 0 : i32
    %dma_start3A_445 = arith.constant 0 : i32
    %dma_start3A_446 = tpu.memref_slice %arg6[%dma_start3A_432, %dma_start3A_444, %dma_start3A_445] : memref<15x64x128xf32, #tpu.memory_space<vmem>> -> memref<1x64x128xf32, #tpu.memory_space<vmem>>
    %dma_start3A_447 = tpu.memref_squeeze %dma_start3A_446 : memref<1x64x128xf32, #tpu.memory_space<vmem>> -> memref<64x128xf32, #tpu.memory_space<vmem>>
    tpu.enqueue_dma source(%dma_start3A_447 : memref<64x128xf32, #tpu.memory_space<vmem>>) target(%dma_start3A_443 : memref<64x128xf32, #tpu.memory_space<hbm>>) target_semaphore(%arg8 : memref<!tpu.dma_semaphore, #tpu.memory_space<semaphore_mem>>)
    %eq3A_448 = arith.constant 13 : i32
    %eq3A_449 = vector.broadcast %eq3A_448 : i32 to vector<16xi32>
    %eq3A_450 = arith.cmpi eq, %iota3A, %eq3A_449 : vector<16xi32>
    %jit3A_451 = arith.constant 0 : i32
    %broadcast_in_dim3A_452 = vector.broadcast %jit3A_451 : i32 to vector<16xi32>
    %select_n3A_453 = arith.select %eq3A_450, %get3A_3, %broadcast_in_dim3A_452 : vector<16xi1>, vector<16xi32>
    %reduce_sum3A_454 = arith.constant true
    %reduce_sum3A_455 = vector.broadcast %reduce_sum3A_454 : i1 to vector<16xi1>
    %reduce_sum3A_456 = tpu.scan <sum>, %select_n3A_453 masked %reduce_sum3A_455 : vector<16xi32>, vector<16xi1> -> vector<16xi32>
    %reduce_sum3A_457 = vector.extract %reduce_sum3A_456[15] : i32 from vector<16xi32>
    %dma_start3A_458 = arith.constant 13 : i32
    %dma_start3A_459 = arith.constant 0 : i32
    %dma_start3A_460 = arith.constant 0 : i32
    %dma_start3A_461 = tpu.memref_slice %arg6[%dma_start3A_458, %dma_start3A_459, %dma_start3A_460] : memref<15x64x128xf32, #tpu.memory_space<vmem>> -> memref<1x64x128xf32, #tpu.memory_space<vmem>>
    %dma_start3A_462 = tpu.memref_squeeze %dma_start3A_461 : memref<1x64x128xf32, #tpu.memory_space<vmem>> -> memref<64x128xf32, #tpu.memory_space<vmem>>
    %dma_start3A_463 = arith.constant 0 : i32
    %dma_start3A_464 = tpu.memref_slice %arg2[%reduce_sum3A_457, %dma_start3A_463, %mul3A_2] : memref<100x64x4096xf32, #tpu.memory_space<hbm>> -> memref<1x64x128xf32, #tpu.memory_space<hbm>>
    %dma_start3A_465 = tpu.memref_squeeze %dma_start3A_464 : memref<1x64x128xf32, #tpu.memory_space<hbm>> -> memref<64x128xf32, #tpu.memory_space<hbm>>
    %dma_start3A_466 = arith.constant 0 : i32
    %dma_start3A_467 = arith.constant 0 : i32
    %dma_start3A_468 = tpu.memref_slice %arg6[%dma_start3A_458, %dma_start3A_466, %dma_start3A_467] : memref<15x64x128xf32, #tpu.memory_space<vmem>> -> memref<1x64x128xf32, #tpu.memory_space<vmem>>
    %dma_start3A_469 = tpu.memref_squeeze %dma_start3A_468 : memref<1x64x128xf32, #tpu.memory_space<vmem>> -> memref<64x128xf32, #tpu.memory_space<vmem>>
    %dma_start3A_470 = arith.constant 0 : i32
    %dma_start3A_471 = tpu.memref_slice %arg2[%reduce_sum3A_457, %dma_start3A_470, %mul3A_2] : memref<100x64x4096xf32, #tpu.memory_space<hbm>> -> memref<1x64x128xf32, #tpu.memory_space<hbm>>
    %dma_start3A_472 = tpu.memref_squeeze %dma_start3A_471 : memref<1x64x128xf32, #tpu.memory_space<hbm>> -> memref<64x128xf32, #tpu.memory_space<hbm>>
    tpu.enqueue_dma source(%dma_start3A_472 : memref<64x128xf32, #tpu.memory_space<hbm>>) target(%dma_start3A_469 : memref<64x128xf32, #tpu.memory_space<vmem>>) target_semaphore(%arg7 : memref<!tpu.dma_semaphore, #tpu.memory_space<semaphore_mem>>)
    %dma_wait3A_473 = arith.constant 4 : i32
    %dma_wait3A_474 = arith.constant 0 : i32
    %dma_wait3A_475 = arith.constant 0 : i32
    %dma_wait3A_476 = tpu.memref_slice %arg6[%dma_wait3A_473, %dma_wait3A_474, %dma_wait3A_475] : memref<15x64x128xf32, #tpu.memory_space<vmem>> -> memref<1x64x128xf32, #tpu.memory_space<vmem>>
    %dma_wait3A_477 = tpu.memref_squeeze %dma_wait3A_476 : memref<1x64x128xf32, #tpu.memory_space<vmem>> -> memref<64x128xf32, #tpu.memory_space<vmem>>
    %dma_wait3A_478 = arith.constant 0 : i32
    %dma_wait3A_479 = tpu.memref_slice %arg2[%reduce_sum3A_109, %dma_wait3A_478, %mul3A_2] : memref<100x64x4096xf32, #tpu.memory_space<hbm>> -> memref<1x64x128xf32, #tpu.memory_space<hbm>>
    %dma_wait3A_480 = tpu.memref_squeeze %dma_wait3A_479 : memref<1x64x128xf32, #tpu.memory_space<hbm>> -> memref<64x128xf32, #tpu.memory_space<hbm>>
    %dma_wait3A_481 = arith.constant 0 : i32
    %dma_wait3A_482 = arith.constant 0 : i32
    %dma_wait3A_483 = tpu.memref_slice %arg6[%dma_wait3A_473, %dma_wait3A_481, %dma_wait3A_482] : memref<15x64x128xf32, #tpu.memory_space<vmem>> -> memref<1x64x128xf32, #tpu.memory_space<vmem>>
    %dma_wait3A_484 = tpu.memref_squeeze %dma_wait3A_483 : memref<1x64x128xf32, #tpu.memory_space<vmem>> -> memref<64x128xf32, #tpu.memory_space<vmem>>
    %dma_wait3A_485 = arith.constant 0 : i32
    %dma_wait3A_486 = tpu.memref_slice %arg2[%reduce_sum3A_109, %dma_wait3A_485, %mul3A_2] : memref<100x64x4096xf32, #tpu.memory_space<hbm>> -> memref<1x64x128xf32, #tpu.memory_space<hbm>>
    %dma_wait3A_487 = tpu.memref_squeeze %dma_wait3A_486 : memref<1x64x128xf32, #tpu.memory_space<hbm>> -> memref<64x128xf32, #tpu.memory_space<hbm>>
    tpu.wait_dma2 semaphore(%arg7 : memref<!tpu.dma_semaphore, #tpu.memory_space<semaphore_mem>>) src(%dma_wait3A_487 : memref<64x128xf32, #tpu.memory_space<hbm>>) dst(%dma_wait3A_484 : memref<64x128xf32, #tpu.memory_space<vmem>>)
    %dma_start3A_488 = arith.constant 4 : i32
    %dma_start3A_489 = arith.constant 4 : i32
    %dma_start3A_490 = arith.constant 0 : i32
    %dma_start3A_491 = arith.constant 0 : i32
    %dma_start3A_492 = tpu.memref_slice %arg6[%dma_start3A_488, %dma_start3A_490, %dma_start3A_491] : memref<15x64x128xf32, #tpu.memory_space<vmem>> -> memref<1x64x128xf32, #tpu.memory_space<vmem>>
    %dma_start3A_493 = tpu.memref_squeeze %dma_start3A_492 : memref<1x64x128xf32, #tpu.memory_space<vmem>> -> memref<64x128xf32, #tpu.memory_space<vmem>>
    %dma_start3A_494 = arith.constant 0 : i32
    %dma_start3A_495 = tpu.memref_slice %arg4[%dma_start3A_489, %dma_start3A_494, %mul3A_2] : memref<26x64x4096xf32, #tpu.memory_space<hbm>> -> memref<1x64x128xf32, #tpu.memory_space<hbm>>
    %dma_start3A_496 = tpu.memref_squeeze %dma_start3A_495 : memref<1x64x128xf32, #tpu.memory_space<hbm>> -> memref<64x128xf32, #tpu.memory_space<hbm>>
    %dma_start3A_497 = arith.constant 0 : i32
    %dma_start3A_498 = tpu.memref_slice %arg4[%dma_start3A_489, %dma_start3A_497, %mul3A_2] : memref<26x64x4096xf32, #tpu.memory_space<hbm>> -> memref<1x64x128xf32, #tpu.memory_space<hbm>>
    %dma_start3A_499 = tpu.memref_squeeze %dma_start3A_498 : memref<1x64x128xf32, #tpu.memory_space<hbm>> -> memref<64x128xf32, #tpu.memory_space<hbm>>
    %dma_start3A_500 = arith.constant 0 : i32
    %dma_start3A_501 = arith.constant 0 : i32
    %dma_start3A_502 = tpu.memref_slice %arg6[%dma_start3A_488, %dma_start3A_500, %dma_start3A_501] : memref<15x64x128xf32, #tpu.memory_space<vmem>> -> memref<1x64x128xf32, #tpu.memory_space<vmem>>
    %dma_start3A_503 = tpu.memref_squeeze %dma_start3A_502 : memref<1x64x128xf32, #tpu.memory_space<vmem>> -> memref<64x128xf32, #tpu.memory_space<vmem>>
    tpu.enqueue_dma source(%dma_start3A_503 : memref<64x128xf32, #tpu.memory_space<vmem>>) target(%dma_start3A_499 : memref<64x128xf32, #tpu.memory_space<hbm>>) target_semaphore(%arg8 : memref<!tpu.dma_semaphore, #tpu.memory_space<semaphore_mem>>)
    %eq3A_504 = arith.constant 14 : i32
    %eq3A_505 = vector.broadcast %eq3A_504 : i32 to vector<16xi32>
    %eq3A_506 = arith.cmpi eq, %iota3A, %eq3A_505 : vector<16xi32>
    %jit3A_507 = arith.constant 0 : i32
    %broadcast_in_dim3A_508 = vector.broadcast %jit3A_507 : i32 to vector<16xi32>
    %select_n3A_509 = arith.select %eq3A_506, %get3A_3, %broadcast_in_dim3A_508 : vector<16xi1>, vector<16xi32>
    %reduce_sum3A_510 = arith.constant true
    %reduce_sum3A_511 = vector.broadcast %reduce_sum3A_510 : i1 to vector<16xi1>
    %reduce_sum3A_512 = tpu.scan <sum>, %select_n3A_509 masked %reduce_sum3A_511 : vector<16xi32>, vector<16xi1> -> vector<16xi32>
    %reduce_sum3A_513 = vector.extract %reduce_sum3A_512[15] : i32 from vector<16xi32>
    %dma_start3A_514 = arith.constant 14 : i32
    %dma_start3A_515 = arith.constant 0 : i32
    %dma_start3A_516 = arith.constant 0 : i32
    %dma_start3A_517 = tpu.memref_slice %arg6[%dma_start3A_514, %dma_start3A_515, %dma_start3A_516] : memref<15x64x128xf32, #tpu.memory_space<vmem>> -> memref<1x64x128xf32, #tpu.memory_space<vmem>>
    %dma_start3A_518 = tpu.memref_squeeze %dma_start3A_517 : memref<1x64x128xf32, #tpu.memory_space<vmem>> -> memref<64x128xf32, #tpu.memory_space<vmem>>
    %dma_start3A_519 = arith.constant 0 : i32
    %dma_start3A_520 = tpu.memref_slice %arg2[%reduce_sum3A_513, %dma_start3A_519, %mul3A_2] : memref<100x64x4096xf32, #tpu.memory_space<hbm>> -> memref<1x64x128xf32, #tpu.memory_space<hbm>>
    %dma_start3A_521 = tpu.memref_squeeze %dma_start3A_520 : memref<1x64x128xf32, #tpu.memory_space<hbm>> -> memref<64x128xf32, #tpu.memory_space<hbm>>
    %dma_start3A_522 = arith.constant 0 : i32
    %dma_start3A_523 = arith.constant 0 : i32
    %dma_start3A_524 = tpu.memref_slice %arg6[%dma_start3A_514, %dma_start3A_522, %dma_start3A_523] : memref<15x64x128xf32, #tpu.memory_space<vmem>> -> memref<1x64x128xf32, #tpu.memory_space<vmem>>
    %dma_start3A_525 = tpu.memref_squeeze %dma_start3A_524 : memref<1x64x128xf32, #tpu.memory_space<vmem>> -> memref<64x128xf32, #tpu.memory_space<vmem>>
    %dma_start3A_526 = arith.constant 0 : i32
    %dma_start3A_527 = tpu.memref_slice %arg2[%reduce_sum3A_513, %dma_start3A_526, %mul3A_2] : memref<100x64x4096xf32, #tpu.memory_space<hbm>> -> memref<1x64x128xf32, #tpu.memory_space<hbm>>
    %dma_start3A_528 = tpu.memref_squeeze %dma_start3A_527 : memref<1x64x128xf32, #tpu.memory_space<hbm>> -> memref<64x128xf32, #tpu.memory_space<hbm>>
    tpu.enqueue_dma source(%dma_start3A_528 : memref<64x128xf32, #tpu.memory_space<hbm>>) target(%dma_start3A_525 : memref<64x128xf32, #tpu.memory_space<vmem>>) target_semaphore(%arg7 : memref<!tpu.dma_semaphore, #tpu.memory_space<semaphore_mem>>)
    %dma_wait3A_529 = arith.constant 5 : i32
    %dma_wait3A_530 = arith.constant 0 : i32
    %dma_wait3A_531 = arith.constant 0 : i32
    %dma_wait3A_532 = tpu.memref_slice %arg6[%dma_wait3A_529, %dma_wait3A_530, %dma_wait3A_531] : memref<15x64x128xf32, #tpu.memory_space<vmem>> -> memref<1x64x128xf32, #tpu.memory_space<vmem>>
    %dma_wait3A_533 = tpu.memref_squeeze %dma_wait3A_532 : memref<1x64x128xf32, #tpu.memory_space<vmem>> -> memref<64x128xf32, #tpu.memory_space<vmem>>
    %dma_wait3A_534 = arith.constant 0 : i32
    %dma_wait3A_535 = tpu.memref_slice %arg2[%reduce_sum3A_134, %dma_wait3A_534, %mul3A_2] : memref<100x64x4096xf32, #tpu.memory_space<hbm>> -> memref<1x64x128xf32, #tpu.memory_space<hbm>>
    %dma_wait3A_536 = tpu.memref_squeeze %dma_wait3A_535 : memref<1x64x128xf32, #tpu.memory_space<hbm>> -> memref<64x128xf32, #tpu.memory_space<hbm>>
    %dma_wait3A_537 = arith.constant 0 : i32
    %dma_wait3A_538 = arith.constant 0 : i32
    %dma_wait3A_539 = tpu.memref_slice %arg6[%dma_wait3A_529, %dma_wait3A_537, %dma_wait3A_538] : memref<15x64x128xf32, #tpu.memory_space<vmem>> -> memref<1x64x128xf32, #tpu.memory_space<vmem>>
    %dma_wait3A_540 = tpu.memref_squeeze %dma_wait3A_539 : memref<1x64x128xf32, #tpu.memory_space<vmem>> -> memref<64x128xf32, #tpu.memory_space<vmem>>
    %dma_wait3A_541 = arith.constant 0 : i32
    %dma_wait3A_542 = tpu.memref_slice %arg2[%reduce_sum3A_134, %dma_wait3A_541, %mul3A_2] : memref<100x64x4096xf32, #tpu.memory_space<hbm>> -> memref<1x64x128xf32, #tpu.memory_space<hbm>>
    %dma_wait3A_543 = tpu.memref_squeeze %dma_wait3A_542 : memref<1x64x128xf32, #tpu.memory_space<hbm>> -> memref<64x128xf32, #tpu.memory_space<hbm>>
    tpu.wait_dma2 semaphore(%arg7 : memref<!tpu.dma_semaphore, #tpu.memory_space<semaphore_mem>>) src(%dma_wait3A_543 : memref<64x128xf32, #tpu.memory_space<hbm>>) dst(%dma_wait3A_540 : memref<64x128xf32, #tpu.memory_space<vmem>>)
    %dma_start3A_544 = arith.constant 5 : i32
    %dma_start3A_545 = arith.constant 5 : i32
    %dma_start3A_546 = arith.constant 0 : i32
    %dma_start3A_547 = arith.constant 0 : i32
    %dma_start3A_548 = tpu.memref_slice %arg6[%dma_start3A_544, %dma_start3A_546, %dma_start3A_547] : memref<15x64x128xf32, #tpu.memory_space<vmem>> -> memref<1x64x128xf32, #tpu.memory_space<vmem>>
    %dma_start3A_549 = tpu.memref_squeeze %dma_start3A_548 : memref<1x64x128xf32, #tpu.memory_space<vmem>> -> memref<64x128xf32, #tpu.memory_space<vmem>>
    %dma_start3A_550 = arith.constant 0 : i32
    %dma_start3A_551 = tpu.memref_slice %arg4[%dma_start3A_545, %dma_start3A_550, %mul3A_2] : memref<26x64x4096xf32, #tpu.memory_space<hbm>> -> memref<1x64x128xf32, #tpu.memory_space<hbm>>
    %dma_start3A_552 = tpu.memref_squeeze %dma_start3A_551 : memref<1x64x128xf32, #tpu.memory_space<hbm>> -> memref<64x128xf32, #tpu.memory_space<hbm>>
    %dma_start3A_553 = arith.constant 0 : i32
    %dma_start3A_554 = tpu.memref_slice %arg4[%dma_start3A_545, %dma_start3A_553, %mul3A_2] : memref<26x64x4096xf32, #tpu.memory_space<hbm>> -> memref<1x64x128xf32, #tpu.memory_space<hbm>>
    %dma_start3A_555 = tpu.memref_squeeze %dma_start3A_554 : memref<1x64x128xf32, #tpu.memory_space<hbm>> -> memref<64x128xf32, #tpu.memory_space<hbm>>
    %dma_start3A_556 = arith.constant 0 : i32
    %dma_start3A_557 = arith.constant 0 : i32
    %dma_start3A_558 = tpu.memref_slice %arg6[%dma_start3A_544, %dma_start3A_556, %dma_start3A_557] : memref<15x64x128xf32, #tpu.memory_space<vmem>> -> memref<1x64x128xf32, #tpu.memory_space<vmem>>
    %dma_start3A_559 = tpu.memref_squeeze %dma_start3A_558 : memref<1x64x128xf32, #tpu.memory_space<vmem>> -> memref<64x128xf32, #tpu.memory_space<vmem>>
    tpu.enqueue_dma source(%dma_start3A_559 : memref<64x128xf32, #tpu.memory_space<vmem>>) target(%dma_start3A_555 : memref<64x128xf32, #tpu.memory_space<hbm>>) target_semaphore(%arg8 : memref<!tpu.dma_semaphore, #tpu.memory_space<semaphore_mem>>)
    %dma_wait3A_560 = arith.constant 0 : i32
    %dma_wait3A_561 = arith.constant 0 : i32
    %dma_wait3A_562 = arith.constant 0 : i32
    %dma_wait3A_563 = arith.constant 0 : i32
    %dma_wait3A_564 = tpu.memref_slice %arg6[%dma_wait3A_560, %dma_wait3A_562, %dma_wait3A_563] : memref<15x64x128xf32, #tpu.memory_space<vmem>> -> memref<1x64x128xf32, #tpu.memory_space<vmem>>
    %dma_wait3A_565 = tpu.memref_squeeze %dma_wait3A_564 : memref<1x64x128xf32, #tpu.memory_space<vmem>> -> memref<64x128xf32, #tpu.memory_space<vmem>>
    %dma_wait3A_566 = arith.constant 0 : i32
    %dma_wait3A_567 = tpu.memref_slice %arg4[%dma_wait3A_561, %dma_wait3A_566, %mul3A_2] : memref<26x64x4096xf32, #tpu.memory_space<hbm>> -> memref<1x64x128xf32, #tpu.memory_space<hbm>>
    %dma_wait3A_568 = tpu.memref_squeeze %dma_wait3A_567 : memref<1x64x128xf32, #tpu.memory_space<hbm>> -> memref<64x128xf32, #tpu.memory_space<hbm>>
    %dma_wait3A_569 = arith.constant 0 : i32
    %dma_wait3A_570 = tpu.memref_slice %arg4[%dma_wait3A_561, %dma_wait3A_569, %mul3A_2] : memref<26x64x4096xf32, #tpu.memory_space<hbm>> -> memref<1x64x128xf32, #tpu.memory_space<hbm>>
    %dma_wait3A_571 = tpu.memref_squeeze %dma_wait3A_570 : memref<1x64x128xf32, #tpu.memory_space<hbm>> -> memref<64x128xf32, #tpu.memory_space<hbm>>
    %dma_wait3A_572 = arith.constant 0 : i32
    %dma_wait3A_573 = arith.constant 0 : i32
    %dma_wait3A_574 = tpu.memref_slice %arg6[%dma_wait3A_560, %dma_wait3A_572, %dma_wait3A_573] : memref<15x64x128xf32, #tpu.memory_space<vmem>> -> memref<1x64x128xf32, #tpu.memory_space<vmem>>
    %dma_wait3A_575 = tpu.memref_squeeze %dma_wait3A_574 : memref<1x64x128xf32, #tpu.memory_space<vmem>> -> memref<64x128xf32, #tpu.memory_space<vmem>>
    tpu.wait_dma2 semaphore(%arg8 : memref<!tpu.dma_semaphore, #tpu.memory_space<semaphore_mem>>) src(%dma_wait3A_575 : memref<64x128xf32, #tpu.memory_space<vmem>>) dst(%dma_wait3A_571 : memref<64x128xf32, #tpu.memory_space<hbm>>)
    %eq3A_576 = arith.constant 15 : i32
    %eq3A_577 = vector.broadcast %eq3A_576 : i32 to vector<16xi32>
    %eq3A_578 = arith.cmpi eq, %iota3A, %eq3A_577 : vector<16xi32>
    %jit3A_579 = arith.constant 0 : i32
    %broadcast_in_dim3A_580 = vector.broadcast %jit3A_579 : i32 to vector<16xi32>
    %select_n3A_581 = arith.select %eq3A_578, %get3A_3, %broadcast_in_dim3A_580 : vector<16xi1>, vector<16xi32>
    %reduce_sum3A_582 = arith.constant true
    %reduce_sum3A_583 = vector.broadcast %reduce_sum3A_582 : i1 to vector<16xi1>
    %reduce_sum3A_584 = tpu.scan <sum>, %select_n3A_581 masked %reduce_sum3A_583 : vector<16xi32>, vector<16xi1> -> vector<16xi32>
    %reduce_sum3A_585 = vector.extract %reduce_sum3A_584[15] : i32 from vector<16xi32>
    %dma_start3A_586 = arith.constant 0 : i32
    %dma_start3A_587 = arith.constant 0 : i32
    %dma_start3A_588 = arith.constant 0 : i32
    %dma_start3A_589 = tpu.memref_slice %arg6[%dma_start3A_586, %dma_start3A_587, %dma_start3A_588] : memref<15x64x128xf32, #tpu.memory_space<vmem>> -> memref<1x64x128xf32, #tpu.memory_space<vmem>>
    %dma_start3A_590 = tpu.memref_squeeze %dma_start3A_589 : memref<1x64x128xf32, #tpu.memory_space<vmem>> -> memref<64x128xf32, #tpu.memory_space<vmem>>
    %dma_start3A_591 = arith.constant 0 : i32
    %dma_start3A_592 = tpu.memref_slice %arg2[%reduce_sum3A_585, %dma_start3A_591, %mul3A_2] : memref<100x64x4096xf32, #tpu.memory_space<hbm>> -> memref<1x64x128xf32, #tpu.memory_space<hbm>>
    %dma_start3A_593 = tpu.memref_squeeze %dma_start3A_592 : memref<1x64x128xf32, #tpu.memory_space<hbm>> -> memref<64x128xf32, #tpu.memory_space<hbm>>
    %dma_start3A_594 = arith.constant 0 : i32
    %dma_start3A_595 = arith.constant 0 : i32
    %dma_start3A_596 = tpu.memref_slice %arg6[%dma_start3A_586, %dma_start3A_594, %dma_start3A_595] : memref<15x64x128xf32, #tpu.memory_space<vmem>> -> memref<1x64x128xf32, #tpu.memory_space<vmem>>
    %dma_start3A_597 = tpu.memref_squeeze %dma_start3A_596 : memref<1x64x128xf32, #tpu.memory_space<vmem>> -> memref<64x128xf32, #tpu.memory_space<vmem>>
    %dma_start3A_598 = arith.constant 0 : i32
    %dma_start3A_599 = tpu.memref_slice %arg2[%reduce_sum3A_585, %dma_start3A_598, %mul3A_2] : memref<100x64x4096xf32, #tpu.memory_space<hbm>> -> memref<1x64x128xf32, #tpu.memory_space<hbm>>
    %dma_start3A_600 = tpu.memref_squeeze %dma_start3A_599 : memref<1x64x128xf32, #tpu.memory_space<hbm>> -> memref<64x128xf32, #tpu.memory_space<hbm>>
    tpu.enqueue_dma source(%dma_start3A_600 : memref<64x128xf32, #tpu.memory_space<hbm>>) target(%dma_start3A_597 : memref<64x128xf32, #tpu.memory_space<vmem>>) target_semaphore(%arg7 : memref<!tpu.dma_semaphore, #tpu.memory_space<semaphore_mem>>)
    %dma_wait3A_601 = arith.constant 6 : i32
    %dma_wait3A_602 = arith.constant 0 : i32
    %dma_wait3A_603 = arith.constant 0 : i32
    %dma_wait3A_604 = tpu.memref_slice %arg6[%dma_wait3A_601, %dma_wait3A_602, %dma_wait3A_603] : memref<15x64x128xf32, #tpu.memory_space<vmem>> -> memref<1x64x128xf32, #tpu.memory_space<vmem>>
    %dma_wait3A_605 = tpu.memref_squeeze %dma_wait3A_604 : memref<1x64x128xf32, #tpu.memory_space<vmem>> -> memref<64x128xf32, #tpu.memory_space<vmem>>
    %dma_wait3A_606 = arith.constant 0 : i32
    %dma_wait3A_607 = tpu.memref_slice %arg2[%reduce_sum3A_159, %dma_wait3A_606, %mul3A_2] : memref<100x64x4096xf32, #tpu.memory_space<hbm>> -> memref<1x64x128xf32, #tpu.memory_space<hbm>>
    %dma_wait3A_608 = tpu.memref_squeeze %dma_wait3A_607 : memref<1x64x128xf32, #tpu.memory_space<hbm>> -> memref<64x128xf32, #tpu.memory_space<hbm>>
    %dma_wait3A_609 = arith.constant 0 : i32
    %dma_wait3A_610 = arith.constant 0 : i32
    %dma_wait3A_611 = tpu.memref_slice %arg6[%dma_wait3A_601, %dma_wait3A_609, %dma_wait3A_610] : memref<15x64x128xf32, #tpu.memory_space<vmem>> -> memref<1x64x128xf32, #tpu.memory_space<vmem>>
    %dma_wait3A_612 = tpu.memref_squeeze %dma_wait3A_611 : memref<1x64x128xf32, #tpu.memory_space<vmem>> -> memref<64x128xf32, #tpu.memory_space<vmem>>
    %dma_wait3A_613 = arith.constant 0 : i32
    %dma_wait3A_614 = tpu.memref_slice %arg2[%reduce_sum3A_159, %dma_wait3A_613, %mul3A_2] : memref<100x64x4096xf32, #tpu.memory_space<hbm>> -> memref<1x64x128xf32, #tpu.memory_space<hbm>>
    %dma_wait3A_615 = tpu.memref_squeeze %dma_wait3A_614 : memref<1x64x128xf32, #tpu.memory_space<hbm>> -> memref<64x128xf32, #tpu.memory_space<hbm>>
    tpu.wait_dma2 semaphore(%arg7 : memref<!tpu.dma_semaphore, #tpu.memory_space<semaphore_mem>>) src(%dma_wait3A_615 : memref<64x128xf32, #tpu.memory_space<hbm>>) dst(%dma_wait3A_612 : memref<64x128xf32, #tpu.memory_space<vmem>>)
    %dma_start3A_616 = arith.constant 6 : i32
    %dma_start3A_617 = arith.constant 6 : i32
    %dma_start3A_618 = arith.constant 0 : i32
    %dma_start3A_619 = arith.constant 0 : i32
    %dma_start3A_620 = tpu.memref_slice %arg6[%dma_start3A_616, %dma_start3A_618, %dma_start3A_619] : memref<15x64x128xf32, #tpu.memory_space<vmem>> -> memref<1x64x128xf32, #tpu.memory_space<vmem>>
    %dma_start3A_621 = tpu.memref_squeeze %dma_start3A_620 : memref<1x64x128xf32, #tpu.memory_space<vmem>> -> memref<64x128xf32, #tpu.memory_space<vmem>>
    %dma_start3A_622 = arith.constant 0 : i32
    %dma_start3A_623 = tpu.memref_slice %arg4[%dma_start3A_617, %dma_start3A_622, %mul3A_2] : memref<26x64x4096xf32, #tpu.memory_space<hbm>> -> memref<1x64x128xf32, #tpu.memory_space<hbm>>
    %dma_start3A_624 = tpu.memref_squeeze %dma_start3A_623 : memref<1x64x128xf32, #tpu.memory_space<hbm>> -> memref<64x128xf32, #tpu.memory_space<hbm>>
    %dma_start3A_625 = arith.constant 0 : i32
    %dma_start3A_626 = tpu.memref_slice %arg4[%dma_start3A_617, %dma_start3A_625, %mul3A_2] : memref<26x64x4096xf32, #tpu.memory_space<hbm>> -> memref<1x64x128xf32, #tpu.memory_space<hbm>>
    %dma_start3A_627 = tpu.memref_squeeze %dma_start3A_626 : memref<1x64x128xf32, #tpu.memory_space<hbm>> -> memref<64x128xf32, #tpu.memory_space<hbm>>
    %dma_start3A_628 = arith.constant 0 : i32
    %dma_start3A_629 = arith.constant 0 : i32
    %dma_start3A_630 = tpu.memref_slice %arg6[%dma_start3A_616, %dma_start3A_628, %dma_start3A_629] : memref<15x64x128xf32, #tpu.memory_space<vmem>> -> memref<1x64x128xf32, #tpu.memory_space<vmem>>
    %dma_start3A_631 = tpu.memref_squeeze %dma_start3A_630 : memref<1x64x128xf32, #tpu.memory_space<vmem>> -> memref<64x128xf32, #tpu.memory_space<vmem>>
    tpu.enqueue_dma source(%dma_start3A_631 : memref<64x128xf32, #tpu.memory_space<vmem>>) target(%dma_start3A_627 : memref<64x128xf32, #tpu.memory_space<hbm>>) target_semaphore(%arg8 : memref<!tpu.dma_semaphore, #tpu.memory_space<semaphore_mem>>)
    %dma_wait3A_632 = arith.constant 1 : i32
    %dma_wait3A_633 = arith.constant 1 : i32
    %dma_wait3A_634 = arith.constant 0 : i32
    %dma_wait3A_635 = arith.constant 0 : i32
    %dma_wait3A_636 = tpu.memref_slice %arg6[%dma_wait3A_632, %dma_wait3A_634, %dma_wait3A_635] : memref<15x64x128xf32, #tpu.memory_space<vmem>> -> memref<1x64x128xf32, #tpu.memory_space<vmem>>
    %dma_wait3A_637 = tpu.memref_squeeze %dma_wait3A_636 : memref<1x64x128xf32, #tpu.memory_space<vmem>> -> memref<64x128xf32, #tpu.memory_space<vmem>>
    %dma_wait3A_638 = arith.constant 0 : i32
    %dma_wait3A_639 = tpu.memref_slice %arg4[%dma_wait3A_633, %dma_wait3A_638, %mul3A_2] : memref<26x64x4096xf32, #tpu.memory_space<hbm>> -> memref<1x64x128xf32, #tpu.memory_space<hbm>>
    %dma_wait3A_640 = tpu.memref_squeeze %dma_wait3A_639 : memref<1x64x128xf32, #tpu.memory_space<hbm>> -> memref<64x128xf32, #tpu.memory_space<hbm>>
    %dma_wait3A_641 = arith.constant 0 : i32
    %dma_wait3A_642 = tpu.memref_slice %arg4[%dma_wait3A_633, %dma_wait3A_641, %mul3A_2] : memref<26x64x4096xf32, #tpu.memory_space<hbm>> -> memref<1x64x128xf32, #tpu.memory_space<hbm>>
    %dma_wait3A_643 = tpu.memref_squeeze %dma_wait3A_642 : memref<1x64x128xf32, #tpu.memory_space<hbm>> -> memref<64x128xf32, #tpu.memory_space<hbm>>
    %dma_wait3A_644 = arith.constant 0 : i32
    %dma_wait3A_645 = arith.constant 0 : i32
    %dma_wait3A_646 = tpu.memref_slice %arg6[%dma_wait3A_632, %dma_wait3A_644, %dma_wait3A_645] : memref<15x64x128xf32, #tpu.memory_space<vmem>> -> memref<1x64x128xf32, #tpu.memory_space<vmem>>
    %dma_wait3A_647 = tpu.memref_squeeze %dma_wait3A_646 : memref<1x64x128xf32, #tpu.memory_space<vmem>> -> memref<64x128xf32, #tpu.memory_space<vmem>>
    tpu.wait_dma2 semaphore(%arg8 : memref<!tpu.dma_semaphore, #tpu.memory_space<semaphore_mem>>) src(%dma_wait3A_647 : memref<64x128xf32, #tpu.memory_space<vmem>>) dst(%dma_wait3A_643 : memref<64x128xf32, #tpu.memory_space<hbm>>)
    %eq3A_648 = arith.constant 0 : i32
    %eq3A_649 = vector.broadcast %eq3A_648 : i32 to vector<16xi32>
    %eq3A_650 = arith.cmpi eq, %iota3A, %eq3A_649 : vector<16xi32>
    %jit3A_651 = arith.constant 0 : i32
    %broadcast_in_dim3A_652 = vector.broadcast %jit3A_651 : i32 to vector<16xi32>
    %select_n3A_653 = arith.select %eq3A_650, %get3A_5, %broadcast_in_dim3A_652 : vector<16xi1>, vector<16xi32>
    %reduce_sum3A_654 = arith.constant true
    %reduce_sum3A_655 = vector.broadcast %reduce_sum3A_654 : i1 to vector<16xi1>
    %reduce_sum3A_656 = tpu.scan <sum>, %select_n3A_653 masked %reduce_sum3A_655 : vector<16xi32>, vector<16xi1> -> vector<16xi32>
    %reduce_sum3A_657 = vector.extract %reduce_sum3A_656[15] : i32 from vector<16xi32>
    %dma_start3A_658 = arith.constant 1 : i32
    %dma_start3A_659 = arith.constant 0 : i32
    %dma_start3A_660 = arith.constant 0 : i32
    %dma_start3A_661 = tpu.memref_slice %arg6[%dma_start3A_658, %dma_start3A_659, %dma_start3A_660] : memref<15x64x128xf32, #tpu.memory_space<vmem>> -> memref<1x64x128xf32, #tpu.memory_space<vmem>>
    %dma_start3A_662 = tpu.memref_squeeze %dma_start3A_661 : memref<1x64x128xf32, #tpu.memory_space<vmem>> -> memref<64x128xf32, #tpu.memory_space<vmem>>
    %dma_start3A_663 = arith.constant 0 : i32
    %dma_start3A_664 = tpu.memref_slice %arg2[%reduce_sum3A_657, %dma_start3A_663, %mul3A_2] : memref<100x64x4096xf32, #tpu.memory_space<hbm>> -> memref<1x64x128xf32, #tpu.memory_space<hbm>>
    %dma_start3A_665 = tpu.memref_squeeze %dma_start3A_664 : memref<1x64x128xf32, #tpu.memory_space<hbm>> -> memref<64x128xf32, #tpu.memory_space<hbm>>
    %dma_start3A_666 = arith.constant 0 : i32
    %dma_start3A_667 = arith.constant 0 : i32
    %dma_start3A_668 = tpu.memref_slice %arg6[%dma_start3A_658, %dma_start3A_666, %dma_start3A_667] : memref<15x64x128xf32, #tpu.memory_space<vmem>> -> memref<1x64x128xf32, #tpu.memory_space<vmem>>
    %dma_start3A_669 = tpu.memref_squeeze %dma_start3A_668 : memref<1x64x128xf32, #tpu.memory_space<vmem>> -> memref<64x128xf32, #tpu.memory_space<vmem>>
    %dma_start3A_670 = arith.constant 0 : i32
    %dma_start3A_671 = tpu.memref_slice %arg2[%reduce_sum3A_657, %dma_start3A_670, %mul3A_2] : memref<100x64x4096xf32, #tpu.memory_space<hbm>> -> memref<1x64x128xf32, #tpu.memory_space<hbm>>
    %dma_start3A_672 = tpu.memref_squeeze %dma_start3A_671 : memref<1x64x128xf32, #tpu.memory_space<hbm>> -> memref<64x128xf32, #tpu.memory_space<hbm>>
    tpu.enqueue_dma source(%dma_start3A_672 : memref<64x128xf32, #tpu.memory_space<hbm>>) target(%dma_start3A_669 : memref<64x128xf32, #tpu.memory_space<vmem>>) target_semaphore(%arg7 : memref<!tpu.dma_semaphore, #tpu.memory_space<semaphore_mem>>)
    %dma_wait3A_673 = arith.constant 7 : i32
    %dma_wait3A_674 = arith.constant 0 : i32
    %dma_wait3A_675 = arith.constant 0 : i32
    %dma_wait3A_676 = tpu.memref_slice %arg6[%dma_wait3A_673, %dma_wait3A_674, %dma_wait3A_675] : memref<15x64x128xf32, #tpu.memory_space<vmem>> -> memref<1x64x128xf32, #tpu.memory_space<vmem>>
    %dma_wait3A_677 = tpu.memref_squeeze %dma_wait3A_676 : memref<1x64x128xf32, #tpu.memory_space<vmem>> -> memref<64x128xf32, #tpu.memory_space<vmem>>
    %dma_wait3A_678 = arith.constant 0 : i32
    %dma_wait3A_679 = tpu.memref_slice %arg2[%reduce_sum3A_184, %dma_wait3A_678, %mul3A_2] : memref<100x64x4096xf32, #tpu.memory_space<hbm>> -> memref<1x64x128xf32, #tpu.memory_space<hbm>>
    %dma_wait3A_680 = tpu.memref_squeeze %dma_wait3A_679 : memref<1x64x128xf32, #tpu.memory_space<hbm>> -> memref<64x128xf32, #tpu.memory_space<hbm>>
    %dma_wait3A_681 = arith.constant 0 : i32
    %dma_wait3A_682 = arith.constant 0 : i32
    %dma_wait3A_683 = tpu.memref_slice %arg6[%dma_wait3A_673, %dma_wait3A_681, %dma_wait3A_682] : memref<15x64x128xf32, #tpu.memory_space<vmem>> -> memref<1x64x128xf32, #tpu.memory_space<vmem>>
    %dma_wait3A_684 = tpu.memref_squeeze %dma_wait3A_683 : memref<1x64x128xf32, #tpu.memory_space<vmem>> -> memref<64x128xf32, #tpu.memory_space<vmem>>
    %dma_wait3A_685 = arith.constant 0 : i32
    %dma_wait3A_686 = tpu.memref_slice %arg2[%reduce_sum3A_184, %dma_wait3A_685, %mul3A_2] : memref<100x64x4096xf32, #tpu.memory_space<hbm>> -> memref<1x64x128xf32, #tpu.memory_space<hbm>>
    %dma_wait3A_687 = tpu.memref_squeeze %dma_wait3A_686 : memref<1x64x128xf32, #tpu.memory_space<hbm>> -> memref<64x128xf32, #tpu.memory_space<hbm>>
    tpu.wait_dma2 semaphore(%arg7 : memref<!tpu.dma_semaphore, #tpu.memory_space<semaphore_mem>>) src(%dma_wait3A_687 : memref<64x128xf32, #tpu.memory_space<hbm>>) dst(%dma_wait3A_684 : memref<64x128xf32, #tpu.memory_space<vmem>>)
    %dma_start3A_688 = arith.constant 7 : i32
    %dma_start3A_689 = arith.constant 7 : i32
    %dma_start3A_690 = arith.constant 0 : i32
    %dma_start3A_691 = arith.constant 0 : i32
    %dma_start3A_692 = tpu.memref_slice %arg6[%dma_start3A_688, %dma_start3A_690, %dma_start3A_691] : memref<15x64x128xf32, #tpu.memory_space<vmem>> -> memref<1x64x128xf32, #tpu.memory_space<vmem>>
    %dma_start3A_693 = tpu.memref_squeeze %dma_start3A_692 : memref<1x64x128xf32, #tpu.memory_space<vmem>> -> memref<64x128xf32, #tpu.memory_space<vmem>>
    %dma_start3A_694 = arith.constant 0 : i32
    %dma_start3A_695 = tpu.memref_slice %arg4[%dma_start3A_689, %dma_start3A_694, %mul3A_2] : memref<26x64x4096xf32, #tpu.memory_space<hbm>> -> memref<1x64x128xf32, #tpu.memory_space<hbm>>
    %dma_start3A_696 = tpu.memref_squeeze %dma_start3A_695 : memref<1x64x128xf32, #tpu.memory_space<hbm>> -> memref<64x128xf32, #tpu.memory_space<hbm>>
    %dma_start3A_697 = arith.constant 0 : i32
    %dma_start3A_698 = tpu.memref_slice %arg4[%dma_start3A_689, %dma_start3A_697, %mul3A_2] : memref<26x64x4096xf32, #tpu.memory_space<hbm>> -> memref<1x64x128xf32, #tpu.memory_space<hbm>>
    %dma_start3A_699 = tpu.memref_squeeze %dma_start3A_698 : memref<1x64x128xf32, #tpu.memory_space<hbm>> -> memref<64x128xf32, #tpu.memory_space<hbm>>
    %dma_start3A_700 = arith.constant 0 : i32
    %dma_start3A_701 = arith.constant 0 : i32
    %dma_start3A_702 = tpu.memref_slice %arg6[%dma_start3A_688, %dma_start3A_700, %dma_start3A_701] : memref<15x64x128xf32, #tpu.memory_space<vmem>> -> memref<1x64x128xf32, #tpu.memory_space<vmem>>
    %dma_start3A_703 = tpu.memref_squeeze %dma_start3A_702 : memref<1x64x128xf32, #tpu.memory_space<vmem>> -> memref<64x128xf32, #tpu.memory_space<vmem>>
    tpu.enqueue_dma source(%dma_start3A_703 : memref<64x128xf32, #tpu.memory_space<vmem>>) target(%dma_start3A_699 : memref<64x128xf32, #tpu.memory_space<hbm>>) target_semaphore(%arg8 : memref<!tpu.dma_semaphore, #tpu.memory_space<semaphore_mem>>)
    %dma_wait3A_704 = arith.constant 2 : i32
    %dma_wait3A_705 = arith.constant 2 : i32
    %dma_wait3A_706 = arith.constant 0 : i32
    %dma_wait3A_707 = arith.constant 0 : i32
    %dma_wait3A_708 = tpu.memref_slice %arg6[%dma_wait3A_704, %dma_wait3A_706, %dma_wait3A_707] : memref<15x64x128xf32, #tpu.memory_space<vmem>> -> memref<1x64x128xf32, #tpu.memory_space<vmem>>
    %dma_wait3A_709 = tpu.memref_squeeze %dma_wait3A_708 : memref<1x64x128xf32, #tpu.memory_space<vmem>> -> memref<64x128xf32, #tpu.memory_space<vmem>>
    %dma_wait3A_710 = arith.constant 0 : i32
    %dma_wait3A_711 = tpu.memref_slice %arg4[%dma_wait3A_705, %dma_wait3A_710, %mul3A_2] : memref<26x64x4096xf32, #tpu.memory_space<hbm>> -> memref<1x64x128xf32, #tpu.memory_space<hbm>>
    %dma_wait3A_712 = tpu.memref_squeeze %dma_wait3A_711 : memref<1x64x128xf32, #tpu.memory_space<hbm>> -> memref<64x128xf32, #tpu.memory_space<hbm>>
    %dma_wait3A_713 = arith.constant 0 : i32
    %dma_wait3A_714 = tpu.memref_slice %arg4[%dma_wait3A_705, %dma_wait3A_713, %mul3A_2] : memref<26x64x4096xf32, #tpu.memory_space<hbm>> -> memref<1x64x128xf32, #tpu.memory_space<hbm>>
    %dma_wait3A_715 = tpu.memref_squeeze %dma_wait3A_714 : memref<1x64x128xf32, #tpu.memory_space<hbm>> -> memref<64x128xf32, #tpu.memory_space<hbm>>
    %dma_wait3A_716 = arith.constant 0 : i32
    %dma_wait3A_717 = arith.constant 0 : i32
    %dma_wait3A_718 = tpu.memref_slice %arg6[%dma_wait3A_704, %dma_wait3A_716, %dma_wait3A_717] : memref<15x64x128xf32, #tpu.memory_space<vmem>> -> memref<1x64x128xf32, #tpu.memory_space<vmem>>
    %dma_wait3A_719 = tpu.memref_squeeze %dma_wait3A_718 : memref<1x64x128xf32, #tpu.memory_space<vmem>> -> memref<64x128xf32, #tpu.memory_space<vmem>>
    tpu.wait_dma2 semaphore(%arg8 : memref<!tpu.dma_semaphore, #tpu.memory_space<semaphore_mem>>) src(%dma_wait3A_719 : memref<64x128xf32, #tpu.memory_space<vmem>>) dst(%dma_wait3A_715 : memref<64x128xf32, #tpu.memory_space<hbm>>)
    %eq3A_720 = arith.constant 1 : i32
    %eq3A_721 = vector.broadcast %eq3A_720 : i32 to vector<16xi32>
    %eq3A_722 = arith.cmpi eq, %iota3A, %eq3A_721 : vector<16xi32>
    %jit3A_723 = arith.constant 0 : i32
    %broadcast_in_dim3A_724 = vector.broadcast %jit3A_723 : i32 to vector<16xi32>
    %select_n3A_725 = arith.select %eq3A_722, %get3A_5, %broadcast_in_dim3A_724 : vector<16xi1>, vector<16xi32>
    %reduce_sum3A_726 = arith.constant true
    %reduce_sum3A_727 = vector.broadcast %reduce_sum3A_726 : i1 to vector<16xi1>
    %reduce_sum3A_728 = tpu.scan <sum>, %select_n3A_725 masked %reduce_sum3A_727 : vector<16xi32>, vector<16xi1> -> vector<16xi32>
    %reduce_sum3A_729 = vector.extract %reduce_sum3A_728[15] : i32 from vector<16xi32>
    %dma_start3A_730 = arith.constant 2 : i32
    %dma_start3A_731 = arith.constant 0 : i32
    %dma_start3A_732 = arith.constant 0 : i32
    %dma_start3A_733 = tpu.memref_slice %arg6[%dma_start3A_730, %dma_start3A_731, %dma_start3A_732] : memref<15x64x128xf32, #tpu.memory_space<vmem>> -> memref<1x64x128xf32, #tpu.memory_space<vmem>>
    %dma_start3A_734 = tpu.memref_squeeze %dma_start3A_733 : memref<1x64x128xf32, #tpu.memory_space<vmem>> -> memref<64x128xf32, #tpu.memory_space<vmem>>
    %dma_start3A_735 = arith.constant 0 : i32
    %dma_start3A_736 = tpu.memref_slice %arg2[%reduce_sum3A_729, %dma_start3A_735, %mul3A_2] : memref<100x64x4096xf32, #tpu.memory_space<hbm>> -> memref<1x64x128xf32, #tpu.memory_space<hbm>>
    %dma_start3A_737 = tpu.memref_squeeze %dma_start3A_736 : memref<1x64x128xf32, #tpu.memory_space<hbm>> -> memref<64x128xf32, #tpu.memory_space<hbm>>
    %dma_start3A_738 = arith.constant 0 : i32
    %dma_start3A_739 = arith.constant 0 : i32
    %dma_start3A_740 = tpu.memref_slice %arg6[%dma_start3A_730, %dma_start3A_738, %dma_start3A_739] : memref<15x64x128xf32, #tpu.memory_space<vmem>> -> memref<1x64x128xf32, #tpu.memory_space<vmem>>
    %dma_start3A_741 = tpu.memref_squeeze %dma_start3A_740 : memref<1x64x128xf32, #tpu.memory_space<vmem>> -> memref<64x128xf32, #tpu.memory_space<vmem>>
    %dma_start3A_742 = arith.constant 0 : i32
    %dma_start3A_743 = tpu.memref_slice %arg2[%reduce_sum3A_729, %dma_start3A_742, %mul3A_2] : memref<100x64x4096xf32, #tpu.memory_space<hbm>> -> memref<1x64x128xf32, #tpu.memory_space<hbm>>
    %dma_start3A_744 = tpu.memref_squeeze %dma_start3A_743 : memref<1x64x128xf32, #tpu.memory_space<hbm>> -> memref<64x128xf32, #tpu.memory_space<hbm>>
    tpu.enqueue_dma source(%dma_start3A_744 : memref<64x128xf32, #tpu.memory_space<hbm>>) target(%dma_start3A_741 : memref<64x128xf32, #tpu.memory_space<vmem>>) target_semaphore(%arg7 : memref<!tpu.dma_semaphore, #tpu.memory_space<semaphore_mem>>)
    %dma_wait3A_745 = arith.constant 8 : i32
    %dma_wait3A_746 = arith.constant 0 : i32
    %dma_wait3A_747 = arith.constant 0 : i32
    %dma_wait3A_748 = tpu.memref_slice %arg6[%dma_wait3A_745, %dma_wait3A_746, %dma_wait3A_747] : memref<15x64x128xf32, #tpu.memory_space<vmem>> -> memref<1x64x128xf32, #tpu.memory_space<vmem>>
    %dma_wait3A_749 = tpu.memref_squeeze %dma_wait3A_748 : memref<1x64x128xf32, #tpu.memory_space<vmem>> -> memref<64x128xf32, #tpu.memory_space<vmem>>
    %dma_wait3A_750 = arith.constant 0 : i32
    %dma_wait3A_751 = tpu.memref_slice %arg2[%reduce_sum3A_209, %dma_wait3A_750, %mul3A_2] : memref<100x64x4096xf32, #tpu.memory_space<hbm>> -> memref<1x64x128xf32, #tpu.memory_space<hbm>>
    %dma_wait3A_752 = tpu.memref_squeeze %dma_wait3A_751 : memref<1x64x128xf32, #tpu.memory_space<hbm>> -> memref<64x128xf32, #tpu.memory_space<hbm>>
    %dma_wait3A_753 = arith.constant 0 : i32
    %dma_wait3A_754 = arith.constant 0 : i32
    %dma_wait3A_755 = tpu.memref_slice %arg6[%dma_wait3A_745, %dma_wait3A_753, %dma_wait3A_754] : memref<15x64x128xf32, #tpu.memory_space<vmem>> -> memref<1x64x128xf32, #tpu.memory_space<vmem>>
    %dma_wait3A_756 = tpu.memref_squeeze %dma_wait3A_755 : memref<1x64x128xf32, #tpu.memory_space<vmem>> -> memref<64x128xf32, #tpu.memory_space<vmem>>
    %dma_wait3A_757 = arith.constant 0 : i32
    %dma_wait3A_758 = tpu.memref_slice %arg2[%reduce_sum3A_209, %dma_wait3A_757, %mul3A_2] : memref<100x64x4096xf32, #tpu.memory_space<hbm>> -> memref<1x64x128xf32, #tpu.memory_space<hbm>>
    %dma_wait3A_759 = tpu.memref_squeeze %dma_wait3A_758 : memref<1x64x128xf32, #tpu.memory_space<hbm>> -> memref<64x128xf32, #tpu.memory_space<hbm>>
    tpu.wait_dma2 semaphore(%arg7 : memref<!tpu.dma_semaphore, #tpu.memory_space<semaphore_mem>>) src(%dma_wait3A_759 : memref<64x128xf32, #tpu.memory_space<hbm>>) dst(%dma_wait3A_756 : memref<64x128xf32, #tpu.memory_space<vmem>>)
    %dma_start3A_760 = arith.constant 8 : i32
    %dma_start3A_761 = arith.constant 8 : i32
    %dma_start3A_762 = arith.constant 0 : i32
    %dma_start3A_763 = arith.constant 0 : i32
    %dma_start3A_764 = tpu.memref_slice %arg6[%dma_start3A_760, %dma_start3A_762, %dma_start3A_763] : memref<15x64x128xf32, #tpu.memory_space<vmem>> -> memref<1x64x128xf32, #tpu.memory_space<vmem>>
    %dma_start3A_765 = tpu.memref_squeeze %dma_start3A_764 : memref<1x64x128xf32, #tpu.memory_space<vmem>> -> memref<64x128xf32, #tpu.memory_space<vmem>>
    %dma_start3A_766 = arith.constant 0 : i32
    %dma_start3A_767 = tpu.memref_slice %arg4[%dma_start3A_761, %dma_start3A_766, %mul3A_2] : memref<26x64x4096xf32, #tpu.memory_space<hbm>> -> memref<1x64x128xf32, #tpu.memory_space<hbm>>
    %dma_start3A_768 = tpu.memref_squeeze %dma_start3A_767 : memref<1x64x128xf32, #tpu.memory_space<hbm>> -> memref<64x128xf32, #tpu.memory_space<hbm>>
    %dma_start3A_769 = arith.constant 0 : i32
    %dma_start3A_770 = tpu.memref_slice %arg4[%dma_start3A_761, %dma_start3A_769, %mul3A_2] : memref<26x64x4096xf32, #tpu.memory_space<hbm>> -> memref<1x64x128xf32, #tpu.memory_space<hbm>>
    %dma_start3A_771 = tpu.memref_squeeze %dma_start3A_770 : memref<1x64x128xf32, #tpu.memory_space<hbm>> -> memref<64x128xf32, #tpu.memory_space<hbm>>
    %dma_start3A_772 = arith.constant 0 : i32
    %dma_start3A_773 = arith.constant 0 : i32
    %dma_start3A_774 = tpu.memref_slice %arg6[%dma_start3A_760, %dma_start3A_772, %dma_start3A_773] : memref<15x64x128xf32, #tpu.memory_space<vmem>> -> memref<1x64x128xf32, #tpu.memory_space<vmem>>
    %dma_start3A_775 = tpu.memref_squeeze %dma_start3A_774 : memref<1x64x128xf32, #tpu.memory_space<vmem>> -> memref<64x128xf32, #tpu.memory_space<vmem>>
    tpu.enqueue_dma source(%dma_start3A_775 : memref<64x128xf32, #tpu.memory_space<vmem>>) target(%dma_start3A_771 : memref<64x128xf32, #tpu.memory_space<hbm>>) target_semaphore(%arg8 : memref<!tpu.dma_semaphore, #tpu.memory_space<semaphore_mem>>)
    %dma_wait3A_776 = arith.constant 3 : i32
    %dma_wait3A_777 = arith.constant 3 : i32
    %dma_wait3A_778 = arith.constant 0 : i32
    %dma_wait3A_779 = arith.constant 0 : i32
    %dma_wait3A_780 = tpu.memref_slice %arg6[%dma_wait3A_776, %dma_wait3A_778, %dma_wait3A_779] : memref<15x64x128xf32, #tpu.memory_space<vmem>> -> memref<1x64x128xf32, #tpu.memory_space<vmem>>
    %dma_wait3A_781 = tpu.memref_squeeze %dma_wait3A_780 : memref<1x64x128xf32, #tpu.memory_space<vmem>> -> memref<64x128xf32, #tpu.memory_space<vmem>>
    %dma_wait3A_782 = arith.constant 0 : i32
    %dma_wait3A_783 = tpu.memref_slice %arg4[%dma_wait3A_777, %dma_wait3A_782, %mul3A_2] : memref<26x64x4096xf32, #tpu.memory_space<hbm>> -> memref<1x64x128xf32, #tpu.memory_space<hbm>>
    %dma_wait3A_784 = tpu.memref_squeeze %dma_wait3A_783 : memref<1x64x128xf32, #tpu.memory_space<hbm>> -> memref<64x128xf32, #tpu.memory_space<hbm>>
    %dma_wait3A_785 = arith.constant 0 : i32
    %dma_wait3A_786 = tpu.memref_slice %arg4[%dma_wait3A_777, %dma_wait3A_785, %mul3A_2] : memref<26x64x4096xf32, #tpu.memory_space<hbm>> -> memref<1x64x128xf32, #tpu.memory_space<hbm>>
    %dma_wait3A_787 = tpu.memref_squeeze %dma_wait3A_786 : memref<1x64x128xf32, #tpu.memory_space<hbm>> -> memref<64x128xf32, #tpu.memory_space<hbm>>
    %dma_wait3A_788 = arith.constant 0 : i32
    %dma_wait3A_789 = arith.constant 0 : i32
    %dma_wait3A_790 = tpu.memref_slice %arg6[%dma_wait3A_776, %dma_wait3A_788, %dma_wait3A_789] : memref<15x64x128xf32, #tpu.memory_space<vmem>> -> memref<1x64x128xf32, #tpu.memory_space<vmem>>
    %dma_wait3A_791 = tpu.memref_squeeze %dma_wait3A_790 : memref<1x64x128xf32, #tpu.memory_space<vmem>> -> memref<64x128xf32, #tpu.memory_space<vmem>>
    tpu.wait_dma2 semaphore(%arg8 : memref<!tpu.dma_semaphore, #tpu.memory_space<semaphore_mem>>) src(%dma_wait3A_791 : memref<64x128xf32, #tpu.memory_space<vmem>>) dst(%dma_wait3A_787 : memref<64x128xf32, #tpu.memory_space<hbm>>)
    %eq3A_792 = arith.constant 2 : i32
    %eq3A_793 = vector.broadcast %eq3A_792 : i32 to vector<16xi32>
    %eq3A_794 = arith.cmpi eq, %iota3A, %eq3A_793 : vector<16xi32>
    %jit3A_795 = arith.constant 0 : i32
    %broadcast_in_dim3A_796 = vector.broadcast %jit3A_795 : i32 to vector<16xi32>
    %select_n3A_797 = arith.select %eq3A_794, %get3A_5, %broadcast_in_dim3A_796 : vector<16xi1>, vector<16xi32>
    %reduce_sum3A_798 = arith.constant true
    %reduce_sum3A_799 = vector.broadcast %reduce_sum3A_798 : i1 to vector<16xi1>
    %reduce_sum3A_800 = tpu.scan <sum>, %select_n3A_797 masked %reduce_sum3A_799 : vector<16xi32>, vector<16xi1> -> vector<16xi32>
    %reduce_sum3A_801 = vector.extract %reduce_sum3A_800[15] : i32 from vector<16xi32>
    %dma_start3A_802 = arith.constant 3 : i32
    %dma_start3A_803 = arith.constant 0 : i32
    %dma_start3A_804 = arith.constant 0 : i32
    %dma_start3A_805 = tpu.memref_slice %arg6[%dma_start3A_802, %dma_start3A_803, %dma_start3A_804] : memref<15x64x128xf32, #tpu.memory_space<vmem>> -> memref<1x64x128xf32, #tpu.memory_space<vmem>>
    %dma_start3A_806 = tpu.memref_squeeze %dma_start3A_805 : memref<1x64x128xf32, #tpu.memory_space<vmem>> -> memref<64x128xf32, #tpu.memory_space<vmem>>
    %dma_start3A_807 = arith.constant 0 : i32
    %dma_start3A_808 = tpu.memref_slice %arg2[%reduce_sum3A_801, %dma_start3A_807, %mul3A_2] : memref<100x64x4096xf32, #tpu.memory_space<hbm>> -> memref<1x64x128xf32, #tpu.memory_space<hbm>>
    %dma_start3A_809 = tpu.memref_squeeze %dma_start3A_808 : memref<1x64x128xf32, #tpu.memory_space<hbm>> -> memref<64x128xf32, #tpu.memory_space<hbm>>
    %dma_start3A_810 = arith.constant 0 : i32
    %dma_start3A_811 = arith.constant 0 : i32
    %dma_start3A_812 = tpu.memref_slice %arg6[%dma_start3A_802, %dma_start3A_810, %dma_start3A_811] : memref<15x64x128xf32, #tpu.memory_space<vmem>> -> memref<1x64x128xf32, #tpu.memory_space<vmem>>
    %dma_start3A_813 = tpu.memref_squeeze %dma_start3A_812 : memref<1x64x128xf32, #tpu.memory_space<vmem>> -> memref<64x128xf32, #tpu.memory_space<vmem>>
    %dma_start3A_814 = arith.constant 0 : i32
    %dma_start3A_815 = tpu.memref_slice %arg2[%reduce_sum3A_801, %dma_start3A_814, %mul3A_2] : memref<100x64x4096xf32, #tpu.memory_space<hbm>> -> memref<1x64x128xf32, #tpu.memory_space<hbm>>
    %dma_start3A_816 = tpu.memref_squeeze %dma_start3A_815 : memref<1x64x128xf32, #tpu.memory_space<hbm>> -> memref<64x128xf32, #tpu.memory_space<hbm>>
    tpu.enqueue_dma source(%dma_start3A_816 : memref<64x128xf32, #tpu.memory_space<hbm>>) target(%dma_start3A_813 : memref<64x128xf32, #tpu.memory_space<vmem>>) target_semaphore(%arg7 : memref<!tpu.dma_semaphore, #tpu.memory_space<semaphore_mem>>)
    %dma_wait3A_817 = arith.constant 9 : i32
    %dma_wait3A_818 = arith.constant 0 : i32
    %dma_wait3A_819 = arith.constant 0 : i32
    %dma_wait3A_820 = tpu.memref_slice %arg6[%dma_wait3A_817, %dma_wait3A_818, %dma_wait3A_819] : memref<15x64x128xf32, #tpu.memory_space<vmem>> -> memref<1x64x128xf32, #tpu.memory_space<vmem>>
    %dma_wait3A_821 = tpu.memref_squeeze %dma_wait3A_820 : memref<1x64x128xf32, #tpu.memory_space<vmem>> -> memref<64x128xf32, #tpu.memory_space<vmem>>
    %dma_wait3A_822 = arith.constant 0 : i32
    %dma_wait3A_823 = tpu.memref_slice %arg2[%reduce_sum3A_234, %dma_wait3A_822, %mul3A_2] : memref<100x64x4096xf32, #tpu.memory_space<hbm>> -> memref<1x64x128xf32, #tpu.memory_space<hbm>>
    %dma_wait3A_824 = tpu.memref_squeeze %dma_wait3A_823 : memref<1x64x128xf32, #tpu.memory_space<hbm>> -> memref<64x128xf32, #tpu.memory_space<hbm>>
    %dma_wait3A_825 = arith.constant 0 : i32
    %dma_wait3A_826 = arith.constant 0 : i32
    %dma_wait3A_827 = tpu.memref_slice %arg6[%dma_wait3A_817, %dma_wait3A_825, %dma_wait3A_826] : memref<15x64x128xf32, #tpu.memory_space<vmem>> -> memref<1x64x128xf32, #tpu.memory_space<vmem>>
    %dma_wait3A_828 = tpu.memref_squeeze %dma_wait3A_827 : memref<1x64x128xf32, #tpu.memory_space<vmem>> -> memref<64x128xf32, #tpu.memory_space<vmem>>
    %dma_wait3A_829 = arith.constant 0 : i32
    %dma_wait3A_830 = tpu.memref_slice %arg2[%reduce_sum3A_234, %dma_wait3A_829, %mul3A_2] : memref<100x64x4096xf32, #tpu.memory_space<hbm>> -> memref<1x64x128xf32, #tpu.memory_space<hbm>>
    %dma_wait3A_831 = tpu.memref_squeeze %dma_wait3A_830 : memref<1x64x128xf32, #tpu.memory_space<hbm>> -> memref<64x128xf32, #tpu.memory_space<hbm>>
    tpu.wait_dma2 semaphore(%arg7 : memref<!tpu.dma_semaphore, #tpu.memory_space<semaphore_mem>>) src(%dma_wait3A_831 : memref<64x128xf32, #tpu.memory_space<hbm>>) dst(%dma_wait3A_828 : memref<64x128xf32, #tpu.memory_space<vmem>>)
    %dma_start3A_832 = arith.constant 9 : i32
    %dma_start3A_833 = arith.constant 9 : i32
    %dma_start3A_834 = arith.constant 0 : i32
    %dma_start3A_835 = arith.constant 0 : i32
    %dma_start3A_836 = tpu.memref_slice %arg6[%dma_start3A_832, %dma_start3A_834, %dma_start3A_835] : memref<15x64x128xf32, #tpu.memory_space<vmem>> -> memref<1x64x128xf32, #tpu.memory_space<vmem>>
    %dma_start3A_837 = tpu.memref_squeeze %dma_start3A_836 : memref<1x64x128xf32, #tpu.memory_space<vmem>> -> memref<64x128xf32, #tpu.memory_space<vmem>>
    %dma_start3A_838 = arith.constant 0 : i32
    %dma_start3A_839 = tpu.memref_slice %arg4[%dma_start3A_833, %dma_start3A_838, %mul3A_2] : memref<26x64x4096xf32, #tpu.memory_space<hbm>> -> memref<1x64x128xf32, #tpu.memory_space<hbm>>
    %dma_start3A_840 = tpu.memref_squeeze %dma_start3A_839 : memref<1x64x128xf32, #tpu.memory_space<hbm>> -> memref<64x128xf32, #tpu.memory_space<hbm>>
    %dma_start3A_841 = arith.constant 0 : i32
    %dma_start3A_842 = tpu.memref_slice %arg4[%dma_start3A_833, %dma_start3A_841, %mul3A_2] : memref<26x64x4096xf32, #tpu.memory_space<hbm>> -> memref<1x64x128xf32, #tpu.memory_space<hbm>>
    %dma_start3A_843 = tpu.memref_squeeze %dma_start3A_842 : memref<1x64x128xf32, #tpu.memory_space<hbm>> -> memref<64x128xf32, #tpu.memory_space<hbm>>
    %dma_start3A_844 = arith.constant 0 : i32
    %dma_start3A_845 = arith.constant 0 : i32
    %dma_start3A_846 = tpu.memref_slice %arg6[%dma_start3A_832, %dma_start3A_844, %dma_start3A_845] : memref<15x64x128xf32, #tpu.memory_space<vmem>> -> memref<1x64x128xf32, #tpu.memory_space<vmem>>
    %dma_start3A_847 = tpu.memref_squeeze %dma_start3A_846 : memref<1x64x128xf32, #tpu.memory_space<vmem>> -> memref<64x128xf32, #tpu.memory_space<vmem>>
    tpu.enqueue_dma source(%dma_start3A_847 : memref<64x128xf32, #tpu.memory_space<vmem>>) target(%dma_start3A_843 : memref<64x128xf32, #tpu.memory_space<hbm>>) target_semaphore(%arg8 : memref<!tpu.dma_semaphore, #tpu.memory_space<semaphore_mem>>)
    %dma_wait3A_848 = arith.constant 4 : i32
    %dma_wait3A_849 = arith.constant 4 : i32
    %dma_wait3A_850 = arith.constant 0 : i32
    %dma_wait3A_851 = arith.constant 0 : i32
    %dma_wait3A_852 = tpu.memref_slice %arg6[%dma_wait3A_848, %dma_wait3A_850, %dma_wait3A_851] : memref<15x64x128xf32, #tpu.memory_space<vmem>> -> memref<1x64x128xf32, #tpu.memory_space<vmem>>
    %dma_wait3A_853 = tpu.memref_squeeze %dma_wait3A_852 : memref<1x64x128xf32, #tpu.memory_space<vmem>> -> memref<64x128xf32, #tpu.memory_space<vmem>>
    %dma_wait3A_854 = arith.constant 0 : i32
    %dma_wait3A_855 = tpu.memref_slice %arg4[%dma_wait3A_849, %dma_wait3A_854, %mul3A_2] : memref<26x64x4096xf32, #tpu.memory_space<hbm>> -> memref<1x64x128xf32, #tpu.memory_space<hbm>>
    %dma_wait3A_856 = tpu.memref_squeeze %dma_wait3A_855 : memref<1x64x128xf32, #tpu.memory_space<hbm>> -> memref<64x128xf32, #tpu.memory_space<hbm>>
    %dma_wait3A_857 = arith.constant 0 : i32
    %dma_wait3A_858 = tpu.memref_slice %arg4[%dma_wait3A_849, %dma_wait3A_857, %mul3A_2] : memref<26x64x4096xf32, #tpu.memory_space<hbm>> -> memref<1x64x128xf32, #tpu.memory_space<hbm>>
    %dma_wait3A_859 = tpu.memref_squeeze %dma_wait3A_858 : memref<1x64x128xf32, #tpu.memory_space<hbm>> -> memref<64x128xf32, #tpu.memory_space<hbm>>
    %dma_wait3A_860 = arith.constant 0 : i32
    %dma_wait3A_861 = arith.constant 0 : i32
    %dma_wait3A_862 = tpu.memref_slice %arg6[%dma_wait3A_848, %dma_wait3A_860, %dma_wait3A_861] : memref<15x64x128xf32, #tpu.memory_space<vmem>> -> memref<1x64x128xf32, #tpu.memory_space<vmem>>
    %dma_wait3A_863 = tpu.memref_squeeze %dma_wait3A_862 : memref<1x64x128xf32, #tpu.memory_space<vmem>> -> memref<64x128xf32, #tpu.memory_space<vmem>>
    tpu.wait_dma2 semaphore(%arg8 : memref<!tpu.dma_semaphore, #tpu.memory_space<semaphore_mem>>) src(%dma_wait3A_863 : memref<64x128xf32, #tpu.memory_space<vmem>>) dst(%dma_wait3A_859 : memref<64x128xf32, #tpu.memory_space<hbm>>)
    %eq3A_864 = arith.constant 3 : i32
    %eq3A_865 = vector.broadcast %eq3A_864 : i32 to vector<16xi32>
    %eq3A_866 = arith.cmpi eq, %iota3A, %eq3A_865 : vector<16xi32>
    %jit3A_867 = arith.constant 0 : i32
    %broadcast_in_dim3A_868 = vector.broadcast %jit3A_867 : i32 to vector<16xi32>
    %select_n3A_869 = arith.select %eq3A_866, %get3A_5, %broadcast_in_dim3A_868 : vector<16xi1>, vector<16xi32>
    %reduce_sum3A_870 = arith.constant true
    %reduce_sum3A_871 = vector.broadcast %reduce_sum3A_870 : i1 to vector<16xi1>
    %reduce_sum3A_872 = tpu.scan <sum>, %select_n3A_869 masked %reduce_sum3A_871 : vector<16xi32>, vector<16xi1> -> vector<16xi32>
    %reduce_sum3A_873 = vector.extract %reduce_sum3A_872[15] : i32 from vector<16xi32>
    %dma_start3A_874 = arith.constant 4 : i32
    %dma_start3A_875 = arith.constant 0 : i32
    %dma_start3A_876 = arith.constant 0 : i32
    %dma_start3A_877 = tpu.memref_slice %arg6[%dma_start3A_874, %dma_start3A_875, %dma_start3A_876] : memref<15x64x128xf32, #tpu.memory_space<vmem>> -> memref<1x64x128xf32, #tpu.memory_space<vmem>>
    %dma_start3A_878 = tpu.memref_squeeze %dma_start3A_877 : memref<1x64x128xf32, #tpu.memory_space<vmem>> -> memref<64x128xf32, #tpu.memory_space<vmem>>
    %dma_start3A_879 = arith.constant 0 : i32
    %dma_start3A_880 = tpu.memref_slice %arg2[%reduce_sum3A_873, %dma_start3A_879, %mul3A_2] : memref<100x64x4096xf32, #tpu.memory_space<hbm>> -> memref<1x64x128xf32, #tpu.memory_space<hbm>>
    %dma_start3A_881 = tpu.memref_squeeze %dma_start3A_880 : memref<1x64x128xf32, #tpu.memory_space<hbm>> -> memref<64x128xf32, #tpu.memory_space<hbm>>
    %dma_start3A_882 = arith.constant 0 : i32
    %dma_start3A_883 = arith.constant 0 : i32
    %dma_start3A_884 = tpu.memref_slice %arg6[%dma_start3A_874, %dma_start3A_882, %dma_start3A_883] : memref<15x64x128xf32, #tpu.memory_space<vmem>> -> memref<1x64x128xf32, #tpu.memory_space<vmem>>
    %dma_start3A_885 = tpu.memref_squeeze %dma_start3A_884 : memref<1x64x128xf32, #tpu.memory_space<vmem>> -> memref<64x128xf32, #tpu.memory_space<vmem>>
    %dma_start3A_886 = arith.constant 0 : i32
    %dma_start3A_887 = tpu.memref_slice %arg2[%reduce_sum3A_873, %dma_start3A_886, %mul3A_2] : memref<100x64x4096xf32, #tpu.memory_space<hbm>> -> memref<1x64x128xf32, #tpu.memory_space<hbm>>
    %dma_start3A_888 = tpu.memref_squeeze %dma_start3A_887 : memref<1x64x128xf32, #tpu.memory_space<hbm>> -> memref<64x128xf32, #tpu.memory_space<hbm>>
    tpu.enqueue_dma source(%dma_start3A_888 : memref<64x128xf32, #tpu.memory_space<hbm>>) target(%dma_start3A_885 : memref<64x128xf32, #tpu.memory_space<vmem>>) target_semaphore(%arg7 : memref<!tpu.dma_semaphore, #tpu.memory_space<semaphore_mem>>)
    %dma_wait3A_889 = arith.constant 10 : i32
    %dma_wait3A_890 = arith.constant 0 : i32
    %dma_wait3A_891 = arith.constant 0 : i32
    %dma_wait3A_892 = tpu.memref_slice %arg6[%dma_wait3A_889, %dma_wait3A_890, %dma_wait3A_891] : memref<15x64x128xf32, #tpu.memory_space<vmem>> -> memref<1x64x128xf32, #tpu.memory_space<vmem>>
    %dma_wait3A_893 = tpu.memref_squeeze %dma_wait3A_892 : memref<1x64x128xf32, #tpu.memory_space<vmem>> -> memref<64x128xf32, #tpu.memory_space<vmem>>
    %dma_wait3A_894 = arith.constant 0 : i32
    %dma_wait3A_895 = tpu.memref_slice %arg2[%reduce_sum3A_289, %dma_wait3A_894, %mul3A_2] : memref<100x64x4096xf32, #tpu.memory_space<hbm>> -> memref<1x64x128xf32, #tpu.memory_space<hbm>>
    %dma_wait3A_896 = tpu.memref_squeeze %dma_wait3A_895 : memref<1x64x128xf32, #tpu.memory_space<hbm>> -> memref<64x128xf32, #tpu.memory_space<hbm>>
    %dma_wait3A_897 = arith.constant 0 : i32
    %dma_wait3A_898 = arith.constant 0 : i32
    %dma_wait3A_899 = tpu.memref_slice %arg6[%dma_wait3A_889, %dma_wait3A_897, %dma_wait3A_898] : memref<15x64x128xf32, #tpu.memory_space<vmem>> -> memref<1x64x128xf32, #tpu.memory_space<vmem>>
    %dma_wait3A_900 = tpu.memref_squeeze %dma_wait3A_899 : memref<1x64x128xf32, #tpu.memory_space<vmem>> -> memref<64x128xf32, #tpu.memory_space<vmem>>
    %dma_wait3A_901 = arith.constant 0 : i32
    %dma_wait3A_902 = tpu.memref_slice %arg2[%reduce_sum3A_289, %dma_wait3A_901, %mul3A_2] : memref<100x64x4096xf32, #tpu.memory_space<hbm>> -> memref<1x64x128xf32, #tpu.memory_space<hbm>>
    %dma_wait3A_903 = tpu.memref_squeeze %dma_wait3A_902 : memref<1x64x128xf32, #tpu.memory_space<hbm>> -> memref<64x128xf32, #tpu.memory_space<hbm>>
    tpu.wait_dma2 semaphore(%arg7 : memref<!tpu.dma_semaphore, #tpu.memory_space<semaphore_mem>>) src(%dma_wait3A_903 : memref<64x128xf32, #tpu.memory_space<hbm>>) dst(%dma_wait3A_900 : memref<64x128xf32, #tpu.memory_space<vmem>>)
    %dma_start3A_904 = arith.constant 10 : i32
    %dma_start3A_905 = arith.constant 10 : i32
    %dma_start3A_906 = arith.constant 0 : i32
    %dma_start3A_907 = arith.constant 0 : i32
    %dma_start3A_908 = tpu.memref_slice %arg6[%dma_start3A_904, %dma_start3A_906, %dma_start3A_907] : memref<15x64x128xf32, #tpu.memory_space<vmem>> -> memref<1x64x128xf32, #tpu.memory_space<vmem>>
    %dma_start3A_909 = tpu.memref_squeeze %dma_start3A_908 : memref<1x64x128xf32, #tpu.memory_space<vmem>> -> memref<64x128xf32, #tpu.memory_space<vmem>>
    %dma_start3A_910 = arith.constant 0 : i32
    %dma_start3A_911 = tpu.memref_slice %arg4[%dma_start3A_905, %dma_start3A_910, %mul3A_2] : memref<26x64x4096xf32, #tpu.memory_space<hbm>> -> memref<1x64x128xf32, #tpu.memory_space<hbm>>
    %dma_start3A_912 = tpu.memref_squeeze %dma_start3A_911 : memref<1x64x128xf32, #tpu.memory_space<hbm>> -> memref<64x128xf32, #tpu.memory_space<hbm>>
    %dma_start3A_913 = arith.constant 0 : i32
    %dma_start3A_914 = tpu.memref_slice %arg4[%dma_start3A_905, %dma_start3A_913, %mul3A_2] : memref<26x64x4096xf32, #tpu.memory_space<hbm>> -> memref<1x64x128xf32, #tpu.memory_space<hbm>>
    %dma_start3A_915 = tpu.memref_squeeze %dma_start3A_914 : memref<1x64x128xf32, #tpu.memory_space<hbm>> -> memref<64x128xf32, #tpu.memory_space<hbm>>
    %dma_start3A_916 = arith.constant 0 : i32
    %dma_start3A_917 = arith.constant 0 : i32
    %dma_start3A_918 = tpu.memref_slice %arg6[%dma_start3A_904, %dma_start3A_916, %dma_start3A_917] : memref<15x64x128xf32, #tpu.memory_space<vmem>> -> memref<1x64x128xf32, #tpu.memory_space<vmem>>
    %dma_start3A_919 = tpu.memref_squeeze %dma_start3A_918 : memref<1x64x128xf32, #tpu.memory_space<vmem>> -> memref<64x128xf32, #tpu.memory_space<vmem>>
    tpu.enqueue_dma source(%dma_start3A_919 : memref<64x128xf32, #tpu.memory_space<vmem>>) target(%dma_start3A_915 : memref<64x128xf32, #tpu.memory_space<hbm>>) target_semaphore(%arg8 : memref<!tpu.dma_semaphore, #tpu.memory_space<semaphore_mem>>)
    %dma_wait3A_920 = arith.constant 5 : i32
    %dma_wait3A_921 = arith.constant 5 : i32
    %dma_wait3A_922 = arith.constant 0 : i32
    %dma_wait3A_923 = arith.constant 0 : i32
    %dma_wait3A_924 = tpu.memref_slice %arg6[%dma_wait3A_920, %dma_wait3A_922, %dma_wait3A_923] : memref<15x64x128xf32, #tpu.memory_space<vmem>> -> memref<1x64x128xf32, #tpu.memory_space<vmem>>
    %dma_wait3A_925 = tpu.memref_squeeze %dma_wait3A_924 : memref<1x64x128xf32, #tpu.memory_space<vmem>> -> memref<64x128xf32, #tpu.memory_space<vmem>>
    %dma_wait3A_926 = arith.constant 0 : i32
    %dma_wait3A_927 = tpu.memref_slice %arg4[%dma_wait3A_921, %dma_wait3A_926, %mul3A_2] : memref<26x64x4096xf32, #tpu.memory_space<hbm>> -> memref<1x64x128xf32, #tpu.memory_space<hbm>>
    %dma_wait3A_928 = tpu.memref_squeeze %dma_wait3A_927 : memref<1x64x128xf32, #tpu.memory_space<hbm>> -> memref<64x128xf32, #tpu.memory_space<hbm>>
    %dma_wait3A_929 = arith.constant 0 : i32
    %dma_wait3A_930 = tpu.memref_slice %arg4[%dma_wait3A_921, %dma_wait3A_929, %mul3A_2] : memref<26x64x4096xf32, #tpu.memory_space<hbm>> -> memref<1x64x128xf32, #tpu.memory_space<hbm>>
    %dma_wait3A_931 = tpu.memref_squeeze %dma_wait3A_930 : memref<1x64x128xf32, #tpu.memory_space<hbm>> -> memref<64x128xf32, #tpu.memory_space<hbm>>
    %dma_wait3A_932 = arith.constant 0 : i32
    %dma_wait3A_933 = arith.constant 0 : i32
    %dma_wait3A_934 = tpu.memref_slice %arg6[%dma_wait3A_920, %dma_wait3A_932, %dma_wait3A_933] : memref<15x64x128xf32, #tpu.memory_space<vmem>> -> memref<1x64x128xf32, #tpu.memory_space<vmem>>
    %dma_wait3A_935 = tpu.memref_squeeze %dma_wait3A_934 : memref<1x64x128xf32, #tpu.memory_space<vmem>> -> memref<64x128xf32, #tpu.memory_space<vmem>>
    tpu.wait_dma2 semaphore(%arg8 : memref<!tpu.dma_semaphore, #tpu.memory_space<semaphore_mem>>) src(%dma_wait3A_935 : memref<64x128xf32, #tpu.memory_space<vmem>>) dst(%dma_wait3A_931 : memref<64x128xf32, #tpu.memory_space<hbm>>)
    %eq3A_936 = arith.constant 4 : i32
    %eq3A_937 = vector.broadcast %eq3A_936 : i32 to vector<16xi32>
    %eq3A_938 = arith.cmpi eq, %iota3A, %eq3A_937 : vector<16xi32>
    %jit3A_939 = arith.constant 0 : i32
    %broadcast_in_dim3A_940 = vector.broadcast %jit3A_939 : i32 to vector<16xi32>
    %select_n3A_941 = arith.select %eq3A_938, %get3A_5, %broadcast_in_dim3A_940 : vector<16xi1>, vector<16xi32>
    %reduce_sum3A_942 = arith.constant true
    %reduce_sum3A_943 = vector.broadcast %reduce_sum3A_942 : i1 to vector<16xi1>
    %reduce_sum3A_944 = tpu.scan <sum>, %select_n3A_941 masked %reduce_sum3A_943 : vector<16xi32>, vector<16xi1> -> vector<16xi32>
    %reduce_sum3A_945 = vector.extract %reduce_sum3A_944[15] : i32 from vector<16xi32>
    %dma_start3A_946 = arith.constant 5 : i32
    %dma_start3A_947 = arith.constant 0 : i32
    %dma_start3A_948 = arith.constant 0 : i32
    %dma_start3A_949 = tpu.memref_slice %arg6[%dma_start3A_946, %dma_start3A_947, %dma_start3A_948] : memref<15x64x128xf32, #tpu.memory_space<vmem>> -> memref<1x64x128xf32, #tpu.memory_space<vmem>>
    %dma_start3A_950 = tpu.memref_squeeze %dma_start3A_949 : memref<1x64x128xf32, #tpu.memory_space<vmem>> -> memref<64x128xf32, #tpu.memory_space<vmem>>
    %dma_start3A_951 = arith.constant 0 : i32
    %dma_start3A_952 = tpu.memref_slice %arg2[%reduce_sum3A_945, %dma_start3A_951, %mul3A_2] : memref<100x64x4096xf32, #tpu.memory_space<hbm>> -> memref<1x64x128xf32, #tpu.memory_space<hbm>>
    %dma_start3A_953 = tpu.memref_squeeze %dma_start3A_952 : memref<1x64x128xf32, #tpu.memory_space<hbm>> -> memref<64x128xf32, #tpu.memory_space<hbm>>
    %dma_start3A_954 = arith.constant 0 : i32
    %dma_start3A_955 = arith.constant 0 : i32
    %dma_start3A_956 = tpu.memref_slice %arg6[%dma_start3A_946, %dma_start3A_954, %dma_start3A_955] : memref<15x64x128xf32, #tpu.memory_space<vmem>> -> memref<1x64x128xf32, #tpu.memory_space<vmem>>
    %dma_start3A_957 = tpu.memref_squeeze %dma_start3A_956 : memref<1x64x128xf32, #tpu.memory_space<vmem>> -> memref<64x128xf32, #tpu.memory_space<vmem>>
    %dma_start3A_958 = arith.constant 0 : i32
    %dma_start3A_959 = tpu.memref_slice %arg2[%reduce_sum3A_945, %dma_start3A_958, %mul3A_2] : memref<100x64x4096xf32, #tpu.memory_space<hbm>> -> memref<1x64x128xf32, #tpu.memory_space<hbm>>
    %dma_start3A_960 = tpu.memref_squeeze %dma_start3A_959 : memref<1x64x128xf32, #tpu.memory_space<hbm>> -> memref<64x128xf32, #tpu.memory_space<hbm>>
    tpu.enqueue_dma source(%dma_start3A_960 : memref<64x128xf32, #tpu.memory_space<hbm>>) target(%dma_start3A_957 : memref<64x128xf32, #tpu.memory_space<vmem>>) target_semaphore(%arg7 : memref<!tpu.dma_semaphore, #tpu.memory_space<semaphore_mem>>)
    %dma_wait3A_961 = arith.constant 11 : i32
    %dma_wait3A_962 = arith.constant 0 : i32
    %dma_wait3A_963 = arith.constant 0 : i32
    %dma_wait3A_964 = tpu.memref_slice %arg6[%dma_wait3A_961, %dma_wait3A_962, %dma_wait3A_963] : memref<15x64x128xf32, #tpu.memory_space<vmem>> -> memref<1x64x128xf32, #tpu.memory_space<vmem>>
    %dma_wait3A_965 = tpu.memref_squeeze %dma_wait3A_964 : memref<1x64x128xf32, #tpu.memory_space<vmem>> -> memref<64x128xf32, #tpu.memory_space<vmem>>
    %dma_wait3A_966 = arith.constant 0 : i32
    %dma_wait3A_967 = tpu.memref_slice %arg2[%reduce_sum3A_345, %dma_wait3A_966, %mul3A_2] : memref<100x64x4096xf32, #tpu.memory_space<hbm>> -> memref<1x64x128xf32, #tpu.memory_space<hbm>>
    %dma_wait3A_968 = tpu.memref_squeeze %dma_wait3A_967 : memref<1x64x128xf32, #tpu.memory_space<hbm>> -> memref<64x128xf32, #tpu.memory_space<hbm>>
    %dma_wait3A_969 = arith.constant 0 : i32
    %dma_wait3A_970 = arith.constant 0 : i32
    %dma_wait3A_971 = tpu.memref_slice %arg6[%dma_wait3A_961, %dma_wait3A_969, %dma_wait3A_970] : memref<15x64x128xf32, #tpu.memory_space<vmem>> -> memref<1x64x128xf32, #tpu.memory_space<vmem>>
    %dma_wait3A_972 = tpu.memref_squeeze %dma_wait3A_971 : memref<1x64x128xf32, #tpu.memory_space<vmem>> -> memref<64x128xf32, #tpu.memory_space<vmem>>
    %dma_wait3A_973 = arith.constant 0 : i32
    %dma_wait3A_974 = tpu.memref_slice %arg2[%reduce_sum3A_345, %dma_wait3A_973, %mul3A_2] : memref<100x64x4096xf32, #tpu.memory_space<hbm>> -> memref<1x64x128xf32, #tpu.memory_space<hbm>>
    %dma_wait3A_975 = tpu.memref_squeeze %dma_wait3A_974 : memref<1x64x128xf32, #tpu.memory_space<hbm>> -> memref<64x128xf32, #tpu.memory_space<hbm>>
    tpu.wait_dma2 semaphore(%arg7 : memref<!tpu.dma_semaphore, #tpu.memory_space<semaphore_mem>>) src(%dma_wait3A_975 : memref<64x128xf32, #tpu.memory_space<hbm>>) dst(%dma_wait3A_972 : memref<64x128xf32, #tpu.memory_space<vmem>>)
    %dma_start3A_976 = arith.constant 11 : i32
    %dma_start3A_977 = arith.constant 11 : i32
    %dma_start3A_978 = arith.constant 0 : i32
    %dma_start3A_979 = arith.constant 0 : i32
    %dma_start3A_980 = tpu.memref_slice %arg6[%dma_start3A_976, %dma_start3A_978, %dma_start3A_979] : memref<15x64x128xf32, #tpu.memory_space<vmem>> -> memref<1x64x128xf32, #tpu.memory_space<vmem>>
    %dma_start3A_981 = tpu.memref_squeeze %dma_start3A_980 : memref<1x64x128xf32, #tpu.memory_space<vmem>> -> memref<64x128xf32, #tpu.memory_space<vmem>>
    %dma_start3A_982 = arith.constant 0 : i32
    %dma_start3A_983 = tpu.memref_slice %arg4[%dma_start3A_977, %dma_start3A_982, %mul3A_2] : memref<26x64x4096xf32, #tpu.memory_space<hbm>> -> memref<1x64x128xf32, #tpu.memory_space<hbm>>
    %dma_start3A_984 = tpu.memref_squeeze %dma_start3A_983 : memref<1x64x128xf32, #tpu.memory_space<hbm>> -> memref<64x128xf32, #tpu.memory_space<hbm>>
    %dma_start3A_985 = arith.constant 0 : i32
    %dma_start3A_986 = tpu.memref_slice %arg4[%dma_start3A_977, %dma_start3A_985, %mul3A_2] : memref<26x64x4096xf32, #tpu.memory_space<hbm>> -> memref<1x64x128xf32, #tpu.memory_space<hbm>>
    %dma_start3A_987 = tpu.memref_squeeze %dma_start3A_986 : memref<1x64x128xf32, #tpu.memory_space<hbm>> -> memref<64x128xf32, #tpu.memory_space<hbm>>
    %dma_start3A_988 = arith.constant 0 : i32
    %dma_start3A_989 = arith.constant 0 : i32
    %dma_start3A_990 = tpu.memref_slice %arg6[%dma_start3A_976, %dma_start3A_988, %dma_start3A_989] : memref<15x64x128xf32, #tpu.memory_space<vmem>> -> memref<1x64x128xf32, #tpu.memory_space<vmem>>
    %dma_start3A_991 = tpu.memref_squeeze %dma_start3A_990 : memref<1x64x128xf32, #tpu.memory_space<vmem>> -> memref<64x128xf32, #tpu.memory_space<vmem>>
    tpu.enqueue_dma source(%dma_start3A_991 : memref<64x128xf32, #tpu.memory_space<vmem>>) target(%dma_start3A_987 : memref<64x128xf32, #tpu.memory_space<hbm>>) target_semaphore(%arg8 : memref<!tpu.dma_semaphore, #tpu.memory_space<semaphore_mem>>)
    %dma_wait3A_992 = arith.constant 6 : i32
    %dma_wait3A_993 = arith.constant 6 : i32
    %dma_wait3A_994 = arith.constant 0 : i32
    %dma_wait3A_995 = arith.constant 0 : i32
    %dma_wait3A_996 = tpu.memref_slice %arg6[%dma_wait3A_992, %dma_wait3A_994, %dma_wait3A_995] : memref<15x64x128xf32, #tpu.memory_space<vmem>> -> memref<1x64x128xf32, #tpu.memory_space<vmem>>
    %dma_wait3A_997 = tpu.memref_squeeze %dma_wait3A_996 : memref<1x64x128xf32, #tpu.memory_space<vmem>> -> memref<64x128xf32, #tpu.memory_space<vmem>>
    %dma_wait3A_998 = arith.constant 0 : i32
    %dma_wait3A_999 = tpu.memref_slice %arg4[%dma_wait3A_993, %dma_wait3A_998, %mul3A_2] : memref<26x64x4096xf32, #tpu.memory_space<hbm>> -> memref<1x64x128xf32, #tpu.memory_space<hbm>>
    %dma_wait3A_1000 = tpu.memref_squeeze %dma_wait3A_999 : memref<1x64x128xf32, #tpu.memory_space<hbm>> -> memref<64x128xf32, #tpu.memory_space<hbm>>
    %dma_wait3A_1001 = arith.constant 0 : i32
    %dma_wait3A_1002 = tpu.memref_slice %arg4[%dma_wait3A_993, %dma_wait3A_1001, %mul3A_2] : memref<26x64x4096xf32, #tpu.memory_space<hbm>> -> memref<1x64x128xf32, #tpu.memory_space<hbm>>
    %dma_wait3A_1003 = tpu.memref_squeeze %dma_wait3A_1002 : memref<1x64x128xf32, #tpu.memory_space<hbm>> -> memref<64x128xf32, #tpu.memory_space<hbm>>
    %dma_wait3A_1004 = arith.constant 0 : i32
    %dma_wait3A_1005 = arith.constant 0 : i32
    %dma_wait3A_1006 = tpu.memref_slice %arg6[%dma_wait3A_992, %dma_wait3A_1004, %dma_wait3A_1005] : memref<15x64x128xf32, #tpu.memory_space<vmem>> -> memref<1x64x128xf32, #tpu.memory_space<vmem>>
    %dma_wait3A_1007 = tpu.memref_squeeze %dma_wait3A_1006 : memref<1x64x128xf32, #tpu.memory_space<vmem>> -> memref<64x128xf32, #tpu.memory_space<vmem>>
    tpu.wait_dma2 semaphore(%arg8 : memref<!tpu.dma_semaphore, #tpu.memory_space<semaphore_mem>>) src(%dma_wait3A_1007 : memref<64x128xf32, #tpu.memory_space<vmem>>) dst(%dma_wait3A_1003 : memref<64x128xf32, #tpu.memory_space<hbm>>)
    %eq3A_1008 = arith.constant 5 : i32
    %eq3A_1009 = vector.broadcast %eq3A_1008 : i32 to vector<16xi32>
    %eq3A_1010 = arith.cmpi eq, %iota3A, %eq3A_1009 : vector<16xi32>
    %jit3A_1011 = arith.constant 0 : i32
    %broadcast_in_dim3A_1012 = vector.broadcast %jit3A_1011 : i32 to vector<16xi32>
    %select_n3A_1013 = arith.select %eq3A_1010, %get3A_5, %broadcast_in_dim3A_1012 : vector<16xi1>, vector<16xi32>
    %reduce_sum3A_1014 = arith.constant true
    %reduce_sum3A_1015 = vector.broadcast %reduce_sum3A_1014 : i1 to vector<16xi1>
    %reduce_sum3A_1016 = tpu.scan <sum>, %select_n3A_1013 masked %reduce_sum3A_1015 : vector<16xi32>, vector<16xi1> -> vector<16xi32>
    %reduce_sum3A_1017 = vector.extract %reduce_sum3A_1016[15] : i32 from vector<16xi32>
    %dma_start3A_1018 = arith.constant 6 : i32
    %dma_start3A_1019 = arith.constant 0 : i32
    %dma_start3A_1020 = arith.constant 0 : i32
    %dma_start3A_1021 = tpu.memref_slice %arg6[%dma_start3A_1018, %dma_start3A_1019, %dma_start3A_1020] : memref<15x64x128xf32, #tpu.memory_space<vmem>> -> memref<1x64x128xf32, #tpu.memory_space<vmem>>
    %dma_start3A_1022 = tpu.memref_squeeze %dma_start3A_1021 : memref<1x64x128xf32, #tpu.memory_space<vmem>> -> memref<64x128xf32, #tpu.memory_space<vmem>>
    %dma_start3A_1023 = arith.constant 0 : i32
    %dma_start3A_1024 = tpu.memref_slice %arg2[%reduce_sum3A_1017, %dma_start3A_1023, %mul3A_2] : memref<100x64x4096xf32, #tpu.memory_space<hbm>> -> memref<1x64x128xf32, #tpu.memory_space<hbm>>
    %dma_start3A_1025 = tpu.memref_squeeze %dma_start3A_1024 : memref<1x64x128xf32, #tpu.memory_space<hbm>> -> memref<64x128xf32, #tpu.memory_space<hbm>>
    %dma_start3A_1026 = arith.constant 0 : i32
    %dma_start3A_1027 = arith.constant 0 : i32
    %dma_start3A_1028 = tpu.memref_slice %arg6[%dma_start3A_1018, %dma_start3A_1026, %dma_start3A_1027] : memref<15x64x128xf32, #tpu.memory_space<vmem>> -> memref<1x64x128xf32, #tpu.memory_space<vmem>>
    %dma_start3A_1029 = tpu.memref_squeeze %dma_start3A_1028 : memref<1x64x128xf32, #tpu.memory_space<vmem>> -> memref<64x128xf32, #tpu.memory_space<vmem>>
    %dma_start3A_1030 = arith.constant 0 : i32
    %dma_start3A_1031 = tpu.memref_slice %arg2[%reduce_sum3A_1017, %dma_start3A_1030, %mul3A_2] : memref<100x64x4096xf32, #tpu.memory_space<hbm>> -> memref<1x64x128xf32, #tpu.memory_space<hbm>>
    %dma_start3A_1032 = tpu.memref_squeeze %dma_start3A_1031 : memref<1x64x128xf32, #tpu.memory_space<hbm>> -> memref<64x128xf32, #tpu.memory_space<hbm>>
    tpu.enqueue_dma source(%dma_start3A_1032 : memref<64x128xf32, #tpu.memory_space<hbm>>) target(%dma_start3A_1029 : memref<64x128xf32, #tpu.memory_space<vmem>>) target_semaphore(%arg7 : memref<!tpu.dma_semaphore, #tpu.memory_space<semaphore_mem>>)
    %dma_wait3A_1033 = arith.constant 12 : i32
    %dma_wait3A_1034 = arith.constant 0 : i32
    %dma_wait3A_1035 = arith.constant 0 : i32
    %dma_wait3A_1036 = tpu.memref_slice %arg6[%dma_wait3A_1033, %dma_wait3A_1034, %dma_wait3A_1035] : memref<15x64x128xf32, #tpu.memory_space<vmem>> -> memref<1x64x128xf32, #tpu.memory_space<vmem>>
    %dma_wait3A_1037 = tpu.memref_squeeze %dma_wait3A_1036 : memref<1x64x128xf32, #tpu.memory_space<vmem>> -> memref<64x128xf32, #tpu.memory_space<vmem>>
    %dma_wait3A_1038 = arith.constant 0 : i32
    %dma_wait3A_1039 = tpu.memref_slice %arg2[%reduce_sum3A_401, %dma_wait3A_1038, %mul3A_2] : memref<100x64x4096xf32, #tpu.memory_space<hbm>> -> memref<1x64x128xf32, #tpu.memory_space<hbm>>
    %dma_wait3A_1040 = tpu.memref_squeeze %dma_wait3A_1039 : memref<1x64x128xf32, #tpu.memory_space<hbm>> -> memref<64x128xf32, #tpu.memory_space<hbm>>
    %dma_wait3A_1041 = arith.constant 0 : i32
    %dma_wait3A_1042 = arith.constant 0 : i32
    %dma_wait3A_1043 = tpu.memref_slice %arg6[%dma_wait3A_1033, %dma_wait3A_1041, %dma_wait3A_1042] : memref<15x64x128xf32, #tpu.memory_space<vmem>> -> memref<1x64x128xf32, #tpu.memory_space<vmem>>
    %dma_wait3A_1044 = tpu.memref_squeeze %dma_wait3A_1043 : memref<1x64x128xf32, #tpu.memory_space<vmem>> -> memref<64x128xf32, #tpu.memory_space<vmem>>
    %dma_wait3A_1045 = arith.constant 0 : i32
    %dma_wait3A_1046 = tpu.memref_slice %arg2[%reduce_sum3A_401, %dma_wait3A_1045, %mul3A_2] : memref<100x64x4096xf32, #tpu.memory_space<hbm>> -> memref<1x64x128xf32, #tpu.memory_space<hbm>>
    %dma_wait3A_1047 = tpu.memref_squeeze %dma_wait3A_1046 : memref<1x64x128xf32, #tpu.memory_space<hbm>> -> memref<64x128xf32, #tpu.memory_space<hbm>>
    tpu.wait_dma2 semaphore(%arg7 : memref<!tpu.dma_semaphore, #tpu.memory_space<semaphore_mem>>) src(%dma_wait3A_1047 : memref<64x128xf32, #tpu.memory_space<hbm>>) dst(%dma_wait3A_1044 : memref<64x128xf32, #tpu.memory_space<vmem>>)
    %dma_start3A_1048 = arith.constant 12 : i32
    %dma_start3A_1049 = arith.constant 12 : i32
    %dma_start3A_1050 = arith.constant 0 : i32
    %dma_start3A_1051 = arith.constant 0 : i32
    %dma_start3A_1052 = tpu.memref_slice %arg6[%dma_start3A_1048, %dma_start3A_1050, %dma_start3A_1051] : memref<15x64x128xf32, #tpu.memory_space<vmem>> -> memref<1x64x128xf32, #tpu.memory_space<vmem>>
    %dma_start3A_1053 = tpu.memref_squeeze %dma_start3A_1052 : memref<1x64x128xf32, #tpu.memory_space<vmem>> -> memref<64x128xf32, #tpu.memory_space<vmem>>
    %dma_start3A_1054 = arith.constant 0 : i32
    %dma_start3A_1055 = tpu.memref_slice %arg4[%dma_start3A_1049, %dma_start3A_1054, %mul3A_2] : memref<26x64x4096xf32, #tpu.memory_space<hbm>> -> memref<1x64x128xf32, #tpu.memory_space<hbm>>
    %dma_start3A_1056 = tpu.memref_squeeze %dma_start3A_1055 : memref<1x64x128xf32, #tpu.memory_space<hbm>> -> memref<64x128xf32, #tpu.memory_space<hbm>>
    %dma_start3A_1057 = arith.constant 0 : i32
    %dma_start3A_1058 = tpu.memref_slice %arg4[%dma_start3A_1049, %dma_start3A_1057, %mul3A_2] : memref<26x64x4096xf32, #tpu.memory_space<hbm>> -> memref<1x64x128xf32, #tpu.memory_space<hbm>>
    %dma_start3A_1059 = tpu.memref_squeeze %dma_start3A_1058 : memref<1x64x128xf32, #tpu.memory_space<hbm>> -> memref<64x128xf32, #tpu.memory_space<hbm>>
    %dma_start3A_1060 = arith.constant 0 : i32
    %dma_start3A_1061 = arith.constant 0 : i32
    %dma_start3A_1062 = tpu.memref_slice %arg6[%dma_start3A_1048, %dma_start3A_1060, %dma_start3A_1061] : memref<15x64x128xf32, #tpu.memory_space<vmem>> -> memref<1x64x128xf32, #tpu.memory_space<vmem>>
    %dma_start3A_1063 = tpu.memref_squeeze %dma_start3A_1062 : memref<1x64x128xf32, #tpu.memory_space<vmem>> -> memref<64x128xf32, #tpu.memory_space<vmem>>
    tpu.enqueue_dma source(%dma_start3A_1063 : memref<64x128xf32, #tpu.memory_space<vmem>>) target(%dma_start3A_1059 : memref<64x128xf32, #tpu.memory_space<hbm>>) target_semaphore(%arg8 : memref<!tpu.dma_semaphore, #tpu.memory_space<semaphore_mem>>)
    %dma_wait3A_1064 = arith.constant 7 : i32
    %dma_wait3A_1065 = arith.constant 7 : i32
    %dma_wait3A_1066 = arith.constant 0 : i32
    %dma_wait3A_1067 = arith.constant 0 : i32
    %dma_wait3A_1068 = tpu.memref_slice %arg6[%dma_wait3A_1064, %dma_wait3A_1066, %dma_wait3A_1067] : memref<15x64x128xf32, #tpu.memory_space<vmem>> -> memref<1x64x128xf32, #tpu.memory_space<vmem>>
    %dma_wait3A_1069 = tpu.memref_squeeze %dma_wait3A_1068 : memref<1x64x128xf32, #tpu.memory_space<vmem>> -> memref<64x128xf32, #tpu.memory_space<vmem>>
    %dma_wait3A_1070 = arith.constant 0 : i32
    %dma_wait3A_1071 = tpu.memref_slice %arg4[%dma_wait3A_1065, %dma_wait3A_1070, %mul3A_2] : memref<26x64x4096xf32, #tpu.memory_space<hbm>> -> memref<1x64x128xf32, #tpu.memory_space<hbm>>
    %dma_wait3A_1072 = tpu.memref_squeeze %dma_wait3A_1071 : memref<1x64x128xf32, #tpu.memory_space<hbm>> -> memref<64x128xf32, #tpu.memory_space<hbm>>
    %dma_wait3A_1073 = arith.constant 0 : i32
    %dma_wait3A_1074 = tpu.memref_slice %arg4[%dma_wait3A_1065, %dma_wait3A_1073, %mul3A_2] : memref<26x64x4096xf32, #tpu.memory_space<hbm>> -> memref<1x64x128xf32, #tpu.memory_space<hbm>>
    %dma_wait3A_1075 = tpu.memref_squeeze %dma_wait3A_1074 : memref<1x64x128xf32, #tpu.memory_space<hbm>> -> memref<64x128xf32, #tpu.memory_space<hbm>>
    %dma_wait3A_1076 = arith.constant 0 : i32
    %dma_wait3A_1077 = arith.constant 0 : i32
    %dma_wait3A_1078 = tpu.memref_slice %arg6[%dma_wait3A_1064, %dma_wait3A_1076, %dma_wait3A_1077] : memref<15x64x128xf32, #tpu.memory_space<vmem>> -> memref<1x64x128xf32, #tpu.memory_space<vmem>>
    %dma_wait3A_1079 = tpu.memref_squeeze %dma_wait3A_1078 : memref<1x64x128xf32, #tpu.memory_space<vmem>> -> memref<64x128xf32, #tpu.memory_space<vmem>>
    tpu.wait_dma2 semaphore(%arg8 : memref<!tpu.dma_semaphore, #tpu.memory_space<semaphore_mem>>) src(%dma_wait3A_1079 : memref<64x128xf32, #tpu.memory_space<vmem>>) dst(%dma_wait3A_1075 : memref<64x128xf32, #tpu.memory_space<hbm>>)
    %eq3A_1080 = arith.constant 6 : i32
    %eq3A_1081 = vector.broadcast %eq3A_1080 : i32 to vector<16xi32>
    %eq3A_1082 = arith.cmpi eq, %iota3A, %eq3A_1081 : vector<16xi32>
    %jit3A_1083 = arith.constant 0 : i32
    %broadcast_in_dim3A_1084 = vector.broadcast %jit3A_1083 : i32 to vector<16xi32>
    %select_n3A_1085 = arith.select %eq3A_1082, %get3A_5, %broadcast_in_dim3A_1084 : vector<16xi1>, vector<16xi32>
    %reduce_sum3A_1086 = arith.constant true
    %reduce_sum3A_1087 = vector.broadcast %reduce_sum3A_1086 : i1 to vector<16xi1>
    %reduce_sum3A_1088 = tpu.scan <sum>, %select_n3A_1085 masked %reduce_sum3A_1087 : vector<16xi32>, vector<16xi1> -> vector<16xi32>
    %reduce_sum3A_1089 = vector.extract %reduce_sum3A_1088[15] : i32 from vector<16xi32>
    %dma_start3A_1090 = arith.constant 7 : i32
    %dma_start3A_1091 = arith.constant 0 : i32
    %dma_start3A_1092 = arith.constant 0 : i32
    %dma_start3A_1093 = tpu.memref_slice %arg6[%dma_start3A_1090, %dma_start3A_1091, %dma_start3A_1092] : memref<15x64x128xf32, #tpu.memory_space<vmem>> -> memref<1x64x128xf32, #tpu.memory_space<vmem>>
    %dma_start3A_1094 = tpu.memref_squeeze %dma_start3A_1093 : memref<1x64x128xf32, #tpu.memory_space<vmem>> -> memref<64x128xf32, #tpu.memory_space<vmem>>
    %dma_start3A_1095 = arith.constant 0 : i32
    %dma_start3A_1096 = tpu.memref_slice %arg2[%reduce_sum3A_1089, %dma_start3A_1095, %mul3A_2] : memref<100x64x4096xf32, #tpu.memory_space<hbm>> -> memref<1x64x128xf32, #tpu.memory_space<hbm>>
    %dma_start3A_1097 = tpu.memref_squeeze %dma_start3A_1096 : memref<1x64x128xf32, #tpu.memory_space<hbm>> -> memref<64x128xf32, #tpu.memory_space<hbm>>
    %dma_start3A_1098 = arith.constant 0 : i32
    %dma_start3A_1099 = arith.constant 0 : i32
    %dma_start3A_1100 = tpu.memref_slice %arg6[%dma_start3A_1090, %dma_start3A_1098, %dma_start3A_1099] : memref<15x64x128xf32, #tpu.memory_space<vmem>> -> memref<1x64x128xf32, #tpu.memory_space<vmem>>
    %dma_start3A_1101 = tpu.memref_squeeze %dma_start3A_1100 : memref<1x64x128xf32, #tpu.memory_space<vmem>> -> memref<64x128xf32, #tpu.memory_space<vmem>>
    %dma_start3A_1102 = arith.constant 0 : i32
    %dma_start3A_1103 = tpu.memref_slice %arg2[%reduce_sum3A_1089, %dma_start3A_1102, %mul3A_2] : memref<100x64x4096xf32, #tpu.memory_space<hbm>> -> memref<1x64x128xf32, #tpu.memory_space<hbm>>
    %dma_start3A_1104 = tpu.memref_squeeze %dma_start3A_1103 : memref<1x64x128xf32, #tpu.memory_space<hbm>> -> memref<64x128xf32, #tpu.memory_space<hbm>>
    tpu.enqueue_dma source(%dma_start3A_1104 : memref<64x128xf32, #tpu.memory_space<hbm>>) target(%dma_start3A_1101 : memref<64x128xf32, #tpu.memory_space<vmem>>) target_semaphore(%arg7 : memref<!tpu.dma_semaphore, #tpu.memory_space<semaphore_mem>>)
    %dma_wait3A_1105 = arith.constant 13 : i32
    %dma_wait3A_1106 = arith.constant 0 : i32
    %dma_wait3A_1107 = arith.constant 0 : i32
    %dma_wait3A_1108 = tpu.memref_slice %arg6[%dma_wait3A_1105, %dma_wait3A_1106, %dma_wait3A_1107] : memref<15x64x128xf32, #tpu.memory_space<vmem>> -> memref<1x64x128xf32, #tpu.memory_space<vmem>>
    %dma_wait3A_1109 = tpu.memref_squeeze %dma_wait3A_1108 : memref<1x64x128xf32, #tpu.memory_space<vmem>> -> memref<64x128xf32, #tpu.memory_space<vmem>>
    %dma_wait3A_1110 = arith.constant 0 : i32
    %dma_wait3A_1111 = tpu.memref_slice %arg2[%reduce_sum3A_457, %dma_wait3A_1110, %mul3A_2] : memref<100x64x4096xf32, #tpu.memory_space<hbm>> -> memref<1x64x128xf32, #tpu.memory_space<hbm>>
    %dma_wait3A_1112 = tpu.memref_squeeze %dma_wait3A_1111 : memref<1x64x128xf32, #tpu.memory_space<hbm>> -> memref<64x128xf32, #tpu.memory_space<hbm>>
    %dma_wait3A_1113 = arith.constant 0 : i32
    %dma_wait3A_1114 = arith.constant 0 : i32
    %dma_wait3A_1115 = tpu.memref_slice %arg6[%dma_wait3A_1105, %dma_wait3A_1113, %dma_wait3A_1114] : memref<15x64x128xf32, #tpu.memory_space<vmem>> -> memref<1x64x128xf32, #tpu.memory_space<vmem>>
    %dma_wait3A_1116 = tpu.memref_squeeze %dma_wait3A_1115 : memref<1x64x128xf32, #tpu.memory_space<vmem>> -> memref<64x128xf32, #tpu.memory_space<vmem>>
    %dma_wait3A_1117 = arith.constant 0 : i32
    %dma_wait3A_1118 = tpu.memref_slice %arg2[%reduce_sum3A_457, %dma_wait3A_1117, %mul3A_2] : memref<100x64x4096xf32, #tpu.memory_space<hbm>> -> memref<1x64x128xf32, #tpu.memory_space<hbm>>
    %dma_wait3A_1119 = tpu.memref_squeeze %dma_wait3A_1118 : memref<1x64x128xf32, #tpu.memory_space<hbm>> -> memref<64x128xf32, #tpu.memory_space<hbm>>
    tpu.wait_dma2 semaphore(%arg7 : memref<!tpu.dma_semaphore, #tpu.memory_space<semaphore_mem>>) src(%dma_wait3A_1119 : memref<64x128xf32, #tpu.memory_space<hbm>>) dst(%dma_wait3A_1116 : memref<64x128xf32, #tpu.memory_space<vmem>>)
    %dma_start3A_1120 = arith.constant 13 : i32
    %dma_start3A_1121 = arith.constant 13 : i32
    %dma_start3A_1122 = arith.constant 0 : i32
    %dma_start3A_1123 = arith.constant 0 : i32
    %dma_start3A_1124 = tpu.memref_slice %arg6[%dma_start3A_1120, %dma_start3A_1122, %dma_start3A_1123] : memref<15x64x128xf32, #tpu.memory_space<vmem>> -> memref<1x64x128xf32, #tpu.memory_space<vmem>>
    %dma_start3A_1125 = tpu.memref_squeeze %dma_start3A_1124 : memref<1x64x128xf32, #tpu.memory_space<vmem>> -> memref<64x128xf32, #tpu.memory_space<vmem>>
    %dma_start3A_1126 = arith.constant 0 : i32
    %dma_start3A_1127 = tpu.memref_slice %arg4[%dma_start3A_1121, %dma_start3A_1126, %mul3A_2] : memref<26x64x4096xf32, #tpu.memory_space<hbm>> -> memref<1x64x128xf32, #tpu.memory_space<hbm>>
    %dma_start3A_1128 = tpu.memref_squeeze %dma_start3A_1127 : memref<1x64x128xf32, #tpu.memory_space<hbm>> -> memref<64x128xf32, #tpu.memory_space<hbm>>
    %dma_start3A_1129 = arith.constant 0 : i32
    %dma_start3A_1130 = tpu.memref_slice %arg4[%dma_start3A_1121, %dma_start3A_1129, %mul3A_2] : memref<26x64x4096xf32, #tpu.memory_space<hbm>> -> memref<1x64x128xf32, #tpu.memory_space<hbm>>
    %dma_start3A_1131 = tpu.memref_squeeze %dma_start3A_1130 : memref<1x64x128xf32, #tpu.memory_space<hbm>> -> memref<64x128xf32, #tpu.memory_space<hbm>>
    %dma_start3A_1132 = arith.constant 0 : i32
    %dma_start3A_1133 = arith.constant 0 : i32
    %dma_start3A_1134 = tpu.memref_slice %arg6[%dma_start3A_1120, %dma_start3A_1132, %dma_start3A_1133] : memref<15x64x128xf32, #tpu.memory_space<vmem>> -> memref<1x64x128xf32, #tpu.memory_space<vmem>>
    %dma_start3A_1135 = tpu.memref_squeeze %dma_start3A_1134 : memref<1x64x128xf32, #tpu.memory_space<vmem>> -> memref<64x128xf32, #tpu.memory_space<vmem>>
    tpu.enqueue_dma source(%dma_start3A_1135 : memref<64x128xf32, #tpu.memory_space<vmem>>) target(%dma_start3A_1131 : memref<64x128xf32, #tpu.memory_space<hbm>>) target_semaphore(%arg8 : memref<!tpu.dma_semaphore, #tpu.memory_space<semaphore_mem>>)
    %dma_wait3A_1136 = arith.constant 8 : i32
    %dma_wait3A_1137 = arith.constant 8 : i32
    %dma_wait3A_1138 = arith.constant 0 : i32
    %dma_wait3A_1139 = arith.constant 0 : i32
    %dma_wait3A_1140 = tpu.memref_slice %arg6[%dma_wait3A_1136, %dma_wait3A_1138, %dma_wait3A_1139] : memref<15x64x128xf32, #tpu.memory_space<vmem>> -> memref<1x64x128xf32, #tpu.memory_space<vmem>>
    %dma_wait3A_1141 = tpu.memref_squeeze %dma_wait3A_1140 : memref<1x64x128xf32, #tpu.memory_space<vmem>> -> memref<64x128xf32, #tpu.memory_space<vmem>>
    %dma_wait3A_1142 = arith.constant 0 : i32
    %dma_wait3A_1143 = tpu.memref_slice %arg4[%dma_wait3A_1137, %dma_wait3A_1142, %mul3A_2] : memref<26x64x4096xf32, #tpu.memory_space<hbm>> -> memref<1x64x128xf32, #tpu.memory_space<hbm>>
    %dma_wait3A_1144 = tpu.memref_squeeze %dma_wait3A_1143 : memref<1x64x128xf32, #tpu.memory_space<hbm>> -> memref<64x128xf32, #tpu.memory_space<hbm>>
    %dma_wait3A_1145 = arith.constant 0 : i32
    %dma_wait3A_1146 = tpu.memref_slice %arg4[%dma_wait3A_1137, %dma_wait3A_1145, %mul3A_2] : memref<26x64x4096xf32, #tpu.memory_space<hbm>> -> memref<1x64x128xf32, #tpu.memory_space<hbm>>
    %dma_wait3A_1147 = tpu.memref_squeeze %dma_wait3A_1146 : memref<1x64x128xf32, #tpu.memory_space<hbm>> -> memref<64x128xf32, #tpu.memory_space<hbm>>
    %dma_wait3A_1148 = arith.constant 0 : i32
    %dma_wait3A_1149 = arith.constant 0 : i32
    %dma_wait3A_1150 = tpu.memref_slice %arg6[%dma_wait3A_1136, %dma_wait3A_1148, %dma_wait3A_1149] : memref<15x64x128xf32, #tpu.memory_space<vmem>> -> memref<1x64x128xf32, #tpu.memory_space<vmem>>
    %dma_wait3A_1151 = tpu.memref_squeeze %dma_wait3A_1150 : memref<1x64x128xf32, #tpu.memory_space<vmem>> -> memref<64x128xf32, #tpu.memory_space<vmem>>
    tpu.wait_dma2 semaphore(%arg8 : memref<!tpu.dma_semaphore, #tpu.memory_space<semaphore_mem>>) src(%dma_wait3A_1151 : memref<64x128xf32, #tpu.memory_space<vmem>>) dst(%dma_wait3A_1147 : memref<64x128xf32, #tpu.memory_space<hbm>>)
    %eq3A_1152 = arith.constant 7 : i32
    %eq3A_1153 = vector.broadcast %eq3A_1152 : i32 to vector<16xi32>
    %eq3A_1154 = arith.cmpi eq, %iota3A, %eq3A_1153 : vector<16xi32>
    %jit3A_1155 = arith.constant 0 : i32
    %broadcast_in_dim3A_1156 = vector.broadcast %jit3A_1155 : i32 to vector<16xi32>
    %select_n3A_1157 = arith.select %eq3A_1154, %get3A_5, %broadcast_in_dim3A_1156 : vector<16xi1>, vector<16xi32>
    %reduce_sum3A_1158 = arith.constant true
    %reduce_sum3A_1159 = vector.broadcast %reduce_sum3A_1158 : i1 to vector<16xi1>
    %reduce_sum3A_1160 = tpu.scan <sum>, %select_n3A_1157 masked %reduce_sum3A_1159 : vector<16xi32>, vector<16xi1> -> vector<16xi32>
    %reduce_sum3A_1161 = vector.extract %reduce_sum3A_1160[15] : i32 from vector<16xi32>
    %dma_start3A_1162 = arith.constant 8 : i32
    %dma_start3A_1163 = arith.constant 0 : i32
    %dma_start3A_1164 = arith.constant 0 : i32
    %dma_start3A_1165 = tpu.memref_slice %arg6[%dma_start3A_1162, %dma_start3A_1163, %dma_start3A_1164] : memref<15x64x128xf32, #tpu.memory_space<vmem>> -> memref<1x64x128xf32, #tpu.memory_space<vmem>>
    %dma_start3A_1166 = tpu.memref_squeeze %dma_start3A_1165 : memref<1x64x128xf32, #tpu.memory_space<vmem>> -> memref<64x128xf32, #tpu.memory_space<vmem>>
    %dma_start3A_1167 = arith.constant 0 : i32
    %dma_start3A_1168 = tpu.memref_slice %arg2[%reduce_sum3A_1161, %dma_start3A_1167, %mul3A_2] : memref<100x64x4096xf32, #tpu.memory_space<hbm>> -> memref<1x64x128xf32, #tpu.memory_space<hbm>>
    %dma_start3A_1169 = tpu.memref_squeeze %dma_start3A_1168 : memref<1x64x128xf32, #tpu.memory_space<hbm>> -> memref<64x128xf32, #tpu.memory_space<hbm>>
    %dma_start3A_1170 = arith.constant 0 : i32
    %dma_start3A_1171 = arith.constant 0 : i32
    %dma_start3A_1172 = tpu.memref_slice %arg6[%dma_start3A_1162, %dma_start3A_1170, %dma_start3A_1171] : memref<15x64x128xf32, #tpu.memory_space<vmem>> -> memref<1x64x128xf32, #tpu.memory_space<vmem>>
    %dma_start3A_1173 = tpu.memref_squeeze %dma_start3A_1172 : memref<1x64x128xf32, #tpu.memory_space<vmem>> -> memref<64x128xf32, #tpu.memory_space<vmem>>
    %dma_start3A_1174 = arith.constant 0 : i32
    %dma_start3A_1175 = tpu.memref_slice %arg2[%reduce_sum3A_1161, %dma_start3A_1174, %mul3A_2] : memref<100x64x4096xf32, #tpu.memory_space<hbm>> -> memref<1x64x128xf32, #tpu.memory_space<hbm>>
    %dma_start3A_1176 = tpu.memref_squeeze %dma_start3A_1175 : memref<1x64x128xf32, #tpu.memory_space<hbm>> -> memref<64x128xf32, #tpu.memory_space<hbm>>
    tpu.enqueue_dma source(%dma_start3A_1176 : memref<64x128xf32, #tpu.memory_space<hbm>>) target(%dma_start3A_1173 : memref<64x128xf32, #tpu.memory_space<vmem>>) target_semaphore(%arg7 : memref<!tpu.dma_semaphore, #tpu.memory_space<semaphore_mem>>)
    %dma_wait3A_1177 = arith.constant 14 : i32
    %dma_wait3A_1178 = arith.constant 0 : i32
    %dma_wait3A_1179 = arith.constant 0 : i32
    %dma_wait3A_1180 = tpu.memref_slice %arg6[%dma_wait3A_1177, %dma_wait3A_1178, %dma_wait3A_1179] : memref<15x64x128xf32, #tpu.memory_space<vmem>> -> memref<1x64x128xf32, #tpu.memory_space<vmem>>
    %dma_wait3A_1181 = tpu.memref_squeeze %dma_wait3A_1180 : memref<1x64x128xf32, #tpu.memory_space<vmem>> -> memref<64x128xf32, #tpu.memory_space<vmem>>
    %dma_wait3A_1182 = arith.constant 0 : i32
    %dma_wait3A_1183 = tpu.memref_slice %arg2[%reduce_sum3A_513, %dma_wait3A_1182, %mul3A_2] : memref<100x64x4096xf32, #tpu.memory_space<hbm>> -> memref<1x64x128xf32, #tpu.memory_space<hbm>>
    %dma_wait3A_1184 = tpu.memref_squeeze %dma_wait3A_1183 : memref<1x64x128xf32, #tpu.memory_space<hbm>> -> memref<64x128xf32, #tpu.memory_space<hbm>>
    %dma_wait3A_1185 = arith.constant 0 : i32
    %dma_wait3A_1186 = arith.constant 0 : i32
    %dma_wait3A_1187 = tpu.memref_slice %arg6[%dma_wait3A_1177, %dma_wait3A_1185, %dma_wait3A_1186] : memref<15x64x128xf32, #tpu.memory_space<vmem>> -> memref<1x64x128xf32, #tpu.memory_space<vmem>>
    %dma_wait3A_1188 = tpu.memref_squeeze %dma_wait3A_1187 : memref<1x64x128xf32, #tpu.memory_space<vmem>> -> memref<64x128xf32, #tpu.memory_space<vmem>>
    %dma_wait3A_1189 = arith.constant 0 : i32
    %dma_wait3A_1190 = tpu.memref_slice %arg2[%reduce_sum3A_513, %dma_wait3A_1189, %mul3A_2] : memref<100x64x4096xf32, #tpu.memory_space<hbm>> -> memref<1x64x128xf32, #tpu.memory_space<hbm>>
    %dma_wait3A_1191 = tpu.memref_squeeze %dma_wait3A_1190 : memref<1x64x128xf32, #tpu.memory_space<hbm>> -> memref<64x128xf32, #tpu.memory_space<hbm>>
    tpu.wait_dma2 semaphore(%arg7 : memref<!tpu.dma_semaphore, #tpu.memory_space<semaphore_mem>>) src(%dma_wait3A_1191 : memref<64x128xf32, #tpu.memory_space<hbm>>) dst(%dma_wait3A_1188 : memref<64x128xf32, #tpu.memory_space<vmem>>)
    %dma_start3A_1192 = arith.constant 14 : i32
    %dma_start3A_1193 = arith.constant 14 : i32
    %dma_start3A_1194 = arith.constant 0 : i32
    %dma_start3A_1195 = arith.constant 0 : i32
    %dma_start3A_1196 = tpu.memref_slice %arg6[%dma_start3A_1192, %dma_start3A_1194, %dma_start3A_1195] : memref<15x64x128xf32, #tpu.memory_space<vmem>> -> memref<1x64x128xf32, #tpu.memory_space<vmem>>
    %dma_start3A_1197 = tpu.memref_squeeze %dma_start3A_1196 : memref<1x64x128xf32, #tpu.memory_space<vmem>> -> memref<64x128xf32, #tpu.memory_space<vmem>>
    %dma_start3A_1198 = arith.constant 0 : i32
    %dma_start3A_1199 = tpu.memref_slice %arg4[%dma_start3A_1193, %dma_start3A_1198, %mul3A_2] : memref<26x64x4096xf32, #tpu.memory_space<hbm>> -> memref<1x64x128xf32, #tpu.memory_space<hbm>>
    %dma_start3A_1200 = tpu.memref_squeeze %dma_start3A_1199 : memref<1x64x128xf32, #tpu.memory_space<hbm>> -> memref<64x128xf32, #tpu.memory_space<hbm>>
    %dma_start3A_1201 = arith.constant 0 : i32
    %dma_start3A_1202 = tpu.memref_slice %arg4[%dma_start3A_1193, %dma_start3A_1201, %mul3A_2] : memref<26x64x4096xf32, #tpu.memory_space<hbm>> -> memref<1x64x128xf32, #tpu.memory_space<hbm>>
    %dma_start3A_1203 = tpu.memref_squeeze %dma_start3A_1202 : memref<1x64x128xf32, #tpu.memory_space<hbm>> -> memref<64x128xf32, #tpu.memory_space<hbm>>
    %dma_start3A_1204 = arith.constant 0 : i32
    %dma_start3A_1205 = arith.constant 0 : i32
    %dma_start3A_1206 = tpu.memref_slice %arg6[%dma_start3A_1192, %dma_start3A_1204, %dma_start3A_1205] : memref<15x64x128xf32, #tpu.memory_space<vmem>> -> memref<1x64x128xf32, #tpu.memory_space<vmem>>
    %dma_start3A_1207 = tpu.memref_squeeze %dma_start3A_1206 : memref<1x64x128xf32, #tpu.memory_space<vmem>> -> memref<64x128xf32, #tpu.memory_space<vmem>>
    tpu.enqueue_dma source(%dma_start3A_1207 : memref<64x128xf32, #tpu.memory_space<vmem>>) target(%dma_start3A_1203 : memref<64x128xf32, #tpu.memory_space<hbm>>) target_semaphore(%arg8 : memref<!tpu.dma_semaphore, #tpu.memory_space<semaphore_mem>>)
    %dma_wait3A_1208 = arith.constant 9 : i32
    %dma_wait3A_1209 = arith.constant 9 : i32
    %dma_wait3A_1210 = arith.constant 0 : i32
    %dma_wait3A_1211 = arith.constant 0 : i32
    %dma_wait3A_1212 = tpu.memref_slice %arg6[%dma_wait3A_1208, %dma_wait3A_1210, %dma_wait3A_1211] : memref<15x64x128xf32, #tpu.memory_space<vmem>> -> memref<1x64x128xf32, #tpu.memory_space<vmem>>
    %dma_wait3A_1213 = tpu.memref_squeeze %dma_wait3A_1212 : memref<1x64x128xf32, #tpu.memory_space<vmem>> -> memref<64x128xf32, #tpu.memory_space<vmem>>
    %dma_wait3A_1214 = arith.constant 0 : i32
    %dma_wait3A_1215 = tpu.memref_slice %arg4[%dma_wait3A_1209, %dma_wait3A_1214, %mul3A_2] : memref<26x64x4096xf32, #tpu.memory_space<hbm>> -> memref<1x64x128xf32, #tpu.memory_space<hbm>>
    %dma_wait3A_1216 = tpu.memref_squeeze %dma_wait3A_1215 : memref<1x64x128xf32, #tpu.memory_space<hbm>> -> memref<64x128xf32, #tpu.memory_space<hbm>>
    %dma_wait3A_1217 = arith.constant 0 : i32
    %dma_wait3A_1218 = tpu.memref_slice %arg4[%dma_wait3A_1209, %dma_wait3A_1217, %mul3A_2] : memref<26x64x4096xf32, #tpu.memory_space<hbm>> -> memref<1x64x128xf32, #tpu.memory_space<hbm>>
    %dma_wait3A_1219 = tpu.memref_squeeze %dma_wait3A_1218 : memref<1x64x128xf32, #tpu.memory_space<hbm>> -> memref<64x128xf32, #tpu.memory_space<hbm>>
    %dma_wait3A_1220 = arith.constant 0 : i32
    %dma_wait3A_1221 = arith.constant 0 : i32
    %dma_wait3A_1222 = tpu.memref_slice %arg6[%dma_wait3A_1208, %dma_wait3A_1220, %dma_wait3A_1221] : memref<15x64x128xf32, #tpu.memory_space<vmem>> -> memref<1x64x128xf32, #tpu.memory_space<vmem>>
    %dma_wait3A_1223 = tpu.memref_squeeze %dma_wait3A_1222 : memref<1x64x128xf32, #tpu.memory_space<vmem>> -> memref<64x128xf32, #tpu.memory_space<vmem>>
    tpu.wait_dma2 semaphore(%arg8 : memref<!tpu.dma_semaphore, #tpu.memory_space<semaphore_mem>>) src(%dma_wait3A_1223 : memref<64x128xf32, #tpu.memory_space<vmem>>) dst(%dma_wait3A_1219 : memref<64x128xf32, #tpu.memory_space<hbm>>)
    %eq3A_1224 = arith.constant 8 : i32
    %eq3A_1225 = vector.broadcast %eq3A_1224 : i32 to vector<16xi32>
    %eq3A_1226 = arith.cmpi eq, %iota3A, %eq3A_1225 : vector<16xi32>
    %jit3A_1227 = arith.constant 0 : i32
    %broadcast_in_dim3A_1228 = vector.broadcast %jit3A_1227 : i32 to vector<16xi32>
    %select_n3A_1229 = arith.select %eq3A_1226, %get3A_5, %broadcast_in_dim3A_1228 : vector<16xi1>, vector<16xi32>
    %reduce_sum3A_1230 = arith.constant true
    %reduce_sum3A_1231 = vector.broadcast %reduce_sum3A_1230 : i1 to vector<16xi1>
    %reduce_sum3A_1232 = tpu.scan <sum>, %select_n3A_1229 masked %reduce_sum3A_1231 : vector<16xi32>, vector<16xi1> -> vector<16xi32>
    %reduce_sum3A_1233 = vector.extract %reduce_sum3A_1232[15] : i32 from vector<16xi32>
    %dma_start3A_1234 = arith.constant 9 : i32
    %dma_start3A_1235 = arith.constant 0 : i32
    %dma_start3A_1236 = arith.constant 0 : i32
    %dma_start3A_1237 = tpu.memref_slice %arg6[%dma_start3A_1234, %dma_start3A_1235, %dma_start3A_1236] : memref<15x64x128xf32, #tpu.memory_space<vmem>> -> memref<1x64x128xf32, #tpu.memory_space<vmem>>
    %dma_start3A_1238 = tpu.memref_squeeze %dma_start3A_1237 : memref<1x64x128xf32, #tpu.memory_space<vmem>> -> memref<64x128xf32, #tpu.memory_space<vmem>>
    %dma_start3A_1239 = arith.constant 0 : i32
    %dma_start3A_1240 = tpu.memref_slice %arg2[%reduce_sum3A_1233, %dma_start3A_1239, %mul3A_2] : memref<100x64x4096xf32, #tpu.memory_space<hbm>> -> memref<1x64x128xf32, #tpu.memory_space<hbm>>
    %dma_start3A_1241 = tpu.memref_squeeze %dma_start3A_1240 : memref<1x64x128xf32, #tpu.memory_space<hbm>> -> memref<64x128xf32, #tpu.memory_space<hbm>>
    %dma_start3A_1242 = arith.constant 0 : i32
    %dma_start3A_1243 = arith.constant 0 : i32
    %dma_start3A_1244 = tpu.memref_slice %arg6[%dma_start3A_1234, %dma_start3A_1242, %dma_start3A_1243] : memref<15x64x128xf32, #tpu.memory_space<vmem>> -> memref<1x64x128xf32, #tpu.memory_space<vmem>>
    %dma_start3A_1245 = tpu.memref_squeeze %dma_start3A_1244 : memref<1x64x128xf32, #tpu.memory_space<vmem>> -> memref<64x128xf32, #tpu.memory_space<vmem>>
    %dma_start3A_1246 = arith.constant 0 : i32
    %dma_start3A_1247 = tpu.memref_slice %arg2[%reduce_sum3A_1233, %dma_start3A_1246, %mul3A_2] : memref<100x64x4096xf32, #tpu.memory_space<hbm>> -> memref<1x64x128xf32, #tpu.memory_space<hbm>>
    %dma_start3A_1248 = tpu.memref_squeeze %dma_start3A_1247 : memref<1x64x128xf32, #tpu.memory_space<hbm>> -> memref<64x128xf32, #tpu.memory_space<hbm>>
    tpu.enqueue_dma source(%dma_start3A_1248 : memref<64x128xf32, #tpu.memory_space<hbm>>) target(%dma_start3A_1245 : memref<64x128xf32, #tpu.memory_space<vmem>>) target_semaphore(%arg7 : memref<!tpu.dma_semaphore, #tpu.memory_space<semaphore_mem>>)
    %dma_wait3A_1249 = arith.constant 0 : i32
    %dma_wait3A_1250 = arith.constant 0 : i32
    %dma_wait3A_1251 = arith.constant 0 : i32
    %dma_wait3A_1252 = tpu.memref_slice %arg6[%dma_wait3A_1249, %dma_wait3A_1250, %dma_wait3A_1251] : memref<15x64x128xf32, #tpu.memory_space<vmem>> -> memref<1x64x128xf32, #tpu.memory_space<vmem>>
    %dma_wait3A_1253 = tpu.memref_squeeze %dma_wait3A_1252 : memref<1x64x128xf32, #tpu.memory_space<vmem>> -> memref<64x128xf32, #tpu.memory_space<vmem>>
    %dma_wait3A_1254 = arith.constant 0 : i32
    %dma_wait3A_1255 = tpu.memref_slice %arg2[%reduce_sum3A_585, %dma_wait3A_1254, %mul3A_2] : memref<100x64x4096xf32, #tpu.memory_space<hbm>> -> memref<1x64x128xf32, #tpu.memory_space<hbm>>
    %dma_wait3A_1256 = tpu.memref_squeeze %dma_wait3A_1255 : memref<1x64x128xf32, #tpu.memory_space<hbm>> -> memref<64x128xf32, #tpu.memory_space<hbm>>
    %dma_wait3A_1257 = arith.constant 0 : i32
    %dma_wait3A_1258 = arith.constant 0 : i32
    %dma_wait3A_1259 = tpu.memref_slice %arg6[%dma_wait3A_1249, %dma_wait3A_1257, %dma_wait3A_1258] : memref<15x64x128xf32, #tpu.memory_space<vmem>> -> memref<1x64x128xf32, #tpu.memory_space<vmem>>
    %dma_wait3A_1260 = tpu.memref_squeeze %dma_wait3A_1259 : memref<1x64x128xf32, #tpu.memory_space<vmem>> -> memref<64x128xf32, #tpu.memory_space<vmem>>
    %dma_wait3A_1261 = arith.constant 0 : i32
    %dma_wait3A_1262 = tpu.memref_slice %arg2[%reduce_sum3A_585, %dma_wait3A_1261, %mul3A_2] : memref<100x64x4096xf32, #tpu.memory_space<hbm>> -> memref<1x64x128xf32, #tpu.memory_space<hbm>>
    %dma_wait3A_1263 = tpu.memref_squeeze %dma_wait3A_1262 : memref<1x64x128xf32, #tpu.memory_space<hbm>> -> memref<64x128xf32, #tpu.memory_space<hbm>>
    tpu.wait_dma2 semaphore(%arg7 : memref<!tpu.dma_semaphore, #tpu.memory_space<semaphore_mem>>) src(%dma_wait3A_1263 : memref<64x128xf32, #tpu.memory_space<hbm>>) dst(%dma_wait3A_1260 : memref<64x128xf32, #tpu.memory_space<vmem>>)
    %dma_start3A_1264 = arith.constant 0 : i32
    %dma_start3A_1265 = arith.constant 15 : i32
    %dma_start3A_1266 = arith.constant 0 : i32
    %dma_start3A_1267 = arith.constant 0 : i32
    %dma_start3A_1268 = tpu.memref_slice %arg6[%dma_start3A_1264, %dma_start3A_1266, %dma_start3A_1267] : memref<15x64x128xf32, #tpu.memory_space<vmem>> -> memref<1x64x128xf32, #tpu.memory_space<vmem>>
    %dma_start3A_1269 = tpu.memref_squeeze %dma_start3A_1268 : memref<1x64x128xf32, #tpu.memory_space<vmem>> -> memref<64x128xf32, #tpu.memory_space<vmem>>
    %dma_start3A_1270 = arith.constant 0 : i32
    %dma_start3A_1271 = tpu.memref_slice %arg4[%dma_start3A_1265, %dma_start3A_1270, %mul3A_2] : memref<26x64x4096xf32, #tpu.memory_space<hbm>> -> memref<1x64x128xf32, #tpu.memory_space<hbm>>
    %dma_start3A_1272 = tpu.memref_squeeze %dma_start3A_1271 : memref<1x64x128xf32, #tpu.memory_space<hbm>> -> memref<64x128xf32, #tpu.memory_space<hbm>>
    %dma_start3A_1273 = arith.constant 0 : i32
    %dma_start3A_1274 = tpu.memref_slice %arg4[%dma_start3A_1265, %dma_start3A_1273, %mul3A_2] : memref<26x64x4096xf32, #tpu.memory_space<hbm>> -> memref<1x64x128xf32, #tpu.memory_space<hbm>>
    %dma_start3A_1275 = tpu.memref_squeeze %dma_start3A_1274 : memref<1x64x128xf32, #tpu.memory_space<hbm>> -> memref<64x128xf32, #tpu.memory_space<hbm>>
    %dma_start3A_1276 = arith.constant 0 : i32
    %dma_start3A_1277 = arith.constant 0 : i32
    %dma_start3A_1278 = tpu.memref_slice %arg6[%dma_start3A_1264, %dma_start3A_1276, %dma_start3A_1277] : memref<15x64x128xf32, #tpu.memory_space<vmem>> -> memref<1x64x128xf32, #tpu.memory_space<vmem>>
    %dma_start3A_1279 = tpu.memref_squeeze %dma_start3A_1278 : memref<1x64x128xf32, #tpu.memory_space<vmem>> -> memref<64x128xf32, #tpu.memory_space<vmem>>
    tpu.enqueue_dma source(%dma_start3A_1279 : memref<64x128xf32, #tpu.memory_space<vmem>>) target(%dma_start3A_1275 : memref<64x128xf32, #tpu.memory_space<hbm>>) target_semaphore(%arg8 : memref<!tpu.dma_semaphore, #tpu.memory_space<semaphore_mem>>)
    %dma_wait3A_1280 = arith.constant 10 : i32
    %dma_wait3A_1281 = arith.constant 10 : i32
    %dma_wait3A_1282 = arith.constant 0 : i32
    %dma_wait3A_1283 = arith.constant 0 : i32
    %dma_wait3A_1284 = tpu.memref_slice %arg6[%dma_wait3A_1280, %dma_wait3A_1282, %dma_wait3A_1283] : memref<15x64x128xf32, #tpu.memory_space<vmem>> -> memref<1x64x128xf32, #tpu.memory_space<vmem>>
    %dma_wait3A_1285 = tpu.memref_squeeze %dma_wait3A_1284 : memref<1x64x128xf32, #tpu.memory_space<vmem>> -> memref<64x128xf32, #tpu.memory_space<vmem>>
    %dma_wait3A_1286 = arith.constant 0 : i32
    %dma_wait3A_1287 = tpu.memref_slice %arg4[%dma_wait3A_1281, %dma_wait3A_1286, %mul3A_2] : memref<26x64x4096xf32, #tpu.memory_space<hbm>> -> memref<1x64x128xf32, #tpu.memory_space<hbm>>
    %dma_wait3A_1288 = tpu.memref_squeeze %dma_wait3A_1287 : memref<1x64x128xf32, #tpu.memory_space<hbm>> -> memref<64x128xf32, #tpu.memory_space<hbm>>
    %dma_wait3A_1289 = arith.constant 0 : i32
    %dma_wait3A_1290 = tpu.memref_slice %arg4[%dma_wait3A_1281, %dma_wait3A_1289, %mul3A_2] : memref<26x64x4096xf32, #tpu.memory_space<hbm>> -> memref<1x64x128xf32, #tpu.memory_space<hbm>>
    %dma_wait3A_1291 = tpu.memref_squeeze %dma_wait3A_1290 : memref<1x64x128xf32, #tpu.memory_space<hbm>> -> memref<64x128xf32, #tpu.memory_space<hbm>>
    %dma_wait3A_1292 = arith.constant 0 : i32
    %dma_wait3A_1293 = arith.constant 0 : i32
    %dma_wait3A_1294 = tpu.memref_slice %arg6[%dma_wait3A_1280, %dma_wait3A_1292, %dma_wait3A_1293] : memref<15x64x128xf32, #tpu.memory_space<vmem>> -> memref<1x64x128xf32, #tpu.memory_space<vmem>>
    %dma_wait3A_1295 = tpu.memref_squeeze %dma_wait3A_1294 : memref<1x64x128xf32, #tpu.memory_space<vmem>> -> memref<64x128xf32, #tpu.memory_space<vmem>>
    tpu.wait_dma2 semaphore(%arg8 : memref<!tpu.dma_semaphore, #tpu.memory_space<semaphore_mem>>) src(%dma_wait3A_1295 : memref<64x128xf32, #tpu.memory_space<vmem>>) dst(%dma_wait3A_1291 : memref<64x128xf32, #tpu.memory_space<hbm>>)
    %eq3A_1296 = arith.constant 9 : i32
    %eq3A_1297 = vector.broadcast %eq3A_1296 : i32 to vector<16xi32>
    %eq3A_1298 = arith.cmpi eq, %iota3A, %eq3A_1297 : vector<16xi32>
    %jit3A_1299 = arith.constant 0 : i32
    %broadcast_in_dim3A_1300 = vector.broadcast %jit3A_1299 : i32 to vector<16xi32>
    %select_n3A_1301 = arith.select %eq3A_1298, %get3A_5, %broadcast_in_dim3A_1300 : vector<16xi1>, vector<16xi32>
    %reduce_sum3A_1302 = arith.constant true
    %reduce_sum3A_1303 = vector.broadcast %reduce_sum3A_1302 : i1 to vector<16xi1>
    %reduce_sum3A_1304 = tpu.scan <sum>, %select_n3A_1301 masked %reduce_sum3A_1303 : vector<16xi32>, vector<16xi1> -> vector<16xi32>
    %reduce_sum3A_1305 = vector.extract %reduce_sum3A_1304[15] : i32 from vector<16xi32>
    %dma_start3A_1306 = arith.constant 10 : i32
    %dma_start3A_1307 = arith.constant 0 : i32
    %dma_start3A_1308 = arith.constant 0 : i32
    %dma_start3A_1309 = tpu.memref_slice %arg6[%dma_start3A_1306, %dma_start3A_1307, %dma_start3A_1308] : memref<15x64x128xf32, #tpu.memory_space<vmem>> -> memref<1x64x128xf32, #tpu.memory_space<vmem>>
    %dma_start3A_1310 = tpu.memref_squeeze %dma_start3A_1309 : memref<1x64x128xf32, #tpu.memory_space<vmem>> -> memref<64x128xf32, #tpu.memory_space<vmem>>
    %dma_start3A_1311 = arith.constant 0 : i32
    %dma_start3A_1312 = tpu.memref_slice %arg2[%reduce_sum3A_1305, %dma_start3A_1311, %mul3A_2] : memref<100x64x4096xf32, #tpu.memory_space<hbm>> -> memref<1x64x128xf32, #tpu.memory_space<hbm>>
    %dma_start3A_1313 = tpu.memref_squeeze %dma_start3A_1312 : memref<1x64x128xf32, #tpu.memory_space<hbm>> -> memref<64x128xf32, #tpu.memory_space<hbm>>
    %dma_start3A_1314 = arith.constant 0 : i32
    %dma_start3A_1315 = arith.constant 0 : i32
    %dma_start3A_1316 = tpu.memref_slice %arg6[%dma_start3A_1306, %dma_start3A_1314, %dma_start3A_1315] : memref<15x64x128xf32, #tpu.memory_space<vmem>> -> memref<1x64x128xf32, #tpu.memory_space<vmem>>
    %dma_start3A_1317 = tpu.memref_squeeze %dma_start3A_1316 : memref<1x64x128xf32, #tpu.memory_space<vmem>> -> memref<64x128xf32, #tpu.memory_space<vmem>>
    %dma_start3A_1318 = arith.constant 0 : i32
    %dma_start3A_1319 = tpu.memref_slice %arg2[%reduce_sum3A_1305, %dma_start3A_1318, %mul3A_2] : memref<100x64x4096xf32, #tpu.memory_space<hbm>> -> memref<1x64x128xf32, #tpu.memory_space<hbm>>
    %dma_start3A_1320 = tpu.memref_squeeze %dma_start3A_1319 : memref<1x64x128xf32, #tpu.memory_space<hbm>> -> memref<64x128xf32, #tpu.memory_space<hbm>>
    tpu.enqueue_dma source(%dma_start3A_1320 : memref<64x128xf32, #tpu.memory_space<hbm>>) target(%dma_start3A_1317 : memref<64x128xf32, #tpu.memory_space<vmem>>) target_semaphore(%arg7 : memref<!tpu.dma_semaphore, #tpu.memory_space<semaphore_mem>>)
    %dma_wait3A_1321 = arith.constant 1 : i32
    %dma_wait3A_1322 = arith.constant 0 : i32
    %dma_wait3A_1323 = arith.constant 0 : i32
    %dma_wait3A_1324 = tpu.memref_slice %arg6[%dma_wait3A_1321, %dma_wait3A_1322, %dma_wait3A_1323] : memref<15x64x128xf32, #tpu.memory_space<vmem>> -> memref<1x64x128xf32, #tpu.memory_space<vmem>>
    %dma_wait3A_1325 = tpu.memref_squeeze %dma_wait3A_1324 : memref<1x64x128xf32, #tpu.memory_space<vmem>> -> memref<64x128xf32, #tpu.memory_space<vmem>>
    %dma_wait3A_1326 = arith.constant 0 : i32
    %dma_wait3A_1327 = tpu.memref_slice %arg2[%reduce_sum3A_657, %dma_wait3A_1326, %mul3A_2] : memref<100x64x4096xf32, #tpu.memory_space<hbm>> -> memref<1x64x128xf32, #tpu.memory_space<hbm>>
    %dma_wait3A_1328 = tpu.memref_squeeze %dma_wait3A_1327 : memref<1x64x128xf32, #tpu.memory_space<hbm>> -> memref<64x128xf32, #tpu.memory_space<hbm>>
    %dma_wait3A_1329 = arith.constant 0 : i32
    %dma_wait3A_1330 = arith.constant 0 : i32
    %dma_wait3A_1331 = tpu.memref_slice %arg6[%dma_wait3A_1321, %dma_wait3A_1329, %dma_wait3A_1330] : memref<15x64x128xf32, #tpu.memory_space<vmem>> -> memref<1x64x128xf32, #tpu.memory_space<vmem>>
    %dma_wait3A_1332 = tpu.memref_squeeze %dma_wait3A_1331 : memref<1x64x128xf32, #tpu.memory_space<vmem>> -> memref<64x128xf32, #tpu.memory_space<vmem>>
    %dma_wait3A_1333 = arith.constant 0 : i32
    %dma_wait3A_1334 = tpu.memref_slice %arg2[%reduce_sum3A_657, %dma_wait3A_1333, %mul3A_2] : memref<100x64x4096xf32, #tpu.memory_space<hbm>> -> memref<1x64x128xf32, #tpu.memory_space<hbm>>
    %dma_wait3A_1335 = tpu.memref_squeeze %dma_wait3A_1334 : memref<1x64x128xf32, #tpu.memory_space<hbm>> -> memref<64x128xf32, #tpu.memory_space<hbm>>
    tpu.wait_dma2 semaphore(%arg7 : memref<!tpu.dma_semaphore, #tpu.memory_space<semaphore_mem>>) src(%dma_wait3A_1335 : memref<64x128xf32, #tpu.memory_space<hbm>>) dst(%dma_wait3A_1332 : memref<64x128xf32, #tpu.memory_space<vmem>>)
    %dma_start3A_1336 = arith.constant 1 : i32
    %dma_start3A_1337 = arith.constant 16 : i32
    %dma_start3A_1338 = arith.constant 0 : i32
    %dma_start3A_1339 = arith.constant 0 : i32
    %dma_start3A_1340 = tpu.memref_slice %arg6[%dma_start3A_1336, %dma_start3A_1338, %dma_start3A_1339] : memref<15x64x128xf32, #tpu.memory_space<vmem>> -> memref<1x64x128xf32, #tpu.memory_space<vmem>>
    %dma_start3A_1341 = tpu.memref_squeeze %dma_start3A_1340 : memref<1x64x128xf32, #tpu.memory_space<vmem>> -> memref<64x128xf32, #tpu.memory_space<vmem>>
    %dma_start3A_1342 = arith.constant 0 : i32
    %dma_start3A_1343 = tpu.memref_slice %arg4[%dma_start3A_1337, %dma_start3A_1342, %mul3A_2] : memref<26x64x4096xf32, #tpu.memory_space<hbm>> -> memref<1x64x128xf32, #tpu.memory_space<hbm>>
    %dma_start3A_1344 = tpu.memref_squeeze %dma_start3A_1343 : memref<1x64x128xf32, #tpu.memory_space<hbm>> -> memref<64x128xf32, #tpu.memory_space<hbm>>
    %dma_start3A_1345 = arith.constant 0 : i32
    %dma_start3A_1346 = tpu.memref_slice %arg4[%dma_start3A_1337, %dma_start3A_1345, %mul3A_2] : memref<26x64x4096xf32, #tpu.memory_space<hbm>> -> memref<1x64x128xf32, #tpu.memory_space<hbm>>
    %dma_start3A_1347 = tpu.memref_squeeze %dma_start3A_1346 : memref<1x64x128xf32, #tpu.memory_space<hbm>> -> memref<64x128xf32, #tpu.memory_space<hbm>>
    %dma_start3A_1348 = arith.constant 0 : i32
    %dma_start3A_1349 = arith.constant 0 : i32
    %dma_start3A_1350 = tpu.memref_slice %arg6[%dma_start3A_1336, %dma_start3A_1348, %dma_start3A_1349] : memref<15x64x128xf32, #tpu.memory_space<vmem>> -> memref<1x64x128xf32, #tpu.memory_space<vmem>>
    %dma_start3A_1351 = tpu.memref_squeeze %dma_start3A_1350 : memref<1x64x128xf32, #tpu.memory_space<vmem>> -> memref<64x128xf32, #tpu.memory_space<vmem>>
    tpu.enqueue_dma source(%dma_start3A_1351 : memref<64x128xf32, #tpu.memory_space<vmem>>) target(%dma_start3A_1347 : memref<64x128xf32, #tpu.memory_space<hbm>>) target_semaphore(%arg8 : memref<!tpu.dma_semaphore, #tpu.memory_space<semaphore_mem>>)
    %dma_wait3A_1352 = arith.constant 2 : i32
    %dma_wait3A_1353 = arith.constant 0 : i32
    %dma_wait3A_1354 = arith.constant 0 : i32
    %dma_wait3A_1355 = tpu.memref_slice %arg6[%dma_wait3A_1352, %dma_wait3A_1353, %dma_wait3A_1354] : memref<15x64x128xf32, #tpu.memory_space<vmem>> -> memref<1x64x128xf32, #tpu.memory_space<vmem>>
    %dma_wait3A_1356 = tpu.memref_squeeze %dma_wait3A_1355 : memref<1x64x128xf32, #tpu.memory_space<vmem>> -> memref<64x128xf32, #tpu.memory_space<vmem>>
    %dma_wait3A_1357 = arith.constant 0 : i32
    %dma_wait3A_1358 = tpu.memref_slice %arg2[%reduce_sum3A_729, %dma_wait3A_1357, %mul3A_2] : memref<100x64x4096xf32, #tpu.memory_space<hbm>> -> memref<1x64x128xf32, #tpu.memory_space<hbm>>
    %dma_wait3A_1359 = tpu.memref_squeeze %dma_wait3A_1358 : memref<1x64x128xf32, #tpu.memory_space<hbm>> -> memref<64x128xf32, #tpu.memory_space<hbm>>
    %dma_wait3A_1360 = arith.constant 0 : i32
    %dma_wait3A_1361 = arith.constant 0 : i32
    %dma_wait3A_1362 = tpu.memref_slice %arg6[%dma_wait3A_1352, %dma_wait3A_1360, %dma_wait3A_1361] : memref<15x64x128xf32, #tpu.memory_space<vmem>> -> memref<1x64x128xf32, #tpu.memory_space<vmem>>
    %dma_wait3A_1363 = tpu.memref_squeeze %dma_wait3A_1362 : memref<1x64x128xf32, #tpu.memory_space<vmem>> -> memref<64x128xf32, #tpu.memory_space<vmem>>
    %dma_wait3A_1364 = arith.constant 0 : i32
    %dma_wait3A_1365 = tpu.memref_slice %arg2[%reduce_sum3A_729, %dma_wait3A_1364, %mul3A_2] : memref<100x64x4096xf32, #tpu.memory_space<hbm>> -> memref<1x64x128xf32, #tpu.memory_space<hbm>>
    %dma_wait3A_1366 = tpu.memref_squeeze %dma_wait3A_1365 : memref<1x64x128xf32, #tpu.memory_space<hbm>> -> memref<64x128xf32, #tpu.memory_space<hbm>>
    tpu.wait_dma2 semaphore(%arg7 : memref<!tpu.dma_semaphore, #tpu.memory_space<semaphore_mem>>) src(%dma_wait3A_1366 : memref<64x128xf32, #tpu.memory_space<hbm>>) dst(%dma_wait3A_1363 : memref<64x128xf32, #tpu.memory_space<vmem>>)
    %dma_start3A_1367 = arith.constant 2 : i32
    %dma_start3A_1368 = arith.constant 17 : i32
    %dma_start3A_1369 = arith.constant 0 : i32
    %dma_start3A_1370 = arith.constant 0 : i32
    %dma_start3A_1371 = tpu.memref_slice %arg6[%dma_start3A_1367, %dma_start3A_1369, %dma_start3A_1370] : memref<15x64x128xf32, #tpu.memory_space<vmem>> -> memref<1x64x128xf32, #tpu.memory_space<vmem>>
    %dma_start3A_1372 = tpu.memref_squeeze %dma_start3A_1371 : memref<1x64x128xf32, #tpu.memory_space<vmem>> -> memref<64x128xf32, #tpu.memory_space<vmem>>
    %dma_start3A_1373 = arith.constant 0 : i32
    %dma_start3A_1374 = tpu.memref_slice %arg4[%dma_start3A_1368, %dma_start3A_1373, %mul3A_2] : memref<26x64x4096xf32, #tpu.memory_space<hbm>> -> memref<1x64x128xf32, #tpu.memory_space<hbm>>
    %dma_start3A_1375 = tpu.memref_squeeze %dma_start3A_1374 : memref<1x64x128xf32, #tpu.memory_space<hbm>> -> memref<64x128xf32, #tpu.memory_space<hbm>>
    %dma_start3A_1376 = arith.constant 0 : i32
    %dma_start3A_1377 = tpu.memref_slice %arg4[%dma_start3A_1368, %dma_start3A_1376, %mul3A_2] : memref<26x64x4096xf32, #tpu.memory_space<hbm>> -> memref<1x64x128xf32, #tpu.memory_space<hbm>>
    %dma_start3A_1378 = tpu.memref_squeeze %dma_start3A_1377 : memref<1x64x128xf32, #tpu.memory_space<hbm>> -> memref<64x128xf32, #tpu.memory_space<hbm>>
    %dma_start3A_1379 = arith.constant 0 : i32
    %dma_start3A_1380 = arith.constant 0 : i32
    %dma_start3A_1381 = tpu.memref_slice %arg6[%dma_start3A_1367, %dma_start3A_1379, %dma_start3A_1380] : memref<15x64x128xf32, #tpu.memory_space<vmem>> -> memref<1x64x128xf32, #tpu.memory_space<vmem>>
    %dma_start3A_1382 = tpu.memref_squeeze %dma_start3A_1381 : memref<1x64x128xf32, #tpu.memory_space<vmem>> -> memref<64x128xf32, #tpu.memory_space<vmem>>
    tpu.enqueue_dma source(%dma_start3A_1382 : memref<64x128xf32, #tpu.memory_space<vmem>>) target(%dma_start3A_1378 : memref<64x128xf32, #tpu.memory_space<hbm>>) target_semaphore(%arg8 : memref<!tpu.dma_semaphore, #tpu.memory_space<semaphore_mem>>)
    %dma_wait3A_1383 = arith.constant 3 : i32
    %dma_wait3A_1384 = arith.constant 0 : i32
    %dma_wait3A_1385 = arith.constant 0 : i32
    %dma_wait3A_1386 = tpu.memref_slice %arg6[%dma_wait3A_1383, %dma_wait3A_1384, %dma_wait3A_1385] : memref<15x64x128xf32, #tpu.memory_space<vmem>> -> memref<1x64x128xf32, #tpu.memory_space<vmem>>
    %dma_wait3A_1387 = tpu.memref_squeeze %dma_wait3A_1386 : memref<1x64x128xf32, #tpu.memory_space<vmem>> -> memref<64x128xf32, #tpu.memory_space<vmem>>
    %dma_wait3A_1388 = arith.constant 0 : i32
    %dma_wait3A_1389 = tpu.memref_slice %arg2[%reduce_sum3A_801, %dma_wait3A_1388, %mul3A_2] : memref<100x64x4096xf32, #tpu.memory_space<hbm>> -> memref<1x64x128xf32, #tpu.memory_space<hbm>>
    %dma_wait3A_1390 = tpu.memref_squeeze %dma_wait3A_1389 : memref<1x64x128xf32, #tpu.memory_space<hbm>> -> memref<64x128xf32, #tpu.memory_space<hbm>>
    %dma_wait3A_1391 = arith.constant 0 : i32
    %dma_wait3A_1392 = arith.constant 0 : i32
    %dma_wait3A_1393 = tpu.memref_slice %arg6[%dma_wait3A_1383, %dma_wait3A_1391, %dma_wait3A_1392] : memref<15x64x128xf32, #tpu.memory_space<vmem>> -> memref<1x64x128xf32, #tpu.memory_space<vmem>>
    %dma_wait3A_1394 = tpu.memref_squeeze %dma_wait3A_1393 : memref<1x64x128xf32, #tpu.memory_space<vmem>> -> memref<64x128xf32, #tpu.memory_space<vmem>>
    %dma_wait3A_1395 = arith.constant 0 : i32
    %dma_wait3A_1396 = tpu.memref_slice %arg2[%reduce_sum3A_801, %dma_wait3A_1395, %mul3A_2] : memref<100x64x4096xf32, #tpu.memory_space<hbm>> -> memref<1x64x128xf32, #tpu.memory_space<hbm>>
    %dma_wait3A_1397 = tpu.memref_squeeze %dma_wait3A_1396 : memref<1x64x128xf32, #tpu.memory_space<hbm>> -> memref<64x128xf32, #tpu.memory_space<hbm>>
    tpu.wait_dma2 semaphore(%arg7 : memref<!tpu.dma_semaphore, #tpu.memory_space<semaphore_mem>>) src(%dma_wait3A_1397 : memref<64x128xf32, #tpu.memory_space<hbm>>) dst(%dma_wait3A_1394 : memref<64x128xf32, #tpu.memory_space<vmem>>)
    %dma_start3A_1398 = arith.constant 3 : i32
    %dma_start3A_1399 = arith.constant 18 : i32
    %dma_start3A_1400 = arith.constant 0 : i32
    %dma_start3A_1401 = arith.constant 0 : i32
    %dma_start3A_1402 = tpu.memref_slice %arg6[%dma_start3A_1398, %dma_start3A_1400, %dma_start3A_1401] : memref<15x64x128xf32, #tpu.memory_space<vmem>> -> memref<1x64x128xf32, #tpu.memory_space<vmem>>
    %dma_start3A_1403 = tpu.memref_squeeze %dma_start3A_1402 : memref<1x64x128xf32, #tpu.memory_space<vmem>> -> memref<64x128xf32, #tpu.memory_space<vmem>>
    %dma_start3A_1404 = arith.constant 0 : i32
    %dma_start3A_1405 = tpu.memref_slice %arg4[%dma_start3A_1399, %dma_start3A_1404, %mul3A_2] : memref<26x64x4096xf32, #tpu.memory_space<hbm>> -> memref<1x64x128xf32, #tpu.memory_space<hbm>>
    %dma_start3A_1406 = tpu.memref_squeeze %dma_start3A_1405 : memref<1x64x128xf32, #tpu.memory_space<hbm>> -> memref<64x128xf32, #tpu.memory_space<hbm>>
    %dma_start3A_1407 = arith.constant 0 : i32
    %dma_start3A_1408 = tpu.memref_slice %arg4[%dma_start3A_1399, %dma_start3A_1407, %mul3A_2] : memref<26x64x4096xf32, #tpu.memory_space<hbm>> -> memref<1x64x128xf32, #tpu.memory_space<hbm>>
    %dma_start3A_1409 = tpu.memref_squeeze %dma_start3A_1408 : memref<1x64x128xf32, #tpu.memory_space<hbm>> -> memref<64x128xf32, #tpu.memory_space<hbm>>
    %dma_start3A_1410 = arith.constant 0 : i32
    %dma_start3A_1411 = arith.constant 0 : i32
    %dma_start3A_1412 = tpu.memref_slice %arg6[%dma_start3A_1398, %dma_start3A_1410, %dma_start3A_1411] : memref<15x64x128xf32, #tpu.memory_space<vmem>> -> memref<1x64x128xf32, #tpu.memory_space<vmem>>
    %dma_start3A_1413 = tpu.memref_squeeze %dma_start3A_1412 : memref<1x64x128xf32, #tpu.memory_space<vmem>> -> memref<64x128xf32, #tpu.memory_space<vmem>>
    tpu.enqueue_dma source(%dma_start3A_1413 : memref<64x128xf32, #tpu.memory_space<vmem>>) target(%dma_start3A_1409 : memref<64x128xf32, #tpu.memory_space<hbm>>) target_semaphore(%arg8 : memref<!tpu.dma_semaphore, #tpu.memory_space<semaphore_mem>>)
    %dma_wait3A_1414 = arith.constant 4 : i32
    %dma_wait3A_1415 = arith.constant 0 : i32
    %dma_wait3A_1416 = arith.constant 0 : i32
    %dma_wait3A_1417 = tpu.memref_slice %arg6[%dma_wait3A_1414, %dma_wait3A_1415, %dma_wait3A_1416] : memref<15x64x128xf32, #tpu.memory_space<vmem>> -> memref<1x64x128xf32, #tpu.memory_space<vmem>>
    %dma_wait3A_1418 = tpu.memref_squeeze %dma_wait3A_1417 : memref<1x64x128xf32, #tpu.memory_space<vmem>> -> memref<64x128xf32, #tpu.memory_space<vmem>>
    %dma_wait3A_1419 = arith.constant 0 : i32
    %dma_wait3A_1420 = tpu.memref_slice %arg2[%reduce_sum3A_873, %dma_wait3A_1419, %mul3A_2] : memref<100x64x4096xf32, #tpu.memory_space<hbm>> -> memref<1x64x128xf32, #tpu.memory_space<hbm>>
    %dma_wait3A_1421 = tpu.memref_squeeze %dma_wait3A_1420 : memref<1x64x128xf32, #tpu.memory_space<hbm>> -> memref<64x128xf32, #tpu.memory_space<hbm>>
    %dma_wait3A_1422 = arith.constant 0 : i32
    %dma_wait3A_1423 = arith.constant 0 : i32
    %dma_wait3A_1424 = tpu.memref_slice %arg6[%dma_wait3A_1414, %dma_wait3A_1422, %dma_wait3A_1423] : memref<15x64x128xf32, #tpu.memory_space<vmem>> -> memref<1x64x128xf32, #tpu.memory_space<vmem>>
    %dma_wait3A_1425 = tpu.memref_squeeze %dma_wait3A_1424 : memref<1x64x128xf32, #tpu.memory_space<vmem>> -> memref<64x128xf32, #tpu.memory_space<vmem>>
    %dma_wait3A_1426 = arith.constant 0 : i32
    %dma_wait3A_1427 = tpu.memref_slice %arg2[%reduce_sum3A_873, %dma_wait3A_1426, %mul3A_2] : memref<100x64x4096xf32, #tpu.memory_space<hbm>> -> memref<1x64x128xf32, #tpu.memory_space<hbm>>
    %dma_wait3A_1428 = tpu.memref_squeeze %dma_wait3A_1427 : memref<1x64x128xf32, #tpu.memory_space<hbm>> -> memref<64x128xf32, #tpu.memory_space<hbm>>
    tpu.wait_dma2 semaphore(%arg7 : memref<!tpu.dma_semaphore, #tpu.memory_space<semaphore_mem>>) src(%dma_wait3A_1428 : memref<64x128xf32, #tpu.memory_space<hbm>>) dst(%dma_wait3A_1425 : memref<64x128xf32, #tpu.memory_space<vmem>>)
    %dma_start3A_1429 = arith.constant 4 : i32
    %dma_start3A_1430 = arith.constant 19 : i32
    %dma_start3A_1431 = arith.constant 0 : i32
    %dma_start3A_1432 = arith.constant 0 : i32
    %dma_start3A_1433 = tpu.memref_slice %arg6[%dma_start3A_1429, %dma_start3A_1431, %dma_start3A_1432] : memref<15x64x128xf32, #tpu.memory_space<vmem>> -> memref<1x64x128xf32, #tpu.memory_space<vmem>>
    %dma_start3A_1434 = tpu.memref_squeeze %dma_start3A_1433 : memref<1x64x128xf32, #tpu.memory_space<vmem>> -> memref<64x128xf32, #tpu.memory_space<vmem>>
    %dma_start3A_1435 = arith.constant 0 : i32
    %dma_start3A_1436 = tpu.memref_slice %arg4[%dma_start3A_1430, %dma_start3A_1435, %mul3A_2] : memref<26x64x4096xf32, #tpu.memory_space<hbm>> -> memref<1x64x128xf32, #tpu.memory_space<hbm>>
    %dma_start3A_1437 = tpu.memref_squeeze %dma_start3A_1436 : memref<1x64x128xf32, #tpu.memory_space<hbm>> -> memref<64x128xf32, #tpu.memory_space<hbm>>
    %dma_start3A_1438 = arith.constant 0 : i32
    %dma_start3A_1439 = tpu.memref_slice %arg4[%dma_start3A_1430, %dma_start3A_1438, %mul3A_2] : memref<26x64x4096xf32, #tpu.memory_space<hbm>> -> memref<1x64x128xf32, #tpu.memory_space<hbm>>
    %dma_start3A_1440 = tpu.memref_squeeze %dma_start3A_1439 : memref<1x64x128xf32, #tpu.memory_space<hbm>> -> memref<64x128xf32, #tpu.memory_space<hbm>>
    %dma_start3A_1441 = arith.constant 0 : i32
    %dma_start3A_1442 = arith.constant 0 : i32
    %dma_start3A_1443 = tpu.memref_slice %arg6[%dma_start3A_1429, %dma_start3A_1441, %dma_start3A_1442] : memref<15x64x128xf32, #tpu.memory_space<vmem>> -> memref<1x64x128xf32, #tpu.memory_space<vmem>>
    %dma_start3A_1444 = tpu.memref_squeeze %dma_start3A_1443 : memref<1x64x128xf32, #tpu.memory_space<vmem>> -> memref<64x128xf32, #tpu.memory_space<vmem>>
    tpu.enqueue_dma source(%dma_start3A_1444 : memref<64x128xf32, #tpu.memory_space<vmem>>) target(%dma_start3A_1440 : memref<64x128xf32, #tpu.memory_space<hbm>>) target_semaphore(%arg8 : memref<!tpu.dma_semaphore, #tpu.memory_space<semaphore_mem>>)
    %dma_wait3A_1445 = arith.constant 5 : i32
    %dma_wait3A_1446 = arith.constant 0 : i32
    %dma_wait3A_1447 = arith.constant 0 : i32
    %dma_wait3A_1448 = tpu.memref_slice %arg6[%dma_wait3A_1445, %dma_wait3A_1446, %dma_wait3A_1447] : memref<15x64x128xf32, #tpu.memory_space<vmem>> -> memref<1x64x128xf32, #tpu.memory_space<vmem>>
    %dma_wait3A_1449 = tpu.memref_squeeze %dma_wait3A_1448 : memref<1x64x128xf32, #tpu.memory_space<vmem>> -> memref<64x128xf32, #tpu.memory_space<vmem>>
    %dma_wait3A_1450 = arith.constant 0 : i32
    %dma_wait3A_1451 = tpu.memref_slice %arg2[%reduce_sum3A_945, %dma_wait3A_1450, %mul3A_2] : memref<100x64x4096xf32, #tpu.memory_space<hbm>> -> memref<1x64x128xf32, #tpu.memory_space<hbm>>
    %dma_wait3A_1452 = tpu.memref_squeeze %dma_wait3A_1451 : memref<1x64x128xf32, #tpu.memory_space<hbm>> -> memref<64x128xf32, #tpu.memory_space<hbm>>
    %dma_wait3A_1453 = arith.constant 0 : i32
    %dma_wait3A_1454 = arith.constant 0 : i32
    %dma_wait3A_1455 = tpu.memref_slice %arg6[%dma_wait3A_1445, %dma_wait3A_1453, %dma_wait3A_1454] : memref<15x64x128xf32, #tpu.memory_space<vmem>> -> memref<1x64x128xf32, #tpu.memory_space<vmem>>
    %dma_wait3A_1456 = tpu.memref_squeeze %dma_wait3A_1455 : memref<1x64x128xf32, #tpu.memory_space<vmem>> -> memref<64x128xf32, #tpu.memory_space<vmem>>
    %dma_wait3A_1457 = arith.constant 0 : i32
    %dma_wait3A_1458 = tpu.memref_slice %arg2[%reduce_sum3A_945, %dma_wait3A_1457, %mul3A_2] : memref<100x64x4096xf32, #tpu.memory_space<hbm>> -> memref<1x64x128xf32, #tpu.memory_space<hbm>>
    %dma_wait3A_1459 = tpu.memref_squeeze %dma_wait3A_1458 : memref<1x64x128xf32, #tpu.memory_space<hbm>> -> memref<64x128xf32, #tpu.memory_space<hbm>>
    tpu.wait_dma2 semaphore(%arg7 : memref<!tpu.dma_semaphore, #tpu.memory_space<semaphore_mem>>) src(%dma_wait3A_1459 : memref<64x128xf32, #tpu.memory_space<hbm>>) dst(%dma_wait3A_1456 : memref<64x128xf32, #tpu.memory_space<vmem>>)
    %dma_start3A_1460 = arith.constant 5 : i32
    %dma_start3A_1461 = arith.constant 20 : i32
    %dma_start3A_1462 = arith.constant 0 : i32
    %dma_start3A_1463 = arith.constant 0 : i32
    %dma_start3A_1464 = tpu.memref_slice %arg6[%dma_start3A_1460, %dma_start3A_1462, %dma_start3A_1463] : memref<15x64x128xf32, #tpu.memory_space<vmem>> -> memref<1x64x128xf32, #tpu.memory_space<vmem>>
    %dma_start3A_1465 = tpu.memref_squeeze %dma_start3A_1464 : memref<1x64x128xf32, #tpu.memory_space<vmem>> -> memref<64x128xf32, #tpu.memory_space<vmem>>
    %dma_start3A_1466 = arith.constant 0 : i32
    %dma_start3A_1467 = tpu.memref_slice %arg4[%dma_start3A_1461, %dma_start3A_1466, %mul3A_2] : memref<26x64x4096xf32, #tpu.memory_space<hbm>> -> memref<1x64x128xf32, #tpu.memory_space<hbm>>
    %dma_start3A_1468 = tpu.memref_squeeze %dma_start3A_1467 : memref<1x64x128xf32, #tpu.memory_space<hbm>> -> memref<64x128xf32, #tpu.memory_space<hbm>>
    %dma_start3A_1469 = arith.constant 0 : i32
    %dma_start3A_1470 = tpu.memref_slice %arg4[%dma_start3A_1461, %dma_start3A_1469, %mul3A_2] : memref<26x64x4096xf32, #tpu.memory_space<hbm>> -> memref<1x64x128xf32, #tpu.memory_space<hbm>>
    %dma_start3A_1471 = tpu.memref_squeeze %dma_start3A_1470 : memref<1x64x128xf32, #tpu.memory_space<hbm>> -> memref<64x128xf32, #tpu.memory_space<hbm>>
    %dma_start3A_1472 = arith.constant 0 : i32
    %dma_start3A_1473 = arith.constant 0 : i32
    %dma_start3A_1474 = tpu.memref_slice %arg6[%dma_start3A_1460, %dma_start3A_1472, %dma_start3A_1473] : memref<15x64x128xf32, #tpu.memory_space<vmem>> -> memref<1x64x128xf32, #tpu.memory_space<vmem>>
    %dma_start3A_1475 = tpu.memref_squeeze %dma_start3A_1474 : memref<1x64x128xf32, #tpu.memory_space<vmem>> -> memref<64x128xf32, #tpu.memory_space<vmem>>
    tpu.enqueue_dma source(%dma_start3A_1475 : memref<64x128xf32, #tpu.memory_space<vmem>>) target(%dma_start3A_1471 : memref<64x128xf32, #tpu.memory_space<hbm>>) target_semaphore(%arg8 : memref<!tpu.dma_semaphore, #tpu.memory_space<semaphore_mem>>)
    %dma_wait3A_1476 = arith.constant 6 : i32
    %dma_wait3A_1477 = arith.constant 0 : i32
    %dma_wait3A_1478 = arith.constant 0 : i32
    %dma_wait3A_1479 = tpu.memref_slice %arg6[%dma_wait3A_1476, %dma_wait3A_1477, %dma_wait3A_1478] : memref<15x64x128xf32, #tpu.memory_space<vmem>> -> memref<1x64x128xf32, #tpu.memory_space<vmem>>
    %dma_wait3A_1480 = tpu.memref_squeeze %dma_wait3A_1479 : memref<1x64x128xf32, #tpu.memory_space<vmem>> -> memref<64x128xf32, #tpu.memory_space<vmem>>
    %dma_wait3A_1481 = arith.constant 0 : i32
    %dma_wait3A_1482 = tpu.memref_slice %arg2[%reduce_sum3A_1017, %dma_wait3A_1481, %mul3A_2] : memref<100x64x4096xf32, #tpu.memory_space<hbm>> -> memref<1x64x128xf32, #tpu.memory_space<hbm>>
    %dma_wait3A_1483 = tpu.memref_squeeze %dma_wait3A_1482 : memref<1x64x128xf32, #tpu.memory_space<hbm>> -> memref<64x128xf32, #tpu.memory_space<hbm>>
    %dma_wait3A_1484 = arith.constant 0 : i32
    %dma_wait3A_1485 = arith.constant 0 : i32
    %dma_wait3A_1486 = tpu.memref_slice %arg6[%dma_wait3A_1476, %dma_wait3A_1484, %dma_wait3A_1485] : memref<15x64x128xf32, #tpu.memory_space<vmem>> -> memref<1x64x128xf32, #tpu.memory_space<vmem>>
    %dma_wait3A_1487 = tpu.memref_squeeze %dma_wait3A_1486 : memref<1x64x128xf32, #tpu.memory_space<vmem>> -> memref<64x128xf32, #tpu.memory_space<vmem>>
    %dma_wait3A_1488 = arith.constant 0 : i32
    %dma_wait3A_1489 = tpu.memref_slice %arg2[%reduce_sum3A_1017, %dma_wait3A_1488, %mul3A_2] : memref<100x64x4096xf32, #tpu.memory_space<hbm>> -> memref<1x64x128xf32, #tpu.memory_space<hbm>>
    %dma_wait3A_1490 = tpu.memref_squeeze %dma_wait3A_1489 : memref<1x64x128xf32, #tpu.memory_space<hbm>> -> memref<64x128xf32, #tpu.memory_space<hbm>>
    tpu.wait_dma2 semaphore(%arg7 : memref<!tpu.dma_semaphore, #tpu.memory_space<semaphore_mem>>) src(%dma_wait3A_1490 : memref<64x128xf32, #tpu.memory_space<hbm>>) dst(%dma_wait3A_1487 : memref<64x128xf32, #tpu.memory_space<vmem>>)
    %dma_start3A_1491 = arith.constant 6 : i32
    %dma_start3A_1492 = arith.constant 21 : i32
    %dma_start3A_1493 = arith.constant 0 : i32
    %dma_start3A_1494 = arith.constant 0 : i32
    %dma_start3A_1495 = tpu.memref_slice %arg6[%dma_start3A_1491, %dma_start3A_1493, %dma_start3A_1494] : memref<15x64x128xf32, #tpu.memory_space<vmem>> -> memref<1x64x128xf32, #tpu.memory_space<vmem>>
    %dma_start3A_1496 = tpu.memref_squeeze %dma_start3A_1495 : memref<1x64x128xf32, #tpu.memory_space<vmem>> -> memref<64x128xf32, #tpu.memory_space<vmem>>
    %dma_start3A_1497 = arith.constant 0 : i32
    %dma_start3A_1498 = tpu.memref_slice %arg4[%dma_start3A_1492, %dma_start3A_1497, %mul3A_2] : memref<26x64x4096xf32, #tpu.memory_space<hbm>> -> memref<1x64x128xf32, #tpu.memory_space<hbm>>
    %dma_start3A_1499 = tpu.memref_squeeze %dma_start3A_1498 : memref<1x64x128xf32, #tpu.memory_space<hbm>> -> memref<64x128xf32, #tpu.memory_space<hbm>>
    %dma_start3A_1500 = arith.constant 0 : i32
    %dma_start3A_1501 = tpu.memref_slice %arg4[%dma_start3A_1492, %dma_start3A_1500, %mul3A_2] : memref<26x64x4096xf32, #tpu.memory_space<hbm>> -> memref<1x64x128xf32, #tpu.memory_space<hbm>>
    %dma_start3A_1502 = tpu.memref_squeeze %dma_start3A_1501 : memref<1x64x128xf32, #tpu.memory_space<hbm>> -> memref<64x128xf32, #tpu.memory_space<hbm>>
    %dma_start3A_1503 = arith.constant 0 : i32
    %dma_start3A_1504 = arith.constant 0 : i32
    %dma_start3A_1505 = tpu.memref_slice %arg6[%dma_start3A_1491, %dma_start3A_1503, %dma_start3A_1504] : memref<15x64x128xf32, #tpu.memory_space<vmem>> -> memref<1x64x128xf32, #tpu.memory_space<vmem>>
    %dma_start3A_1506 = tpu.memref_squeeze %dma_start3A_1505 : memref<1x64x128xf32, #tpu.memory_space<vmem>> -> memref<64x128xf32, #tpu.memory_space<vmem>>
    tpu.enqueue_dma source(%dma_start3A_1506 : memref<64x128xf32, #tpu.memory_space<vmem>>) target(%dma_start3A_1502 : memref<64x128xf32, #tpu.memory_space<hbm>>) target_semaphore(%arg8 : memref<!tpu.dma_semaphore, #tpu.memory_space<semaphore_mem>>)
    %dma_wait3A_1507 = arith.constant 7 : i32
    %dma_wait3A_1508 = arith.constant 0 : i32
    %dma_wait3A_1509 = arith.constant 0 : i32
    %dma_wait3A_1510 = tpu.memref_slice %arg6[%dma_wait3A_1507, %dma_wait3A_1508, %dma_wait3A_1509] : memref<15x64x128xf32, #tpu.memory_space<vmem>> -> memref<1x64x128xf32, #tpu.memory_space<vmem>>
    %dma_wait3A_1511 = tpu.memref_squeeze %dma_wait3A_1510 : memref<1x64x128xf32, #tpu.memory_space<vmem>> -> memref<64x128xf32, #tpu.memory_space<vmem>>
    %dma_wait3A_1512 = arith.constant 0 : i32
    %dma_wait3A_1513 = tpu.memref_slice %arg2[%reduce_sum3A_1089, %dma_wait3A_1512, %mul3A_2] : memref<100x64x4096xf32, #tpu.memory_space<hbm>> -> memref<1x64x128xf32, #tpu.memory_space<hbm>>
    %dma_wait3A_1514 = tpu.memref_squeeze %dma_wait3A_1513 : memref<1x64x128xf32, #tpu.memory_space<hbm>> -> memref<64x128xf32, #tpu.memory_space<hbm>>
    %dma_wait3A_1515 = arith.constant 0 : i32
    %dma_wait3A_1516 = arith.constant 0 : i32
    %dma_wait3A_1517 = tpu.memref_slice %arg6[%dma_wait3A_1507, %dma_wait3A_1515, %dma_wait3A_1516] : memref<15x64x128xf32, #tpu.memory_space<vmem>> -> memref<1x64x128xf32, #tpu.memory_space<vmem>>
    %dma_wait3A_1518 = tpu.memref_squeeze %dma_wait3A_1517 : memref<1x64x128xf32, #tpu.memory_space<vmem>> -> memref<64x128xf32, #tpu.memory_space<vmem>>
    %dma_wait3A_1519 = arith.constant 0 : i32
    %dma_wait3A_1520 = tpu.memref_slice %arg2[%reduce_sum3A_1089, %dma_wait3A_1519, %mul3A_2] : memref<100x64x4096xf32, #tpu.memory_space<hbm>> -> memref<1x64x128xf32, #tpu.memory_space<hbm>>
    %dma_wait3A_1521 = tpu.memref_squeeze %dma_wait3A_1520 : memref<1x64x128xf32, #tpu.memory_space<hbm>> -> memref<64x128xf32, #tpu.memory_space<hbm>>
    tpu.wait_dma2 semaphore(%arg7 : memref<!tpu.dma_semaphore, #tpu.memory_space<semaphore_mem>>) src(%dma_wait3A_1521 : memref<64x128xf32, #tpu.memory_space<hbm>>) dst(%dma_wait3A_1518 : memref<64x128xf32, #tpu.memory_space<vmem>>)
    %dma_start3A_1522 = arith.constant 7 : i32
    %dma_start3A_1523 = arith.constant 22 : i32
    %dma_start3A_1524 = arith.constant 0 : i32
    %dma_start3A_1525 = arith.constant 0 : i32
    %dma_start3A_1526 = tpu.memref_slice %arg6[%dma_start3A_1522, %dma_start3A_1524, %dma_start3A_1525] : memref<15x64x128xf32, #tpu.memory_space<vmem>> -> memref<1x64x128xf32, #tpu.memory_space<vmem>>
    %dma_start3A_1527 = tpu.memref_squeeze %dma_start3A_1526 : memref<1x64x128xf32, #tpu.memory_space<vmem>> -> memref<64x128xf32, #tpu.memory_space<vmem>>
    %dma_start3A_1528 = arith.constant 0 : i32
    %dma_start3A_1529 = tpu.memref_slice %arg4[%dma_start3A_1523, %dma_start3A_1528, %mul3A_2] : memref<26x64x4096xf32, #tpu.memory_space<hbm>> -> memref<1x64x128xf32, #tpu.memory_space<hbm>>
    %dma_start3A_1530 = tpu.memref_squeeze %dma_start3A_1529 : memref<1x64x128xf32, #tpu.memory_space<hbm>> -> memref<64x128xf32, #tpu.memory_space<hbm>>
    %dma_start3A_1531 = arith.constant 0 : i32
    %dma_start3A_1532 = tpu.memref_slice %arg4[%dma_start3A_1523, %dma_start3A_1531, %mul3A_2] : memref<26x64x4096xf32, #tpu.memory_space<hbm>> -> memref<1x64x128xf32, #tpu.memory_space<hbm>>
    %dma_start3A_1533 = tpu.memref_squeeze %dma_start3A_1532 : memref<1x64x128xf32, #tpu.memory_space<hbm>> -> memref<64x128xf32, #tpu.memory_space<hbm>>
    %dma_start3A_1534 = arith.constant 0 : i32
    %dma_start3A_1535 = arith.constant 0 : i32
    %dma_start3A_1536 = tpu.memref_slice %arg6[%dma_start3A_1522, %dma_start3A_1534, %dma_start3A_1535] : memref<15x64x128xf32, #tpu.memory_space<vmem>> -> memref<1x64x128xf32, #tpu.memory_space<vmem>>
    %dma_start3A_1537 = tpu.memref_squeeze %dma_start3A_1536 : memref<1x64x128xf32, #tpu.memory_space<vmem>> -> memref<64x128xf32, #tpu.memory_space<vmem>>
    tpu.enqueue_dma source(%dma_start3A_1537 : memref<64x128xf32, #tpu.memory_space<vmem>>) target(%dma_start3A_1533 : memref<64x128xf32, #tpu.memory_space<hbm>>) target_semaphore(%arg8 : memref<!tpu.dma_semaphore, #tpu.memory_space<semaphore_mem>>)
    %dma_wait3A_1538 = arith.constant 8 : i32
    %dma_wait3A_1539 = arith.constant 0 : i32
    %dma_wait3A_1540 = arith.constant 0 : i32
    %dma_wait3A_1541 = tpu.memref_slice %arg6[%dma_wait3A_1538, %dma_wait3A_1539, %dma_wait3A_1540] : memref<15x64x128xf32, #tpu.memory_space<vmem>> -> memref<1x64x128xf32, #tpu.memory_space<vmem>>
    %dma_wait3A_1542 = tpu.memref_squeeze %dma_wait3A_1541 : memref<1x64x128xf32, #tpu.memory_space<vmem>> -> memref<64x128xf32, #tpu.memory_space<vmem>>
    %dma_wait3A_1543 = arith.constant 0 : i32
    %dma_wait3A_1544 = tpu.memref_slice %arg2[%reduce_sum3A_1161, %dma_wait3A_1543, %mul3A_2] : memref<100x64x4096xf32, #tpu.memory_space<hbm>> -> memref<1x64x128xf32, #tpu.memory_space<hbm>>
    %dma_wait3A_1545 = tpu.memref_squeeze %dma_wait3A_1544 : memref<1x64x128xf32, #tpu.memory_space<hbm>> -> memref<64x128xf32, #tpu.memory_space<hbm>>
    %dma_wait3A_1546 = arith.constant 0 : i32
    %dma_wait3A_1547 = arith.constant 0 : i32
    %dma_wait3A_1548 = tpu.memref_slice %arg6[%dma_wait3A_1538, %dma_wait3A_1546, %dma_wait3A_1547] : memref<15x64x128xf32, #tpu.memory_space<vmem>> -> memref<1x64x128xf32, #tpu.memory_space<vmem>>
    %dma_wait3A_1549 = tpu.memref_squeeze %dma_wait3A_1548 : memref<1x64x128xf32, #tpu.memory_space<vmem>> -> memref<64x128xf32, #tpu.memory_space<vmem>>
    %dma_wait3A_1550 = arith.constant 0 : i32
    %dma_wait3A_1551 = tpu.memref_slice %arg2[%reduce_sum3A_1161, %dma_wait3A_1550, %mul3A_2] : memref<100x64x4096xf32, #tpu.memory_space<hbm>> -> memref<1x64x128xf32, #tpu.memory_space<hbm>>
    %dma_wait3A_1552 = tpu.memref_squeeze %dma_wait3A_1551 : memref<1x64x128xf32, #tpu.memory_space<hbm>> -> memref<64x128xf32, #tpu.memory_space<hbm>>
    tpu.wait_dma2 semaphore(%arg7 : memref<!tpu.dma_semaphore, #tpu.memory_space<semaphore_mem>>) src(%dma_wait3A_1552 : memref<64x128xf32, #tpu.memory_space<hbm>>) dst(%dma_wait3A_1549 : memref<64x128xf32, #tpu.memory_space<vmem>>)
    %dma_start3A_1553 = arith.constant 8 : i32
    %dma_start3A_1554 = arith.constant 23 : i32
    %dma_start3A_1555 = arith.constant 0 : i32
    %dma_start3A_1556 = arith.constant 0 : i32
    %dma_start3A_1557 = tpu.memref_slice %arg6[%dma_start3A_1553, %dma_start3A_1555, %dma_start3A_1556] : memref<15x64x128xf32, #tpu.memory_space<vmem>> -> memref<1x64x128xf32, #tpu.memory_space<vmem>>
    %dma_start3A_1558 = tpu.memref_squeeze %dma_start3A_1557 : memref<1x64x128xf32, #tpu.memory_space<vmem>> -> memref<64x128xf32, #tpu.memory_space<vmem>>
    %dma_start3A_1559 = arith.constant 0 : i32
    %dma_start3A_1560 = tpu.memref_slice %arg4[%dma_start3A_1554, %dma_start3A_1559, %mul3A_2] : memref<26x64x4096xf32, #tpu.memory_space<hbm>> -> memref<1x64x128xf32, #tpu.memory_space<hbm>>
    %dma_start3A_1561 = tpu.memref_squeeze %dma_start3A_1560 : memref<1x64x128xf32, #tpu.memory_space<hbm>> -> memref<64x128xf32, #tpu.memory_space<hbm>>
    %dma_start3A_1562 = arith.constant 0 : i32
    %dma_start3A_1563 = tpu.memref_slice %arg4[%dma_start3A_1554, %dma_start3A_1562, %mul3A_2] : memref<26x64x4096xf32, #tpu.memory_space<hbm>> -> memref<1x64x128xf32, #tpu.memory_space<hbm>>
    %dma_start3A_1564 = tpu.memref_squeeze %dma_start3A_1563 : memref<1x64x128xf32, #tpu.memory_space<hbm>> -> memref<64x128xf32, #tpu.memory_space<hbm>>
    %dma_start3A_1565 = arith.constant 0 : i32
    %dma_start3A_1566 = arith.constant 0 : i32
    %dma_start3A_1567 = tpu.memref_slice %arg6[%dma_start3A_1553, %dma_start3A_1565, %dma_start3A_1566] : memref<15x64x128xf32, #tpu.memory_space<vmem>> -> memref<1x64x128xf32, #tpu.memory_space<vmem>>
    %dma_start3A_1568 = tpu.memref_squeeze %dma_start3A_1567 : memref<1x64x128xf32, #tpu.memory_space<vmem>> -> memref<64x128xf32, #tpu.memory_space<vmem>>
    tpu.enqueue_dma source(%dma_start3A_1568 : memref<64x128xf32, #tpu.memory_space<vmem>>) target(%dma_start3A_1564 : memref<64x128xf32, #tpu.memory_space<hbm>>) target_semaphore(%arg8 : memref<!tpu.dma_semaphore, #tpu.memory_space<semaphore_mem>>)
    %dma_wait3A_1569 = arith.constant 9 : i32
    %dma_wait3A_1570 = arith.constant 0 : i32
    %dma_wait3A_1571 = arith.constant 0 : i32
    %dma_wait3A_1572 = tpu.memref_slice %arg6[%dma_wait3A_1569, %dma_wait3A_1570, %dma_wait3A_1571] : memref<15x64x128xf32, #tpu.memory_space<vmem>> -> memref<1x64x128xf32, #tpu.memory_space<vmem>>
    %dma_wait3A_1573 = tpu.memref_squeeze %dma_wait3A_1572 : memref<1x64x128xf32, #tpu.memory_space<vmem>> -> memref<64x128xf32, #tpu.memory_space<vmem>>
    %dma_wait3A_1574 = arith.constant 0 : i32
    %dma_wait3A_1575 = tpu.memref_slice %arg2[%reduce_sum3A_1233, %dma_wait3A_1574, %mul3A_2] : memref<100x64x4096xf32, #tpu.memory_space<hbm>> -> memref<1x64x128xf32, #tpu.memory_space<hbm>>
    %dma_wait3A_1576 = tpu.memref_squeeze %dma_wait3A_1575 : memref<1x64x128xf32, #tpu.memory_space<hbm>> -> memref<64x128xf32, #tpu.memory_space<hbm>>
    %dma_wait3A_1577 = arith.constant 0 : i32
    %dma_wait3A_1578 = arith.constant 0 : i32
    %dma_wait3A_1579 = tpu.memref_slice %arg6[%dma_wait3A_1569, %dma_wait3A_1577, %dma_wait3A_1578] : memref<15x64x128xf32, #tpu.memory_space<vmem>> -> memref<1x64x128xf32, #tpu.memory_space<vmem>>
    %dma_wait3A_1580 = tpu.memref_squeeze %dma_wait3A_1579 : memref<1x64x128xf32, #tpu.memory_space<vmem>> -> memref<64x128xf32, #tpu.memory_space<vmem>>
    %dma_wait3A_1581 = arith.constant 0 : i32
    %dma_wait3A_1582 = tpu.memref_slice %arg2[%reduce_sum3A_1233, %dma_wait3A_1581, %mul3A_2] : memref<100x64x4096xf32, #tpu.memory_space<hbm>> -> memref<1x64x128xf32, #tpu.memory_space<hbm>>
    %dma_wait3A_1583 = tpu.memref_squeeze %dma_wait3A_1582 : memref<1x64x128xf32, #tpu.memory_space<hbm>> -> memref<64x128xf32, #tpu.memory_space<hbm>>
    tpu.wait_dma2 semaphore(%arg7 : memref<!tpu.dma_semaphore, #tpu.memory_space<semaphore_mem>>) src(%dma_wait3A_1583 : memref<64x128xf32, #tpu.memory_space<hbm>>) dst(%dma_wait3A_1580 : memref<64x128xf32, #tpu.memory_space<vmem>>)
    %dma_start3A_1584 = arith.constant 9 : i32
    %dma_start3A_1585 = arith.constant 24 : i32
    %dma_start3A_1586 = arith.constant 0 : i32
    %dma_start3A_1587 = arith.constant 0 : i32
    %dma_start3A_1588 = tpu.memref_slice %arg6[%dma_start3A_1584, %dma_start3A_1586, %dma_start3A_1587] : memref<15x64x128xf32, #tpu.memory_space<vmem>> -> memref<1x64x128xf32, #tpu.memory_space<vmem>>
    %dma_start3A_1589 = tpu.memref_squeeze %dma_start3A_1588 : memref<1x64x128xf32, #tpu.memory_space<vmem>> -> memref<64x128xf32, #tpu.memory_space<vmem>>
    %dma_start3A_1590 = arith.constant 0 : i32
    %dma_start3A_1591 = tpu.memref_slice %arg4[%dma_start3A_1585, %dma_start3A_1590, %mul3A_2] : memref<26x64x4096xf32, #tpu.memory_space<hbm>> -> memref<1x64x128xf32, #tpu.memory_space<hbm>>
    %dma_start3A_1592 = tpu.memref_squeeze %dma_start3A_1591 : memref<1x64x128xf32, #tpu.memory_space<hbm>> -> memref<64x128xf32, #tpu.memory_space<hbm>>
    %dma_start3A_1593 = arith.constant 0 : i32
    %dma_start3A_1594 = tpu.memref_slice %arg4[%dma_start3A_1585, %dma_start3A_1593, %mul3A_2] : memref<26x64x4096xf32, #tpu.memory_space<hbm>> -> memref<1x64x128xf32, #tpu.memory_space<hbm>>
    %dma_start3A_1595 = tpu.memref_squeeze %dma_start3A_1594 : memref<1x64x128xf32, #tpu.memory_space<hbm>> -> memref<64x128xf32, #tpu.memory_space<hbm>>
    %dma_start3A_1596 = arith.constant 0 : i32
    %dma_start3A_1597 = arith.constant 0 : i32
    %dma_start3A_1598 = tpu.memref_slice %arg6[%dma_start3A_1584, %dma_start3A_1596, %dma_start3A_1597] : memref<15x64x128xf32, #tpu.memory_space<vmem>> -> memref<1x64x128xf32, #tpu.memory_space<vmem>>
    %dma_start3A_1599 = tpu.memref_squeeze %dma_start3A_1598 : memref<1x64x128xf32, #tpu.memory_space<vmem>> -> memref<64x128xf32, #tpu.memory_space<vmem>>
    tpu.enqueue_dma source(%dma_start3A_1599 : memref<64x128xf32, #tpu.memory_space<vmem>>) target(%dma_start3A_1595 : memref<64x128xf32, #tpu.memory_space<hbm>>) target_semaphore(%arg8 : memref<!tpu.dma_semaphore, #tpu.memory_space<semaphore_mem>>)
    %dma_wait3A_1600 = arith.constant 10 : i32
    %dma_wait3A_1601 = arith.constant 0 : i32
    %dma_wait3A_1602 = arith.constant 0 : i32
    %dma_wait3A_1603 = tpu.memref_slice %arg6[%dma_wait3A_1600, %dma_wait3A_1601, %dma_wait3A_1602] : memref<15x64x128xf32, #tpu.memory_space<vmem>> -> memref<1x64x128xf32, #tpu.memory_space<vmem>>
    %dma_wait3A_1604 = tpu.memref_squeeze %dma_wait3A_1603 : memref<1x64x128xf32, #tpu.memory_space<vmem>> -> memref<64x128xf32, #tpu.memory_space<vmem>>
    %dma_wait3A_1605 = arith.constant 0 : i32
    %dma_wait3A_1606 = tpu.memref_slice %arg2[%reduce_sum3A_1305, %dma_wait3A_1605, %mul3A_2] : memref<100x64x4096xf32, #tpu.memory_space<hbm>> -> memref<1x64x128xf32, #tpu.memory_space<hbm>>
    %dma_wait3A_1607 = tpu.memref_squeeze %dma_wait3A_1606 : memref<1x64x128xf32, #tpu.memory_space<hbm>> -> memref<64x128xf32, #tpu.memory_space<hbm>>
    %dma_wait3A_1608 = arith.constant 0 : i32
    %dma_wait3A_1609 = arith.constant 0 : i32
    %dma_wait3A_1610 = tpu.memref_slice %arg6[%dma_wait3A_1600, %dma_wait3A_1608, %dma_wait3A_1609] : memref<15x64x128xf32, #tpu.memory_space<vmem>> -> memref<1x64x128xf32, #tpu.memory_space<vmem>>
    %dma_wait3A_1611 = tpu.memref_squeeze %dma_wait3A_1610 : memref<1x64x128xf32, #tpu.memory_space<vmem>> -> memref<64x128xf32, #tpu.memory_space<vmem>>
    %dma_wait3A_1612 = arith.constant 0 : i32
    %dma_wait3A_1613 = tpu.memref_slice %arg2[%reduce_sum3A_1305, %dma_wait3A_1612, %mul3A_2] : memref<100x64x4096xf32, #tpu.memory_space<hbm>> -> memref<1x64x128xf32, #tpu.memory_space<hbm>>
    %dma_wait3A_1614 = tpu.memref_squeeze %dma_wait3A_1613 : memref<1x64x128xf32, #tpu.memory_space<hbm>> -> memref<64x128xf32, #tpu.memory_space<hbm>>
    tpu.wait_dma2 semaphore(%arg7 : memref<!tpu.dma_semaphore, #tpu.memory_space<semaphore_mem>>) src(%dma_wait3A_1614 : memref<64x128xf32, #tpu.memory_space<hbm>>) dst(%dma_wait3A_1611 : memref<64x128xf32, #tpu.memory_space<vmem>>)
    %dma_start3A_1615 = arith.constant 10 : i32
    %dma_start3A_1616 = arith.constant 25 : i32
    %dma_start3A_1617 = arith.constant 0 : i32
    %dma_start3A_1618 = arith.constant 0 : i32
    %dma_start3A_1619 = tpu.memref_slice %arg6[%dma_start3A_1615, %dma_start3A_1617, %dma_start3A_1618] : memref<15x64x128xf32, #tpu.memory_space<vmem>> -> memref<1x64x128xf32, #tpu.memory_space<vmem>>
    %dma_start3A_1620 = tpu.memref_squeeze %dma_start3A_1619 : memref<1x64x128xf32, #tpu.memory_space<vmem>> -> memref<64x128xf32, #tpu.memory_space<vmem>>
    %dma_start3A_1621 = arith.constant 0 : i32
    %dma_start3A_1622 = tpu.memref_slice %arg4[%dma_start3A_1616, %dma_start3A_1621, %mul3A_2] : memref<26x64x4096xf32, #tpu.memory_space<hbm>> -> memref<1x64x128xf32, #tpu.memory_space<hbm>>
    %dma_start3A_1623 = tpu.memref_squeeze %dma_start3A_1622 : memref<1x64x128xf32, #tpu.memory_space<hbm>> -> memref<64x128xf32, #tpu.memory_space<hbm>>
    %dma_start3A_1624 = arith.constant 0 : i32
    %dma_start3A_1625 = tpu.memref_slice %arg4[%dma_start3A_1616, %dma_start3A_1624, %mul3A_2] : memref<26x64x4096xf32, #tpu.memory_space<hbm>> -> memref<1x64x128xf32, #tpu.memory_space<hbm>>
    %dma_start3A_1626 = tpu.memref_squeeze %dma_start3A_1625 : memref<1x64x128xf32, #tpu.memory_space<hbm>> -> memref<64x128xf32, #tpu.memory_space<hbm>>
    %dma_start3A_1627 = arith.constant 0 : i32
    %dma_start3A_1628 = arith.constant 0 : i32
    %dma_start3A_1629 = tpu.memref_slice %arg6[%dma_start3A_1615, %dma_start3A_1627, %dma_start3A_1628] : memref<15x64x128xf32, #tpu.memory_space<vmem>> -> memref<1x64x128xf32, #tpu.memory_space<vmem>>
    %dma_start3A_1630 = tpu.memref_squeeze %dma_start3A_1629 : memref<1x64x128xf32, #tpu.memory_space<vmem>> -> memref<64x128xf32, #tpu.memory_space<vmem>>
    tpu.enqueue_dma source(%dma_start3A_1630 : memref<64x128xf32, #tpu.memory_space<vmem>>) target(%dma_start3A_1626 : memref<64x128xf32, #tpu.memory_space<hbm>>) target_semaphore(%arg8 : memref<!tpu.dma_semaphore, #tpu.memory_space<semaphore_mem>>)
    %dma_wait3A_1631 = arith.constant 11 : i32
    %dma_wait3A_1632 = arith.constant 11 : i32
    %dma_wait3A_1633 = arith.constant 0 : i32
    %dma_wait3A_1634 = arith.constant 0 : i32
    %dma_wait3A_1635 = tpu.memref_slice %arg6[%dma_wait3A_1631, %dma_wait3A_1633, %dma_wait3A_1634] : memref<15x64x128xf32, #tpu.memory_space<vmem>> -> memref<1x64x128xf32, #tpu.memory_space<vmem>>
    %dma_wait3A_1636 = tpu.memref_squeeze %dma_wait3A_1635 : memref<1x64x128xf32, #tpu.memory_space<vmem>> -> memref<64x128xf32, #tpu.memory_space<vmem>>
    %dma_wait3A_1637 = arith.constant 0 : i32
    %dma_wait3A_1638 = tpu.memref_slice %arg4[%dma_wait3A_1632, %dma_wait3A_1637, %mul3A_2] : memref<26x64x4096xf32, #tpu.memory_space<hbm>> -> memref<1x64x128xf32, #tpu.memory_space<hbm>>
    %dma_wait3A_1639 = tpu.memref_squeeze %dma_wait3A_1638 : memref<1x64x128xf32, #tpu.memory_space<hbm>> -> memref<64x128xf32, #tpu.memory_space<hbm>>
    %dma_wait3A_1640 = arith.constant 0 : i32
    %dma_wait3A_1641 = tpu.memref_slice %arg4[%dma_wait3A_1632, %dma_wait3A_1640, %mul3A_2] : memref<26x64x4096xf32, #tpu.memory_space<hbm>> -> memref<1x64x128xf32, #tpu.memory_space<hbm>>
    %dma_wait3A_1642 = tpu.memref_squeeze %dma_wait3A_1641 : memref<1x64x128xf32, #tpu.memory_space<hbm>> -> memref<64x128xf32, #tpu.memory_space<hbm>>
    %dma_wait3A_1643 = arith.constant 0 : i32
    %dma_wait3A_1644 = arith.constant 0 : i32
    %dma_wait3A_1645 = tpu.memref_slice %arg6[%dma_wait3A_1631, %dma_wait3A_1643, %dma_wait3A_1644] : memref<15x64x128xf32, #tpu.memory_space<vmem>> -> memref<1x64x128xf32, #tpu.memory_space<vmem>>
    %dma_wait3A_1646 = tpu.memref_squeeze %dma_wait3A_1645 : memref<1x64x128xf32, #tpu.memory_space<vmem>> -> memref<64x128xf32, #tpu.memory_space<vmem>>
    tpu.wait_dma2 semaphore(%arg8 : memref<!tpu.dma_semaphore, #tpu.memory_space<semaphore_mem>>) src(%dma_wait3A_1646 : memref<64x128xf32, #tpu.memory_space<vmem>>) dst(%dma_wait3A_1642 : memref<64x128xf32, #tpu.memory_space<hbm>>)
    %dma_wait3A_1647 = arith.constant 12 : i32
    %dma_wait3A_1648 = arith.constant 12 : i32
    %dma_wait3A_1649 = arith.constant 0 : i32
    %dma_wait3A_1650 = arith.constant 0 : i32
    %dma_wait3A_1651 = tpu.memref_slice %arg6[%dma_wait3A_1647, %dma_wait3A_1649, %dma_wait3A_1650] : memref<15x64x128xf32, #tpu.memory_space<vmem>> -> memref<1x64x128xf32, #tpu.memory_space<vmem>>
    %dma_wait3A_1652 = tpu.memref_squeeze %dma_wait3A_1651 : memref<1x64x128xf32, #tpu.memory_space<vmem>> -> memref<64x128xf32, #tpu.memory_space<vmem>>
    %dma_wait3A_1653 = arith.constant 0 : i32
    %dma_wait3A_1654 = tpu.memref_slice %arg4[%dma_wait3A_1648, %dma_wait3A_1653, %mul3A_2] : memref<26x64x4096xf32, #tpu.memory_space<hbm>> -> memref<1x64x128xf32, #tpu.memory_space<hbm>>
    %dma_wait3A_1655 = tpu.memref_squeeze %dma_wait3A_1654 : memref<1x64x128xf32, #tpu.memory_space<hbm>> -> memref<64x128xf32, #tpu.memory_space<hbm>>
    %dma_wait3A_1656 = arith.constant 0 : i32
    %dma_wait3A_1657 = tpu.memref_slice %arg4[%dma_wait3A_1648, %dma_wait3A_1656, %mul3A_2] : memref<26x64x4096xf32, #tpu.memory_space<hbm>> -> memref<1x64x128xf32, #tpu.memory_space<hbm>>
    %dma_wait3A_1658 = tpu.memref_squeeze %dma_wait3A_1657 : memref<1x64x128xf32, #tpu.memory_space<hbm>> -> memref<64x128xf32, #tpu.memory_space<hbm>>
    %dma_wait3A_1659 = arith.constant 0 : i32
    %dma_wait3A_1660 = arith.constant 0 : i32
    %dma_wait3A_1661 = tpu.memref_slice %arg6[%dma_wait3A_1647, %dma_wait3A_1659, %dma_wait3A_1660] : memref<15x64x128xf32, #tpu.memory_space<vmem>> -> memref<1x64x128xf32, #tpu.memory_space<vmem>>
    %dma_wait3A_1662 = tpu.memref_squeeze %dma_wait3A_1661 : memref<1x64x128xf32, #tpu.memory_space<vmem>> -> memref<64x128xf32, #tpu.memory_space<vmem>>
    tpu.wait_dma2 semaphore(%arg8 : memref<!tpu.dma_semaphore, #tpu.memory_space<semaphore_mem>>) src(%dma_wait3A_1662 : memref<64x128xf32, #tpu.memory_space<vmem>>) dst(%dma_wait3A_1658 : memref<64x128xf32, #tpu.memory_space<hbm>>)
    %dma_wait3A_1663 = arith.constant 13 : i32
    %dma_wait3A_1664 = arith.constant 13 : i32
    %dma_wait3A_1665 = arith.constant 0 : i32
    %dma_wait3A_1666 = arith.constant 0 : i32
    %dma_wait3A_1667 = tpu.memref_slice %arg6[%dma_wait3A_1663, %dma_wait3A_1665, %dma_wait3A_1666] : memref<15x64x128xf32, #tpu.memory_space<vmem>> -> memref<1x64x128xf32, #tpu.memory_space<vmem>>
    %dma_wait3A_1668 = tpu.memref_squeeze %dma_wait3A_1667 : memref<1x64x128xf32, #tpu.memory_space<vmem>> -> memref<64x128xf32, #tpu.memory_space<vmem>>
    %dma_wait3A_1669 = arith.constant 0 : i32
    %dma_wait3A_1670 = tpu.memref_slice %arg4[%dma_wait3A_1664, %dma_wait3A_1669, %mul3A_2] : memref<26x64x4096xf32, #tpu.memory_space<hbm>> -> memref<1x64x128xf32, #tpu.memory_space<hbm>>
    %dma_wait3A_1671 = tpu.memref_squeeze %dma_wait3A_1670 : memref<1x64x128xf32, #tpu.memory_space<hbm>> -> memref<64x128xf32, #tpu.memory_space<hbm>>
    %dma_wait3A_1672 = arith.constant 0 : i32
    %dma_wait3A_1673 = tpu.memref_slice %arg4[%dma_wait3A_1664, %dma_wait3A_1672, %mul3A_2] : memref<26x64x4096xf32, #tpu.memory_space<hbm>> -> memref<1x64x128xf32, #tpu.memory_space<hbm>>
    %dma_wait3A_1674 = tpu.memref_squeeze %dma_wait3A_1673 : memref<1x64x128xf32, #tpu.memory_space<hbm>> -> memref<64x128xf32, #tpu.memory_space<hbm>>
    %dma_wait3A_1675 = arith.constant 0 : i32
    %dma_wait3A_1676 = arith.constant 0 : i32
    %dma_wait3A_1677 = tpu.memref_slice %arg6[%dma_wait3A_1663, %dma_wait3A_1675, %dma_wait3A_1676] : memref<15x64x128xf32, #tpu.memory_space<vmem>> -> memref<1x64x128xf32, #tpu.memory_space<vmem>>
    %dma_wait3A_1678 = tpu.memref_squeeze %dma_wait3A_1677 : memref<1x64x128xf32, #tpu.memory_space<vmem>> -> memref<64x128xf32, #tpu.memory_space<vmem>>
    tpu.wait_dma2 semaphore(%arg8 : memref<!tpu.dma_semaphore, #tpu.memory_space<semaphore_mem>>) src(%dma_wait3A_1678 : memref<64x128xf32, #tpu.memory_space<vmem>>) dst(%dma_wait3A_1674 : memref<64x128xf32, #tpu.memory_space<hbm>>)
    %dma_wait3A_1679 = arith.constant 14 : i32
    %dma_wait3A_1680 = arith.constant 14 : i32
    %dma_wait3A_1681 = arith.constant 0 : i32
    %dma_wait3A_1682 = arith.constant 0 : i32
    %dma_wait3A_1683 = tpu.memref_slice %arg6[%dma_wait3A_1679, %dma_wait3A_1681, %dma_wait3A_1682] : memref<15x64x128xf32, #tpu.memory_space<vmem>> -> memref<1x64x128xf32, #tpu.memory_space<vmem>>
    %dma_wait3A_1684 = tpu.memref_squeeze %dma_wait3A_1683 : memref<1x64x128xf32, #tpu.memory_space<vmem>> -> memref<64x128xf32, #tpu.memory_space<vmem>>
    %dma_wait3A_1685 = arith.constant 0 : i32
    %dma_wait3A_1686 = tpu.memref_slice %arg4[%dma_wait3A_1680, %dma_wait3A_1685, %mul3A_2] : memref<26x64x4096xf32, #tpu.memory_space<hbm>> -> memref<1x64x128xf32, #tpu.memory_space<hbm>>
    %dma_wait3A_1687 = tpu.memref_squeeze %dma_wait3A_1686 : memref<1x64x128xf32, #tpu.memory_space<hbm>> -> memref<64x128xf32, #tpu.memory_space<hbm>>
    %dma_wait3A_1688 = arith.constant 0 : i32
    %dma_wait3A_1689 = tpu.memref_slice %arg4[%dma_wait3A_1680, %dma_wait3A_1688, %mul3A_2] : memref<26x64x4096xf32, #tpu.memory_space<hbm>> -> memref<1x64x128xf32, #tpu.memory_space<hbm>>
    %dma_wait3A_1690 = tpu.memref_squeeze %dma_wait3A_1689 : memref<1x64x128xf32, #tpu.memory_space<hbm>> -> memref<64x128xf32, #tpu.memory_space<hbm>>
    %dma_wait3A_1691 = arith.constant 0 : i32
    %dma_wait3A_1692 = arith.constant 0 : i32
    %dma_wait3A_1693 = tpu.memref_slice %arg6[%dma_wait3A_1679, %dma_wait3A_1691, %dma_wait3A_1692] : memref<15x64x128xf32, #tpu.memory_space<vmem>> -> memref<1x64x128xf32, #tpu.memory_space<vmem>>
    %dma_wait3A_1694 = tpu.memref_squeeze %dma_wait3A_1693 : memref<1x64x128xf32, #tpu.memory_space<vmem>> -> memref<64x128xf32, #tpu.memory_space<vmem>>
    tpu.wait_dma2 semaphore(%arg8 : memref<!tpu.dma_semaphore, #tpu.memory_space<semaphore_mem>>) src(%dma_wait3A_1694 : memref<64x128xf32, #tpu.memory_space<vmem>>) dst(%dma_wait3A_1690 : memref<64x128xf32, #tpu.memory_space<hbm>>)
    %dma_wait3A_1695 = arith.constant 0 : i32
    %dma_wait3A_1696 = arith.constant 15 : i32
    %dma_wait3A_1697 = arith.constant 0 : i32
    %dma_wait3A_1698 = arith.constant 0 : i32
    %dma_wait3A_1699 = tpu.memref_slice %arg6[%dma_wait3A_1695, %dma_wait3A_1697, %dma_wait3A_1698] : memref<15x64x128xf32, #tpu.memory_space<vmem>> -> memref<1x64x128xf32, #tpu.memory_space<vmem>>
    %dma_wait3A_1700 = tpu.memref_squeeze %dma_wait3A_1699 : memref<1x64x128xf32, #tpu.memory_space<vmem>> -> memref<64x128xf32, #tpu.memory_space<vmem>>
    %dma_wait3A_1701 = arith.constant 0 : i32
    %dma_wait3A_1702 = tpu.memref_slice %arg4[%dma_wait3A_1696, %dma_wait3A_1701, %mul3A_2] : memref<26x64x4096xf32, #tpu.memory_space<hbm>> -> memref<1x64x128xf32, #tpu.memory_space<hbm>>
    %dma_wait3A_1703 = tpu.memref_squeeze %dma_wait3A_1702 : memref<1x64x128xf32, #tpu.memory_space<hbm>> -> memref<64x128xf32, #tpu.memory_space<hbm>>
    %dma_wait3A_1704 = arith.constant 0 : i32
    %dma_wait3A_1705 = tpu.memref_slice %arg4[%dma_wait3A_1696, %dma_wait3A_1704, %mul3A_2] : memref<26x64x4096xf32, #tpu.memory_space<hbm>> -> memref<1x64x128xf32, #tpu.memory_space<hbm>>
    %dma_wait3A_1706 = tpu.memref_squeeze %dma_wait3A_1705 : memref<1x64x128xf32, #tpu.memory_space<hbm>> -> memref<64x128xf32, #tpu.memory_space<hbm>>
    %dma_wait3A_1707 = arith.constant 0 : i32
    %dma_wait3A_1708 = arith.constant 0 : i32
    %dma_wait3A_1709 = tpu.memref_slice %arg6[%dma_wait3A_1695, %dma_wait3A_1707, %dma_wait3A_1708] : memref<15x64x128xf32, #tpu.memory_space<vmem>> -> memref<1x64x128xf32, #tpu.memory_space<vmem>>
    %dma_wait3A_1710 = tpu.memref_squeeze %dma_wait3A_1709 : memref<1x64x128xf32, #tpu.memory_space<vmem>> -> memref<64x128xf32, #tpu.memory_space<vmem>>
    tpu.wait_dma2 semaphore(%arg8 : memref<!tpu.dma_semaphore, #tpu.memory_space<semaphore_mem>>) src(%dma_wait3A_1710 : memref<64x128xf32, #tpu.memory_space<vmem>>) dst(%dma_wait3A_1706 : memref<64x128xf32, #tpu.memory_space<hbm>>)
    %dma_wait3A_1711 = arith.constant 1 : i32
    %dma_wait3A_1712 = arith.constant 16 : i32
    %dma_wait3A_1713 = arith.constant 0 : i32
    %dma_wait3A_1714 = arith.constant 0 : i32
    %dma_wait3A_1715 = tpu.memref_slice %arg6[%dma_wait3A_1711, %dma_wait3A_1713, %dma_wait3A_1714] : memref<15x64x128xf32, #tpu.memory_space<vmem>> -> memref<1x64x128xf32, #tpu.memory_space<vmem>>
    %dma_wait3A_1716 = tpu.memref_squeeze %dma_wait3A_1715 : memref<1x64x128xf32, #tpu.memory_space<vmem>> -> memref<64x128xf32, #tpu.memory_space<vmem>>
    %dma_wait3A_1717 = arith.constant 0 : i32
    %dma_wait3A_1718 = tpu.memref_slice %arg4[%dma_wait3A_1712, %dma_wait3A_1717, %mul3A_2] : memref<26x64x4096xf32, #tpu.memory_space<hbm>> -> memref<1x64x128xf32, #tpu.memory_space<hbm>>
    %dma_wait3A_1719 = tpu.memref_squeeze %dma_wait3A_1718 : memref<1x64x128xf32, #tpu.memory_space<hbm>> -> memref<64x128xf32, #tpu.memory_space<hbm>>
    %dma_wait3A_1720 = arith.constant 0 : i32
    %dma_wait3A_1721 = tpu.memref_slice %arg4[%dma_wait3A_1712, %dma_wait3A_1720, %mul3A_2] : memref<26x64x4096xf32, #tpu.memory_space<hbm>> -> memref<1x64x128xf32, #tpu.memory_space<hbm>>
    %dma_wait3A_1722 = tpu.memref_squeeze %dma_wait3A_1721 : memref<1x64x128xf32, #tpu.memory_space<hbm>> -> memref<64x128xf32, #tpu.memory_space<hbm>>
    %dma_wait3A_1723 = arith.constant 0 : i32
    %dma_wait3A_1724 = arith.constant 0 : i32
    %dma_wait3A_1725 = tpu.memref_slice %arg6[%dma_wait3A_1711, %dma_wait3A_1723, %dma_wait3A_1724] : memref<15x64x128xf32, #tpu.memory_space<vmem>> -> memref<1x64x128xf32, #tpu.memory_space<vmem>>
    %dma_wait3A_1726 = tpu.memref_squeeze %dma_wait3A_1725 : memref<1x64x128xf32, #tpu.memory_space<vmem>> -> memref<64x128xf32, #tpu.memory_space<vmem>>
    tpu.wait_dma2 semaphore(%arg8 : memref<!tpu.dma_semaphore, #tpu.memory_space<semaphore_mem>>) src(%dma_wait3A_1726 : memref<64x128xf32, #tpu.memory_space<vmem>>) dst(%dma_wait3A_1722 : memref<64x128xf32, #tpu.memory_space<hbm>>)
    %dma_wait3A_1727 = arith.constant 2 : i32
    %dma_wait3A_1728 = arith.constant 17 : i32
    %dma_wait3A_1729 = arith.constant 0 : i32
    %dma_wait3A_1730 = arith.constant 0 : i32
    %dma_wait3A_1731 = tpu.memref_slice %arg6[%dma_wait3A_1727, %dma_wait3A_1729, %dma_wait3A_1730] : memref<15x64x128xf32, #tpu.memory_space<vmem>> -> memref<1x64x128xf32, #tpu.memory_space<vmem>>
    %dma_wait3A_1732 = tpu.memref_squeeze %dma_wait3A_1731 : memref<1x64x128xf32, #tpu.memory_space<vmem>> -> memref<64x128xf32, #tpu.memory_space<vmem>>
    %dma_wait3A_1733 = arith.constant 0 : i32
    %dma_wait3A_1734 = tpu.memref_slice %arg4[%dma_wait3A_1728, %dma_wait3A_1733, %mul3A_2] : memref<26x64x4096xf32, #tpu.memory_space<hbm>> -> memref<1x64x128xf32, #tpu.memory_space<hbm>>
    %dma_wait3A_1735 = tpu.memref_squeeze %dma_wait3A_1734 : memref<1x64x128xf32, #tpu.memory_space<hbm>> -> memref<64x128xf32, #tpu.memory_space<hbm>>
    %dma_wait3A_1736 = arith.constant 0 : i32
    %dma_wait3A_1737 = tpu.memref_slice %arg4[%dma_wait3A_1728, %dma_wait3A_1736, %mul3A_2] : memref<26x64x4096xf32, #tpu.memory_space<hbm>> -> memref<1x64x128xf32, #tpu.memory_space<hbm>>
    %dma_wait3A_1738 = tpu.memref_squeeze %dma_wait3A_1737 : memref<1x64x128xf32, #tpu.memory_space<hbm>> -> memref<64x128xf32, #tpu.memory_space<hbm>>
    %dma_wait3A_1739 = arith.constant 0 : i32
    %dma_wait3A_1740 = arith.constant 0 : i32
    %dma_wait3A_1741 = tpu.memref_slice %arg6[%dma_wait3A_1727, %dma_wait3A_1739, %dma_wait3A_1740] : memref<15x64x128xf32, #tpu.memory_space<vmem>> -> memref<1x64x128xf32, #tpu.memory_space<vmem>>
    %dma_wait3A_1742 = tpu.memref_squeeze %dma_wait3A_1741 : memref<1x64x128xf32, #tpu.memory_space<vmem>> -> memref<64x128xf32, #tpu.memory_space<vmem>>
    tpu.wait_dma2 semaphore(%arg8 : memref<!tpu.dma_semaphore, #tpu.memory_space<semaphore_mem>>) src(%dma_wait3A_1742 : memref<64x128xf32, #tpu.memory_space<vmem>>) dst(%dma_wait3A_1738 : memref<64x128xf32, #tpu.memory_space<hbm>>)
    %dma_wait3A_1743 = arith.constant 3 : i32
    %dma_wait3A_1744 = arith.constant 18 : i32
    %dma_wait3A_1745 = arith.constant 0 : i32
    %dma_wait3A_1746 = arith.constant 0 : i32
    %dma_wait3A_1747 = tpu.memref_slice %arg6[%dma_wait3A_1743, %dma_wait3A_1745, %dma_wait3A_1746] : memref<15x64x128xf32, #tpu.memory_space<vmem>> -> memref<1x64x128xf32, #tpu.memory_space<vmem>>
    %dma_wait3A_1748 = tpu.memref_squeeze %dma_wait3A_1747 : memref<1x64x128xf32, #tpu.memory_space<vmem>> -> memref<64x128xf32, #tpu.memory_space<vmem>>
    %dma_wait3A_1749 = arith.constant 0 : i32
    %dma_wait3A_1750 = tpu.memref_slice %arg4[%dma_wait3A_1744, %dma_wait3A_1749, %mul3A_2] : memref<26x64x4096xf32, #tpu.memory_space<hbm>> -> memref<1x64x128xf32, #tpu.memory_space<hbm>>
    %dma_wait3A_1751 = tpu.memref_squeeze %dma_wait3A_1750 : memref<1x64x128xf32, #tpu.memory_space<hbm>> -> memref<64x128xf32, #tpu.memory_space<hbm>>
    %dma_wait3A_1752 = arith.constant 0 : i32
    %dma_wait3A_1753 = tpu.memref_slice %arg4[%dma_wait3A_1744, %dma_wait3A_1752, %mul3A_2] : memref<26x64x4096xf32, #tpu.memory_space<hbm>> -> memref<1x64x128xf32, #tpu.memory_space<hbm>>
    %dma_wait3A_1754 = tpu.memref_squeeze %dma_wait3A_1753 : memref<1x64x128xf32, #tpu.memory_space<hbm>> -> memref<64x128xf32, #tpu.memory_space<hbm>>
    %dma_wait3A_1755 = arith.constant 0 : i32
    %dma_wait3A_1756 = arith.constant 0 : i32
    %dma_wait3A_1757 = tpu.memref_slice %arg6[%dma_wait3A_1743, %dma_wait3A_1755, %dma_wait3A_1756] : memref<15x64x128xf32, #tpu.memory_space<vmem>> -> memref<1x64x128xf32, #tpu.memory_space<vmem>>
    %dma_wait3A_1758 = tpu.memref_squeeze %dma_wait3A_1757 : memref<1x64x128xf32, #tpu.memory_space<vmem>> -> memref<64x128xf32, #tpu.memory_space<vmem>>
    tpu.wait_dma2 semaphore(%arg8 : memref<!tpu.dma_semaphore, #tpu.memory_space<semaphore_mem>>) src(%dma_wait3A_1758 : memref<64x128xf32, #tpu.memory_space<vmem>>) dst(%dma_wait3A_1754 : memref<64x128xf32, #tpu.memory_space<hbm>>)
    %dma_wait3A_1759 = arith.constant 4 : i32
    %dma_wait3A_1760 = arith.constant 19 : i32
    %dma_wait3A_1761 = arith.constant 0 : i32
    %dma_wait3A_1762 = arith.constant 0 : i32
    %dma_wait3A_1763 = tpu.memref_slice %arg6[%dma_wait3A_1759, %dma_wait3A_1761, %dma_wait3A_1762] : memref<15x64x128xf32, #tpu.memory_space<vmem>> -> memref<1x64x128xf32, #tpu.memory_space<vmem>>
    %dma_wait3A_1764 = tpu.memref_squeeze %dma_wait3A_1763 : memref<1x64x128xf32, #tpu.memory_space<vmem>> -> memref<64x128xf32, #tpu.memory_space<vmem>>
    %dma_wait3A_1765 = arith.constant 0 : i32
    %dma_wait3A_1766 = tpu.memref_slice %arg4[%dma_wait3A_1760, %dma_wait3A_1765, %mul3A_2] : memref<26x64x4096xf32, #tpu.memory_space<hbm>> -> memref<1x64x128xf32, #tpu.memory_space<hbm>>
    %dma_wait3A_1767 = tpu.memref_squeeze %dma_wait3A_1766 : memref<1x64x128xf32, #tpu.memory_space<hbm>> -> memref<64x128xf32, #tpu.memory_space<hbm>>
    %dma_wait3A_1768 = arith.constant 0 : i32
    %dma_wait3A_1769 = tpu.memref_slice %arg4[%dma_wait3A_1760, %dma_wait3A_1768, %mul3A_2] : memref<26x64x4096xf32, #tpu.memory_space<hbm>> -> memref<1x64x128xf32, #tpu.memory_space<hbm>>
    %dma_wait3A_1770 = tpu.memref_squeeze %dma_wait3A_1769 : memref<1x64x128xf32, #tpu.memory_space<hbm>> -> memref<64x128xf32, #tpu.memory_space<hbm>>
    %dma_wait3A_1771 = arith.constant 0 : i32
    %dma_wait3A_1772 = arith.constant 0 : i32
    %dma_wait3A_1773 = tpu.memref_slice %arg6[%dma_wait3A_1759, %dma_wait3A_1771, %dma_wait3A_1772] : memref<15x64x128xf32, #tpu.memory_space<vmem>> -> memref<1x64x128xf32, #tpu.memory_space<vmem>>
    %dma_wait3A_1774 = tpu.memref_squeeze %dma_wait3A_1773 : memref<1x64x128xf32, #tpu.memory_space<vmem>> -> memref<64x128xf32, #tpu.memory_space<vmem>>
    tpu.wait_dma2 semaphore(%arg8 : memref<!tpu.dma_semaphore, #tpu.memory_space<semaphore_mem>>) src(%dma_wait3A_1774 : memref<64x128xf32, #tpu.memory_space<vmem>>) dst(%dma_wait3A_1770 : memref<64x128xf32, #tpu.memory_space<hbm>>)
    %dma_wait3A_1775 = arith.constant 5 : i32
    %dma_wait3A_1776 = arith.constant 20 : i32
    %dma_wait3A_1777 = arith.constant 0 : i32
    %dma_wait3A_1778 = arith.constant 0 : i32
    %dma_wait3A_1779 = tpu.memref_slice %arg6[%dma_wait3A_1775, %dma_wait3A_1777, %dma_wait3A_1778] : memref<15x64x128xf32, #tpu.memory_space<vmem>> -> memref<1x64x128xf32, #tpu.memory_space<vmem>>
    %dma_wait3A_1780 = tpu.memref_squeeze %dma_wait3A_1779 : memref<1x64x128xf32, #tpu.memory_space<vmem>> -> memref<64x128xf32, #tpu.memory_space<vmem>>
    %dma_wait3A_1781 = arith.constant 0 : i32
    %dma_wait3A_1782 = tpu.memref_slice %arg4[%dma_wait3A_1776, %dma_wait3A_1781, %mul3A_2] : memref<26x64x4096xf32, #tpu.memory_space<hbm>> -> memref<1x64x128xf32, #tpu.memory_space<hbm>>
    %dma_wait3A_1783 = tpu.memref_squeeze %dma_wait3A_1782 : memref<1x64x128xf32, #tpu.memory_space<hbm>> -> memref<64x128xf32, #tpu.memory_space<hbm>>
    %dma_wait3A_1784 = arith.constant 0 : i32
    %dma_wait3A_1785 = tpu.memref_slice %arg4[%dma_wait3A_1776, %dma_wait3A_1784, %mul3A_2] : memref<26x64x4096xf32, #tpu.memory_space<hbm>> -> memref<1x64x128xf32, #tpu.memory_space<hbm>>
    %dma_wait3A_1786 = tpu.memref_squeeze %dma_wait3A_1785 : memref<1x64x128xf32, #tpu.memory_space<hbm>> -> memref<64x128xf32, #tpu.memory_space<hbm>>
    %dma_wait3A_1787 = arith.constant 0 : i32
    %dma_wait3A_1788 = arith.constant 0 : i32
    %dma_wait3A_1789 = tpu.memref_slice %arg6[%dma_wait3A_1775, %dma_wait3A_1787, %dma_wait3A_1788] : memref<15x64x128xf32, #tpu.memory_space<vmem>> -> memref<1x64x128xf32, #tpu.memory_space<vmem>>
    %dma_wait3A_1790 = tpu.memref_squeeze %dma_wait3A_1789 : memref<1x64x128xf32, #tpu.memory_space<vmem>> -> memref<64x128xf32, #tpu.memory_space<vmem>>
    tpu.wait_dma2 semaphore(%arg8 : memref<!tpu.dma_semaphore, #tpu.memory_space<semaphore_mem>>) src(%dma_wait3A_1790 : memref<64x128xf32, #tpu.memory_space<vmem>>) dst(%dma_wait3A_1786 : memref<64x128xf32, #tpu.memory_space<hbm>>)
    %dma_wait3A_1791 = arith.constant 6 : i32
    %dma_wait3A_1792 = arith.constant 21 : i32
    %dma_wait3A_1793 = arith.constant 0 : i32
    %dma_wait3A_1794 = arith.constant 0 : i32
    %dma_wait3A_1795 = tpu.memref_slice %arg6[%dma_wait3A_1791, %dma_wait3A_1793, %dma_wait3A_1794] : memref<15x64x128xf32, #tpu.memory_space<vmem>> -> memref<1x64x128xf32, #tpu.memory_space<vmem>>
    %dma_wait3A_1796 = tpu.memref_squeeze %dma_wait3A_1795 : memref<1x64x128xf32, #tpu.memory_space<vmem>> -> memref<64x128xf32, #tpu.memory_space<vmem>>
    %dma_wait3A_1797 = arith.constant 0 : i32
    %dma_wait3A_1798 = tpu.memref_slice %arg4[%dma_wait3A_1792, %dma_wait3A_1797, %mul3A_2] : memref<26x64x4096xf32, #tpu.memory_space<hbm>> -> memref<1x64x128xf32, #tpu.memory_space<hbm>>
    %dma_wait3A_1799 = tpu.memref_squeeze %dma_wait3A_1798 : memref<1x64x128xf32, #tpu.memory_space<hbm>> -> memref<64x128xf32, #tpu.memory_space<hbm>>
    %dma_wait3A_1800 = arith.constant 0 : i32
    %dma_wait3A_1801 = tpu.memref_slice %arg4[%dma_wait3A_1792, %dma_wait3A_1800, %mul3A_2] : memref<26x64x4096xf32, #tpu.memory_space<hbm>> -> memref<1x64x128xf32, #tpu.memory_space<hbm>>
    %dma_wait3A_1802 = tpu.memref_squeeze %dma_wait3A_1801 : memref<1x64x128xf32, #tpu.memory_space<hbm>> -> memref<64x128xf32, #tpu.memory_space<hbm>>
    %dma_wait3A_1803 = arith.constant 0 : i32
    %dma_wait3A_1804 = arith.constant 0 : i32
    %dma_wait3A_1805 = tpu.memref_slice %arg6[%dma_wait3A_1791, %dma_wait3A_1803, %dma_wait3A_1804] : memref<15x64x128xf32, #tpu.memory_space<vmem>> -> memref<1x64x128xf32, #tpu.memory_space<vmem>>
    %dma_wait3A_1806 = tpu.memref_squeeze %dma_wait3A_1805 : memref<1x64x128xf32, #tpu.memory_space<vmem>> -> memref<64x128xf32, #tpu.memory_space<vmem>>
    tpu.wait_dma2 semaphore(%arg8 : memref<!tpu.dma_semaphore, #tpu.memory_space<semaphore_mem>>) src(%dma_wait3A_1806 : memref<64x128xf32, #tpu.memory_space<vmem>>) dst(%dma_wait3A_1802 : memref<64x128xf32, #tpu.memory_space<hbm>>)
    %dma_wait3A_1807 = arith.constant 7 : i32
    %dma_wait3A_1808 = arith.constant 22 : i32
    %dma_wait3A_1809 = arith.constant 0 : i32
    %dma_wait3A_1810 = arith.constant 0 : i32
    %dma_wait3A_1811 = tpu.memref_slice %arg6[%dma_wait3A_1807, %dma_wait3A_1809, %dma_wait3A_1810] : memref<15x64x128xf32, #tpu.memory_space<vmem>> -> memref<1x64x128xf32, #tpu.memory_space<vmem>>
    %dma_wait3A_1812 = tpu.memref_squeeze %dma_wait3A_1811 : memref<1x64x128xf32, #tpu.memory_space<vmem>> -> memref<64x128xf32, #tpu.memory_space<vmem>>
    %dma_wait3A_1813 = arith.constant 0 : i32
    %dma_wait3A_1814 = tpu.memref_slice %arg4[%dma_wait3A_1808, %dma_wait3A_1813, %mul3A_2] : memref<26x64x4096xf32, #tpu.memory_space<hbm>> -> memref<1x64x128xf32, #tpu.memory_space<hbm>>
    %dma_wait3A_1815 = tpu.memref_squeeze %dma_wait3A_1814 : memref<1x64x128xf32, #tpu.memory_space<hbm>> -> memref<64x128xf32, #tpu.memory_space<hbm>>
    %dma_wait3A_1816 = arith.constant 0 : i32
    %dma_wait3A_1817 = tpu.memref_slice %arg4[%dma_wait3A_1808, %dma_wait3A_1816, %mul3A_2] : memref<26x64x4096xf32, #tpu.memory_space<hbm>> -> memref<1x64x128xf32, #tpu.memory_space<hbm>>
    %dma_wait3A_1818 = tpu.memref_squeeze %dma_wait3A_1817 : memref<1x64x128xf32, #tpu.memory_space<hbm>> -> memref<64x128xf32, #tpu.memory_space<hbm>>
    %dma_wait3A_1819 = arith.constant 0 : i32
    %dma_wait3A_1820 = arith.constant 0 : i32
    %dma_wait3A_1821 = tpu.memref_slice %arg6[%dma_wait3A_1807, %dma_wait3A_1819, %dma_wait3A_1820] : memref<15x64x128xf32, #tpu.memory_space<vmem>> -> memref<1x64x128xf32, #tpu.memory_space<vmem>>
    %dma_wait3A_1822 = tpu.memref_squeeze %dma_wait3A_1821 : memref<1x64x128xf32, #tpu.memory_space<vmem>> -> memref<64x128xf32, #tpu.memory_space<vmem>>
    tpu.wait_dma2 semaphore(%arg8 : memref<!tpu.dma_semaphore, #tpu.memory_space<semaphore_mem>>) src(%dma_wait3A_1822 : memref<64x128xf32, #tpu.memory_space<vmem>>) dst(%dma_wait3A_1818 : memref<64x128xf32, #tpu.memory_space<hbm>>)
    %dma_wait3A_1823 = arith.constant 8 : i32
    %dma_wait3A_1824 = arith.constant 23 : i32
    %dma_wait3A_1825 = arith.constant 0 : i32
    %dma_wait3A_1826 = arith.constant 0 : i32
    %dma_wait3A_1827 = tpu.memref_slice %arg6[%dma_wait3A_1823, %dma_wait3A_1825, %dma_wait3A_1826] : memref<15x64x128xf32, #tpu.memory_space<vmem>> -> memref<1x64x128xf32, #tpu.memory_space<vmem>>
    %dma_wait3A_1828 = tpu.memref_squeeze %dma_wait3A_1827 : memref<1x64x128xf32, #tpu.memory_space<vmem>> -> memref<64x128xf32, #tpu.memory_space<vmem>>
    %dma_wait3A_1829 = arith.constant 0 : i32
    %dma_wait3A_1830 = tpu.memref_slice %arg4[%dma_wait3A_1824, %dma_wait3A_1829, %mul3A_2] : memref<26x64x4096xf32, #tpu.memory_space<hbm>> -> memref<1x64x128xf32, #tpu.memory_space<hbm>>
    %dma_wait3A_1831 = tpu.memref_squeeze %dma_wait3A_1830 : memref<1x64x128xf32, #tpu.memory_space<hbm>> -> memref<64x128xf32, #tpu.memory_space<hbm>>
    %dma_wait3A_1832 = arith.constant 0 : i32
    %dma_wait3A_1833 = tpu.memref_slice %arg4[%dma_wait3A_1824, %dma_wait3A_1832, %mul3A_2] : memref<26x64x4096xf32, #tpu.memory_space<hbm>> -> memref<1x64x128xf32, #tpu.memory_space<hbm>>
    %dma_wait3A_1834 = tpu.memref_squeeze %dma_wait3A_1833 : memref<1x64x128xf32, #tpu.memory_space<hbm>> -> memref<64x128xf32, #tpu.memory_space<hbm>>
    %dma_wait3A_1835 = arith.constant 0 : i32
    %dma_wait3A_1836 = arith.constant 0 : i32
    %dma_wait3A_1837 = tpu.memref_slice %arg6[%dma_wait3A_1823, %dma_wait3A_1835, %dma_wait3A_1836] : memref<15x64x128xf32, #tpu.memory_space<vmem>> -> memref<1x64x128xf32, #tpu.memory_space<vmem>>
    %dma_wait3A_1838 = tpu.memref_squeeze %dma_wait3A_1837 : memref<1x64x128xf32, #tpu.memory_space<vmem>> -> memref<64x128xf32, #tpu.memory_space<vmem>>
    tpu.wait_dma2 semaphore(%arg8 : memref<!tpu.dma_semaphore, #tpu.memory_space<semaphore_mem>>) src(%dma_wait3A_1838 : memref<64x128xf32, #tpu.memory_space<vmem>>) dst(%dma_wait3A_1834 : memref<64x128xf32, #tpu.memory_space<hbm>>)
    %dma_wait3A_1839 = arith.constant 9 : i32
    %dma_wait3A_1840 = arith.constant 24 : i32
    %dma_wait3A_1841 = arith.constant 0 : i32
    %dma_wait3A_1842 = arith.constant 0 : i32
    %dma_wait3A_1843 = tpu.memref_slice %arg6[%dma_wait3A_1839, %dma_wait3A_1841, %dma_wait3A_1842] : memref<15x64x128xf32, #tpu.memory_space<vmem>> -> memref<1x64x128xf32, #tpu.memory_space<vmem>>
    %dma_wait3A_1844 = tpu.memref_squeeze %dma_wait3A_1843 : memref<1x64x128xf32, #tpu.memory_space<vmem>> -> memref<64x128xf32, #tpu.memory_space<vmem>>
    %dma_wait3A_1845 = arith.constant 0 : i32
    %dma_wait3A_1846 = tpu.memref_slice %arg4[%dma_wait3A_1840, %dma_wait3A_1845, %mul3A_2] : memref<26x64x4096xf32, #tpu.memory_space<hbm>> -> memref<1x64x128xf32, #tpu.memory_space<hbm>>
    %dma_wait3A_1847 = tpu.memref_squeeze %dma_wait3A_1846 : memref<1x64x128xf32, #tpu.memory_space<hbm>> -> memref<64x128xf32, #tpu.memory_space<hbm>>
    %dma_wait3A_1848 = arith.constant 0 : i32
    %dma_wait3A_1849 = tpu.memref_slice %arg4[%dma_wait3A_1840, %dma_wait3A_1848, %mul3A_2] : memref<26x64x4096xf32, #tpu.memory_space<hbm>> -> memref<1x64x128xf32, #tpu.memory_space<hbm>>
    %dma_wait3A_1850 = tpu.memref_squeeze %dma_wait3A_1849 : memref<1x64x128xf32, #tpu.memory_space<hbm>> -> memref<64x128xf32, #tpu.memory_space<hbm>>
    %dma_wait3A_1851 = arith.constant 0 : i32
    %dma_wait3A_1852 = arith.constant 0 : i32
    %dma_wait3A_1853 = tpu.memref_slice %arg6[%dma_wait3A_1839, %dma_wait3A_1851, %dma_wait3A_1852] : memref<15x64x128xf32, #tpu.memory_space<vmem>> -> memref<1x64x128xf32, #tpu.memory_space<vmem>>
    %dma_wait3A_1854 = tpu.memref_squeeze %dma_wait3A_1853 : memref<1x64x128xf32, #tpu.memory_space<vmem>> -> memref<64x128xf32, #tpu.memory_space<vmem>>
    tpu.wait_dma2 semaphore(%arg8 : memref<!tpu.dma_semaphore, #tpu.memory_space<semaphore_mem>>) src(%dma_wait3A_1854 : memref<64x128xf32, #tpu.memory_space<vmem>>) dst(%dma_wait3A_1850 : memref<64x128xf32, #tpu.memory_space<hbm>>)
    %dma_wait3A_1855 = arith.constant 10 : i32
    %dma_wait3A_1856 = arith.constant 25 : i32
    %dma_wait3A_1857 = arith.constant 0 : i32
    %dma_wait3A_1858 = arith.constant 0 : i32
    %dma_wait3A_1859 = tpu.memref_slice %arg6[%dma_wait3A_1855, %dma_wait3A_1857, %dma_wait3A_1858] : memref<15x64x128xf32, #tpu.memory_space<vmem>> -> memref<1x64x128xf32, #tpu.memory_space<vmem>>
    %dma_wait3A_1860 = tpu.memref_squeeze %dma_wait3A_1859 : memref<1x64x128xf32, #tpu.memory_space<vmem>> -> memref<64x128xf32, #tpu.memory_space<vmem>>
    %dma_wait3A_1861 = arith.constant 0 : i32
    %dma_wait3A_1862 = tpu.memref_slice %arg4[%dma_wait3A_1856, %dma_wait3A_1861, %mul3A_2] : memref<26x64x4096xf32, #tpu.memory_space<hbm>> -> memref<1x64x128xf32, #tpu.memory_space<hbm>>
    %dma_wait3A_1863 = tpu.memref_squeeze %dma_wait3A_1862 : memref<1x64x128xf32, #tpu.memory_space<hbm>> -> memref<64x128xf32, #tpu.memory_space<hbm>>
    %dma_wait3A_1864 = arith.constant 0 : i32
    %dma_wait3A_1865 = tpu.memref_slice %arg4[%dma_wait3A_1856, %dma_wait3A_1864, %mul3A_2] : memref<26x64x4096xf32, #tpu.memory_space<hbm>> -> memref<1x64x128xf32, #tpu.memory_space<hbm>>
    %dma_wait3A_1866 = tpu.memref_squeeze %dma_wait3A_1865 : memref<1x64x128xf32, #tpu.memory_space<hbm>> -> memref<64x128xf32, #tpu.memory_space<hbm>>
    %dma_wait3A_1867 = arith.constant 0 : i32
    %dma_wait3A_1868 = arith.constant 0 : i32
    %dma_wait3A_1869 = tpu.memref_slice %arg6[%dma_wait3A_1855, %dma_wait3A_1867, %dma_wait3A_1868] : memref<15x64x128xf32, #tpu.memory_space<vmem>> -> memref<1x64x128xf32, #tpu.memory_space<vmem>>
    %dma_wait3A_1870 = tpu.memref_squeeze %dma_wait3A_1869 : memref<1x64x128xf32, #tpu.memory_space<vmem>> -> memref<64x128xf32, #tpu.memory_space<vmem>>
    tpu.wait_dma2 semaphore(%arg8 : memref<!tpu.dma_semaphore, #tpu.memory_space<semaphore_mem>>) src(%dma_wait3A_1870 : memref<64x128xf32, #tpu.memory_space<vmem>>) dst(%dma_wait3A_1866 : memref<64x128xf32, #tpu.memory_space<hbm>>)
    return
  }
}

</mosaic_0001>

<sc_bundles>
// kernel: kernel.3.cloned.1.call-start
scs
__scs_entry_jumppad:
0x0: {  	(pc) =	sbr.rel $0x88, $3  }
0x1: {  	(tag) =	ssettag $0x0;
	lr =	simm.s32 $0x1  }
0x2: {  	[smem:$0x3F9F] =	sst lr;
	_ =	strace $0xD0000000  }
0x3: {  	_ = 	snop  }
0x4: {  	_ = 	snop  }
0x5: {  	_ = 	snop  }
0x6: {  	_ = 	snop  }
0x7: {  	_ = 	snop  }
__scs_overlays_trampoline_lowered:
0x8: {  	[smem:$0x3FAE] =	sst s0  }
0x9: {  	[smem:$0x3FAF] =	sst s1  }
0xa: {  	[smem:$0x3FB0] =	sst s2  }
0xb: {  	[smem:$0x3FB1] =	sst s3  }
0xc: {  	[smem:$0x3FB2] =	sst s4  }
0xd: {  	[smem:$0x3FB3] =	sst s5  }
0xe: {  	[smem:$0x3FB4] =	sst s6  }
0xf: {  	[smem:$0x3FB5] =	sst s7  }
0x10: {  	[smem:$0x3FB6] =	sst s8  }
0x11: {  	[smem:$0x3FB7] =	sst s9;
	s0 =	simm.s32 @!p0 $0x0  }
0x12: {  	s1 =	sld [smem:$0x3F9D];
	s0 =	simm.s32 @p0 $0x1  }
0x13: {  	[smem:$0x3FB8] =	sst s0;
	s0 =	simm.s32 @!p1 $0x0  }
0x14: {  	s2 =	sld [smem:$0x3F9C];
	s0 =	simm.s32 @p1 $0x1  }
0x15: {  	[smem:$0x3FB9] =	sst s0;
	s0 =	simm.s32 @!p2 $0x0  }
0x16: {  	s3 =	sld [smem:$0x3FDB];
	s0 =	simm.s32 @p2 $0x1  }
0x17: {  	s4 =	simm.s32 $0x1BF5;
	[smem:$0x3FBB] =	sst s0  }
0x18: {  	s0 =	sld [smem:$0x3F9E];
	_ =	swait.ge [sflag:s4], $0x0  }
0x19: {  	s7 =	sld [smem:$0x3F9F]  }
0x1a: {  	s8 =	sadd.s32 $0xFFFFE003, lr  }
0x1b: {  	s9 =	sadd.s32 $0xFFFFFEF7, lr;
	s5 =	simm.s32 $0xFFFFFFFF;
	p2 =	slt.u32 s8, $0xFFFFF086  }
0x1c: {  	p1 =	slt.u32 s9, $0xF7A;
	s5 =	simm.s32 @!p2 $0x0  }
0x1d: {  	s5 =	simm.s32 @p1 $0x1;
	p0 =	seq.s32 s7, s2  }
0x1e: {  	s7 =	smul.u32 @!p0 $0xF7A, s2;
	p2 =	seq.s32 @!p0 s5, $0x0  }
0x1f: {  	s9 =	smul.u32 $0xF7A, s1;
	s8 =	simm.s32 @!p0 $0x1BF5;
	p2 =	por !p2, p0  }
0x20: {  	[sflag:s8] =	ssyncset.s32 @!p0 $0xFFFFF086;
	s6 =	sadd.s32 @!p0 s3, s7;
	s7 =	simm.s32 @!p0 $0x108  }
0x21: {  	s3 =	sadd.s32 s3, s9;
	s6 =	sadd.s32 @!p0 $0x88, s6;
	s7 =	simm.s32 @p2 $0x1082  }
0x22: {  	[simem:s7], [sflag:s8] =	dma.local @!p0 [hbm:s6], $0xF7A  }
0x23: {  	s9 =	sor.u32 $0xD0000000, s2;
	s6 =	simm.s32 $0x108;
	_ =	swait.ge @!p0 [sflag:s8], $0x0  }
0x24: {  	s3 =	sadd.s32 $0x88, s3;
	s6 =	simm.s32 @!p1 $0x1082;
	[sflag:s4] =	ssyncset.s32 $0xFFFFF086  }
0x25: {  	[simem:s6], [sflag:s4] =	dma.local [hbm:s3], $0xF7A  }
0x26: {  	[smem:$0x3F9F] =	sst s1;
	(tag) =	ssettag s2;
	_ =	strace s9  }
0x27: {  	s1 =	sld [smem:$0x3FAF]  }
0x28: {  	s2 =	sld [smem:$0x3FB0]  }
0x29: {  	s4 =	sld [smem:$0x3FB2]  }
0x2a: {  	p0 =	seq.s32 s5, $0x0;
	s5 =	sld [smem:$0x3FB3]  }
0x2b: {  	s6 =	sld [smem:$0x3FB4]  }
0x2c: {  	s7 =	sld [smem:$0x3FB5]  }
0x2d: {  	s3 =	simm.s32 $0x108;
	s8 =	sld [smem:$0x3FB6]  }
0x2e: {  	s3 =	simm.s32 @!p0 $0x1082;
	s9 =	sld [smem:$0x3FB7]  }
0x2f: {  	lr =	sadd.s32 s0, s3;
	s0 =	sld [smem:$0x3FAE]  }
0x30: {  	s3 =	sld [smem:$0x3FB1]  }
0x31: {  	[smem:$0x3FBA] =	sst s10  }
0x32: {  	s10 =	sld [smem:$0x3FB8];
	_ =	sdelay $0x3  }
0x33: {  	p0 =	seq.s32 s10, $0x1;
	s10 =	sld [smem:$0x3FBA];
	_ =	sdelay $0x3  }
0x34: {  	[smem:$0x3FBA] =	sst s10  }
0x35: {  	s10 =	sld [smem:$0x3FB9];
	_ =	sdelay $0x3  }
0x36: {  	p1 =	seq.s32 s10, $0x1;
	s10 =	sld [smem:$0x3FBA];
	_ =	sdelay $0x3  }
0x37: {  	[smem:$0x3FBA] =	sst s10  }
0x38: {  	s10 =	sld [smem:$0x3FBB]  }
0x39: {  	_ = 	snop;
	(pc) =	sbr.ind lr, $3  }
0x3a: {  	_ = 	snop  }
0x3b: {  	_ = 	snop  }
0x3c: {  	p2 =	seq.s32 s10, $0x1;
	s10 =	sld [smem:$0x3FBA]  }
0x3d: {  	_ =	shalt  }
0x3e: {  	_ =	shalt  }
0x3f: {  	_ =	shalt  }
0x40: {  	_ =	shalt  }
0x41: {  	_ =	shalt  }
0x42: {  	_ =	shalt  }
0x43: {  	_ =	shalt  }
0x44: {  	_ =	shalt  }
0x45: {  	_ =	shalt  }
0x46: {  	_ =	shalt  }
0x47: {  	_ =	shalt  }
0x48: {  	_ =	shalt  }
0x49: {  	_ =	shalt  }
0x4a: {  	_ =	shalt  }
0x4b: {  	_ =	shalt  }
0x4c: {  	_ =	shalt  }
0x4d: {  	_ =	shalt  }
0x4e: {  	_ =	shalt  }
0x4f: {  	_ =	shalt  }
0x50: {  	_ =	shalt  }
0x51: {  	_ =	shalt  }
0x52: {  	_ =	shalt  }
0x53: {  	_ =	shalt  }
0x54: {  	_ =	shalt  }
0x55: {  	_ =	shalt  }
0x56: {  	_ =	shalt  }
0x57: {  	_ =	shalt  }
0x58: {  	_ =	shalt  }
0x59: {  	_ =	shalt  }
0x5a: {  	_ =	shalt  }
0x5b: {  	_ =	shalt  }
0x5c: {  	_ =	shalt  }
0x5d: {  	_ =	shalt  }
0x5e: {  	_ =	shalt  }
0x5f: {  	_ =	shalt  }
0x60: {  	_ =	shalt  }
0x61: {  	_ =	shalt  }
0x62: {  	_ =	shalt  }
0x63: {  	_ =	shalt  }
0x64: {  	_ =	shalt  }
0x65: {  	_ =	shalt  }
0x66: {  	_ =	shalt  }
0x67: {  	_ =	shalt  }
0x68: {  	_ =	shalt  }
0x69: {  	_ =	shalt  }
0x6a: {  	_ =	shalt  }
0x6b: {  	_ =	shalt  }
0x6c: {  	_ =	shalt  }
0x6d: {  	_ =	shalt  }
0x6e: {  	_ =	shalt  }
0x6f: {  	_ =	shalt  }
0x70: {  	_ =	shalt  }
0x71: {  	_ =	shalt  }
0x72: {  	_ =	shalt  }
0x73: {  	_ =	shalt  }
0x74: {  	_ =	shalt  }
0x75: {  	_ =	shalt  }
0x76: {  	_ =	shalt  }
0x77: {  	_ =	shalt  }
0x78: {  	_ =	shalt  }
0x79: {  	_ =	shalt  }
0x7a: {  	_ =	shalt  }
0x7b: {  	_ =	shalt  }
0x7c: {  	_ =	shalt  }
0x7d: {  	_ =	shalt  }
0x7e: {  	_ =	shalt  }
0x7f: {  	_ =	shalt  }
0x80: {  	_ =	shalt  }
0x81: {  	_ =	shalt  }
0x82: {  	_ =	shalt  }
0x83: {  	_ =	shalt  }
0x84: {  	_ =	shalt  }
0x85: {  	_ =	shalt  }
0x86: {  	_ =	shalt  }
0x87: {  	_ =	shalt  }
.Lfunc_end0:
.L_simem_size_0:
called_computation_lowered:
.L_overlay_start_0:
0x88: {  	s2 =	sld [smem:$0x3FD9]  }
0x89: {  	s3 =	sld [smem:$0x3FFE];
	_ =	sdelay $0x1  }
0x8a: {  	s1 =	srdreg.scid  }
0x8b: {  	s0 =	sand.u32 $0x1, s1  }
0x8c: {  	s18 =	sshll.u32 s0, $0xA;
	s2 =	sadd.s32 s3, s2  }
0x8d: {  	s2 =	sadd.s32 s2, s18  }
0x8e: {  	[smem:$0x3FC6] =	sst s2  }
0x8f: {  	_ = 	snop  }
0x90: {  	s2 =	sld [smem:$0x3FC9]  }
0x91: {  	s19 =	sld [smem:$0x3FC8]  }
0x92: {  	s4 =	sld [smem:$0x3FD0];
	(tm) =	ssettm $0x1  }
0x93: {  	s5 =	sld [smem:$0x3FFB];
	_ =	sdelay $0x3  }
0x94: {  	_ =	strace s5  }
0x95: {  	s5 =	sld [smem:$0x3FFC];
	_ =	sdelay $0x3  }
0x96: {  	_ =	strace s5  }
0x97: {  	s5 =	sld [smem:$0x3FFD];
	_ =	sdelay $0x3  }
0x98: {  	_ =	strace s5  }
0x99: {  	_ =	strace $0x8FFFFFFF  }
0x9a: {  	s20 =	sld [smem:$0x3FDB];
	_ =	sdelay $0x1  }
0x9b: {  	s6 =	simm.s32 $_scs_section_size  }
0x9c: {  	s7 =	simm.s32 $_size__tile_overlayer_lowered;
	s8 =	simm.s32 $_tile_overlayer_lowered  }
0x9d: {  	s23 =	simm.s32 $0x1BFF;
	s22 =	sshll.u32 s8, $0x1;
	s5 =	sadd.s32 s6, s20  }
0x9e: {  	s9 =	simm.s32 $0x0;
	s21 =	sshll.u32 s7, $0x1;
	s7 =	sadd.s32 s22, s5  }
0x9f: {  	[timem:s9], [sflag:s23] =	dma.local [hbm:s7], s21  }
0xa0: {  	_ =	swait.ge [sflag:s23], s21  }
0xa1: {  	s6 =	ssub.s32 $0x0, s21;
	[sflag:s23] =	ssyncset.done $0x0  }
0xa2: {  	[sflag:s23] =	ssyncadd.s32 s6;
	_ =	sdelay $0x1  }
0xa3: {  	s24 =	simm.s32 $0x1B8B  }
0xa4: {  	_ =	swait.ge [sflag:s24], $0x1  }
0xa5: {  	[sflag:s24] =	ssyncset.done $0x0  }
0xa6: {  	s25 =	simm.s32 $0x1B8E;
	[sflag:s24] =	ssyncadd.s32 $0xFFFFFFFF  }
0xa7: {  	s26 =	simm.s32 $execute0_lowered;
	[smem:$0x3FD2] =	sst s25  }
0xa8: {  	s6 =	sshll.u32 s26, $0x1;
	_ =	strace $0x80000046;
	[dreg:$0x1] =	wrdreg $0xFFFFFFFF  }
0xa9: {  	s28 =	simm.s32 $_size_execute0_lowered;
	s5 =	sadd.s32 s5, s6;
	[dreg:$0x0] =	wrdreg $0x0  }
0xaa: {  	s6 =	sshll.u32 s28, $0x1;
	[dreg:$0x2] =	wrdreg s5  }
0xab: {  	[dreg:$0x3] =	wrdreg s6  }
0xac: {  	[dreg:$0x4] =	wrdreg $0xC0  }
0xad: {  	_ =	task [dreg:s9], $0x5FFFF  }
0xae: {  	[dreg:$0x1] =	wrdreg $0xFFFFFFFF  }
0xaf: {  	[dreg:$0x0] =	wrdreg $0x60  }
0xb0: {  	[dreg:$0x2] =	wrdreg s2  }
0xb1: {  	[dreg:$0x3] =	wrdreg s19  }
0xb2: {  	[dreg:$0x4] =	wrdreg s4  }
0xb3: {  	[dreg:$0x5] =	wrdreg $0x9  }
0xb4: {  	_ =	task.clear_ibuf [dreg:s9], $0x6FFFF;
	_ =	strace $0x90000046  }
0xb5: {  	s29 =	simm.s32 $0x9;
	_ =	strace $0x80000048  }
0xb6: {  	_ =	swait.ge [sflag:s29], $0x1  }
0xb7: {  	[sflag:s29] =	ssyncadd.s32 $0xFFFFFFFF  }
0xb8: {  	_ =	strace $0x90000048  }
0xb9: {  	_ =	sfence  }
0xba: {  	s30 =	sld [smem:$0x0];
	_ =	sdelay $0x2  }
0xbb: {  	s31 =	sshll.u32 s1, $0xD;
	s1 =	sshrl.u32 s1, $0x2  }
0xbc: {  	s3 =	sand.u32 $0x4000, s31;
	s1 =	sadd.s32 s1, s30  }
0xbd: {  	s0 =	sor.u32 s3, s0;
	s1 =	sshll.u32 s1, $0x11  }
0xbe: {  	s0 =	sor.u32 s1, s0  }
0xbf: {  	s0 =	sadd.s32 $0x8F2B, s0  }
0xc0: {  	[sflag:s0] =	ssyncadd.remote.s32 $0x1  }
0xc1: {  	_ =	sfence.sel $0xFFFF  }
0xc2: {  	[dreg:$0x0] =	wrdreg $0xFFFFFFFF;
	(pc) =	sbr.abs _section_cstart, $3  }
0xc3: {  	[dreg:$0x1] =	wrdreg $0xFFFFFFFF  }
0xc4: {  	_ =	task.clear_ibuf [dreg:s9], $0x2FFFF;
	_ =	strace $0x9FFFFFFF  }
0xc5: {  	(tm) =	ssettm $0x7FFFFFFF  }
tec
execute0_lowered:
.L_overlay_start_1:
0x0: {  	(tag) =	ssettag $0x1  }
0x1: {  	s2 =	rddreg [dreg:$0x0];
	s0 =	srdreg.scid  }
0x2: {  	s1 =	rddreg [dreg:$0x1];
	s3 =	stileid.u32  }
0x3: {  	s5 =	simm.s32 $0x0;
	s4 =	sand.u32 $0x1, s0;
	[dreg:$0x4] =	wrdreg s1  }
0x4: {  	s7 =	sshll.u32 s3, $0xB;
	[smem:$0x7FF] =	sst s5;
	s8 =	sshll.u32 s4, $0xA  }
0x5: {  	[dreg:$0x1f] =	wrdreg s4;
	s3 =	sor.u32 s8, s7  }
0x6: {  	s9 =	rddreg [dreg:$0x2];
	_ =	strace $0x80000047;
	s0 =	sshrl.u32 s3, $0x3  }
0x7: {  	s7 =	rddreg [dreg:$0x4];
	s21 =	sadd.s32 s9, s0  }
0x8: {  	[tilespmem:s5], [sflag:$0x3] =	stream.linear.gather [hbm4b:s7+s5], $0x1A, $0x38;
	[tilespmem:$0x1E080] =	vst v63  }
0x9: {  	s0 =	sadd.s32 $0x8000, s21  }
0xa: {  	s10 =	sadd.s32 $0x10000, s21;
	[dreg:$0x5] =	wrdreg s0  }
0xb: {  	s11 =	sadd.s32 $0x18000, s21;
	[dreg:$0x6] =	wrdreg s10  }
0xc: {  	s12 =	sadd.s32 $0x20000, s21;
	[dreg:$0x7] =	wrdreg s11  }
0xd: {  	s13 =	sadd.s32 $0x28000, s21;
	[dreg:$0x8] =	wrdreg s12  }
0xe: {  	s14 =	sadd.s32 $0x30000, s21;
	[dreg:$0x9] =	wrdreg s13  }
0xf: {  	s15 =	sadd.s32 $0x38000, s21;
	[dreg:$0xa] =	wrdreg s14  }
0x10: {  	s16 =	sadd.s32 $0x40000, s21;
	[dreg:$0xb] =	wrdreg s15  }
0x11: {  	s17 =	sadd.s32 $0x48000, s21;
	[dreg:$0xc] =	wrdreg s16  }
0x12: {  	s18 =	sadd.s32 $0x50000, s21;
	[dreg:$0xd] =	wrdreg s17  }
0x13: {  	s19 =	sadd.s32 $0x58000, s21;
	[dreg:$0xe] =	wrdreg s18  }
0x14: {  	s20 =	sadd.s32 $0x60000, s21;
	[dreg:$0xf] =	wrdreg s19  }
0x15: {  	s22 =	sadd.s32 $0x68000, s21;
	[dreg:$0x10] =	wrdreg s20  }
0x16: {  	s23 =	sadd.s32 $0x70000, s21;
	[dreg:$0x11] =	wrdreg s22  }
0x17: {  	s24 =	sadd.s32 $0x78000, s21;
	[dreg:$0x12] =	wrdreg s23  }
0x18: {  	s25 =	sadd.s32 $0x80000, s21;
	[dreg:$0x13] =	wrdreg s24  }
0x19: {  	s26 =	sadd.s32 $0x88000, s21;
	[dreg:$0x14] =	wrdreg s25  }
0x1a: {  	s28 =	sadd.s32 $0x90000, s21;
	[dreg:$0x15] =	wrdreg s26  }
0x1b: {  	s29 =	sadd.s32 $0x98000, s21;
	[dreg:$0x16] =	wrdreg s28  }
0x1c: {  	s30 =	sadd.s32 $0xA0000, s21;
	[dreg:$0x17] =	wrdreg s29  }
0x1d: {  	s31 =	sadd.s32 $0xA8000, s21;
	[dreg:$0x18] =	wrdreg s30  }
0x1e: {  	s1 =	sadd.s32 $0xB0000, s21;
	[dreg:$0x19] =	wrdreg s31  }
0x1f: {  	s4 =	sadd.s32 $0xB8000, s21;
	[dreg:$0x1a] =	wrdreg s1  }
0x20: {  	s6 =	sadd.s32 $0xC0000, s21;
	[dreg:$0x1b] =	wrdreg s4  }
0x21: {  	s8 =	sadd.s32 $0xC8000, s21;
	[dreg:$0x1c] =	wrdreg s6  }
0x22: {  	s9 =	simm.s32 $0x3;
	[dreg:$0x1d] =	wrdreg s8  }
0x23: {  	_ =	swait.ge [sflag:s9], $0x1A  }
0x24: {  	[sflag:s9] =	ssyncset.done $0x0  }
0x25: {  	[sflag:s9] =	ssyncadd.s32 $0xFFFFFFE6  }
0x26: {  	v0 =	vld [tilespmem:$0x0];
	_ =	sdelay $0x3  }
0x27: {  	vm0 =	vcmask $0x70C  }
0x28: {  	vm1 =	vcmask $0xB10;
	v1 =	vsel vm0, $0x0, v0  }
0x29: {  	vm2 =	vcmask $0x308;
	v2 =	vsel vm1, $0x0, v0;
	(xrf0) =	vadd.scan.msk.s32 $0xffff, v1  }
0x2a: {  	vm3 =	vmmov $0x1;
	v22 =	vsel vm2, $0x0, v0;
	(xrf0) =	vadd.scan.msk.s32 $0xffff, v2  }
0x2b: {  	vm4 =	vcmask $0x171C;
	v23 =	vnsel vm3, $0x0, v0;
	(xrf0) =	vadd.scan.msk.s32 $0xffff, v22  }
0x2c: {  	vm5 =	vcmask $0x1B20;
	v24 =	vsel vm4, $0x0, v0;
	(xrf0) =	vadd.scan.msk.s32 $0xffff, v23  }
0x2d: {  	vm6 =	vcmask $0x1F24;
	v25 =	vsel vm5, $0x0, v0;
	(xrf0) =	vadd.scan.msk.s32 $0xffff, v24  }
0x2e: {  	vm7 =	vcmask $0xF14;
	v26 =	vsel vm6, $0x0, v0;
	(xrf0) =	vadd.scan.msk.s32 $0xffff, v25  }
0x2f: {  	vm8 =	vcmask $0x2328;
	v27 =	vsel vm7, $0x0, v0;
	v3, _, _ =	vpop (xrf0);
	(xrf0) =	vadd.scan.msk.s32 $0xffff, v26  }
0x30: {  	vm9 =	vcmask $0x1318;
	v28 =	vsel vm8, $0x0, v0;
	(v2sf) =	vpush v3, $0xF;
	v29, _, _ =	vpop (xrf0);
	(xrf0) =	vadd.scan.msk.s32 $0xffff, v27  }
0x31: {  	v30 =	vsel vm9, $0x0, v0;
	v4, _, _ =	vpop (xrf0);
	(v2sf) =	vpush v29, $0xF;
	(xrf0) =	vadd.scan.msk.s32 $0xffff, v28  }
0x32: {  	v31, _, _ =	vpop (xrf0);
	(v2sf) =	vpush v4, $0xF;
	(xrf0) =	vadd.scan.msk.s32 $0xffff, v30  }
0x33: {  	(v2sf) =	vpush v31, $0xF;
	v32, _, _ =	vpop (xrf0)  }
0x34: {  	v33, _, _ =	vpop (xrf0)  }
0x35: {  	v34, _, _ =	vpop (xrf0)  }
0x36: {  	(v2sf) =	vpush v32, $0xF;
	v35, _, _ =	vpop (xrf0)  }
0x37: {  	(v2sf) =	vpush v35, $0xF;
	v36, _, _ =	vpop (xrf0)  }
0x38: {  	v37, _, _ =	vpop (xrf0)  }
0x39: {  	(v2sf) =	vpush v37, $0xF;
	_ =	sdelay $0x2  }
0x3a: {  	s7 =	simm.s32 $0x400;
	s8 =	simm.s32 $0x8000  }
0x3b: {  	vm10 =	vcmask $0x272C;
	s11 =	simm.s32 $0x80;
	s12 =	simm.s32 $0x2080;
	s13 =	simm.s32 $0x4080  }
0x3c: {  	vm11 =	vcmask $0x2B30;
	s14 =	simm.s32 $0x6080;
	s15 =	simm.s32 $0x8080;
	s16 =	simm.s32 $0xA080;
	v38 =	vsel vm10, $0x0, v0  }
0x3d: {  	vm12 =	vcmask $0x2F34;
	s17 =	simm.s32 $0xC080;
	s6 =	simm.s32 $0xE080;
	v39 =	vld [tilespmem:$0x10];
	v5 =	vsel vm11, $0x0, v0;
	(xrf0) =	vadd.scan.msk.s32 $0xffff, v38;
	s10 =	spop (v2sf)  }
0x3e: {  	vm13 =	vcmask $0x3338;
	s18 =	simm.s32 $0x10080;
	v6 =	vsel vm12, $0x0, v0;
	(xrf0) =	vadd.scan.msk.s32 $0xffff, v5;
	s0 =	sshll.u32 s10, $0x12;
	s19 =	spop (v2sf)  }
0x3f: {  	vm14 =	vcmask $0x373C;
	s23 =	simm.s32 $0x12080;
	v40 =	vsel vm13, $0x0, v0;
	(xrf0) =	vadd.scan.msk.s32 $0xffff, v6;
	(v2sf) =	vpush v33, $0xF;
	s0 =	sor.u32 s3, s0;
	s20 =	spop (v2sf)  }
0x40: {  	vm15 =	vmmov $0x7fff;
	v41 =	vsel vm14, $0x0, v0;
	(xrf0) =	vadd.scan.msk.s32 $0xffff, v40;
	s1 =	sshll.u32 s19, $0x12;
	(v2sf) =	vpush v34, $0xF;
	s4 =	sshll.u32 s20, $0x12;
	s22 =	spop (v2sf)  }
0x41: {  	v0 =	vsel vm15, $0x0, v0;
	(xrf0) =	vadd.scan.msk.s32 $0xffff, v41;
	s0 =	sshrl.u32 s0, $0x3;
	s1 =	sor.u32 s3, s1;
	s5 =	sshll.u32 s22, $0x12  }
0x42: {  	v42 =	vnsel vm3, $0x0, v39;
	(xrf0) =	vadd.scan.msk.s32 $0xffff, v0;
	(v2sf) =	vpush v36, $0xF;
	s4 =	sor.u32 s3, s4;
	s1 =	sshrl.u32 s1, $0x3;
	s5 =	sor.u32 s3, s5  }
0x43: {  	v43 =	vsel vm2, $0x0, v39;
	(xrf0) =	vadd.scan.msk.s32 $0xffff, v42;
	s19 =	spop (v2sf);
	s0 =	sadd.s32 s2, s0;
	s5 =	sshrl.u32 s5, $0x3  }
0x44: {  	(xrf0) =	vadd.scan.msk.s32 $0xffff, v43;
	s4 =	sshrl.u32 s4, $0x3;
	s5 =	sadd.s32 s2, s5;
	s20 =	spop (v2sf)  }
0x45: {  	v45 =	vsel vm0, $0x0, v39;
	[tilespmem:s11], [sflag:$0x1] =	stream.strided.gather [hbm4b:s5+s7], $0x2000, s8, s7, $0x38;
	[tilespmem:$0x1E080] =	vst v63  }
0x46: {  	v44, _, _ =	vpop (xrf0);
	(xrf0) =	vadd.scan.msk.s32 $0xffff, v45;
	s4 =	sadd.s32 s2, s4;
	s24 =	sshll.u32 s20, $0x12;
	s25 =	spop (v2sf)  }
0x47: {  	v47 =	vsel vm1, $0x0, v39;
	(v2sf) =	vpush v44, $0xF;
	[tilespmem:s12], [sflag:$0x1] =	stream.strided.gather [hbm4b:s4+s7], $0x2000, s8, s7, $0x38;
	[tilespmem:$0x1E080] =	vst v63  }
0x48: {  	v46, _, _ =	vpop (xrf0);
	(xrf0) =	vadd.scan.msk.s32 $0xffff, v47;
	s19 =	sshll.u32 s19, $0x12;
	s29 =	sadd.s32 s2, s1;
	s26 =	sor.u32 s3, s24  }
0x49: {  	v49 =	vsel vm7, $0x0, v39;
	(v2sf) =	vpush v46, $0xF;
	[tilespmem:s13], [sflag:$0x1] =	stream.strided.gather [hbm4b:s0+s7], $0x2000, s8, s7, $0x38;
	[tilespmem:$0x1E080] =	vst v63  }
0x4a: {  	v48, _, _ =	vpop (xrf0);
	(xrf0) =	vadd.scan.msk.s32 $0xffff, v49;
	s5 =	sor.u32 s3, s19;
	s28 =	sshll.u32 s25, $0x12;
	s30 =	sshrl.u32 s26, $0x3  }
0x4b: {  	v51 =	vsel vm9, $0x0, v39;
	[tilespmem:s14], [sflag:$0x1] =	stream.strided.gather [hbm4b:s29+s7], $0x2000, s8, s7, $0x38;
	[tilespmem:$0x1E080] =	vst v63  }
0x4c: {  	v50, _, _ =	vpop (xrf0);
	(xrf0) =	vadd.scan.msk.s32 $0xffff, v51;
	s10 =	sshrl.u32 s5, $0x3;
	s31 =	sor.u32 s3, s28;
	s1 =	sadd.s32 s2, s30  }
0x4d: {  	v53 =	vsel vm4, $0x0, v39;
	(v2sf) =	vpush v48, $0xF;
	[tilespmem:s15], [sflag:$0x1] =	stream.strided.gather [hbm4b:s1+s7], $0x2000, s8, s7, $0x38;
	[tilespmem:$0x1E080] =	vst v63  }
0x4e: {  	v55 =	vsel vm5, $0x0, v39;
	v52, _, _ =	vpop (xrf0);
	(xrf0) =	vadd.scan.msk.s32 $0xffff, v53;
	s20 =	sadd.s32 s2, s10;
	s4 =	sshrl.u32 s31, $0x3;
	s19 =	spop (v2sf)  }
0x4f: {  	v54, _, _ =	vpop (xrf0);
	(xrf0) =	vadd.scan.msk.s32 $0xffff, v55;
	(v2sf) =	vpush v50, $0xF;
	s9 =	sadd.s32 s2, s4;
	s22 =	sshll.u32 s19, $0x12;
	s24 =	spop (v2sf)  }
0x50: {  	v58 =	vsel vm6, $0x0, v39;
	v56, _, _ =	vpop (xrf0);
	[tilespmem:s16], [sflag:$0x1] =	stream.strided.gather [hbm4b:s9+s7], $0x2000, s8, s7, $0x38;
	[tilespmem:$0x1E080] =	vst v63  }
0x51: {  	v4 =	vsel vm8, $0x0, v39;
	v57, _, _ =	vpop (xrf0);
	(xrf0) =	vadd.scan.msk.s32 $0xffff, v58;
	s25 =	sor.u32 s3, s22;
	s26 =	sshll.u32 s24, $0x12;
	s28 =	spop (v2sf)  }
0x52: {  	v59, _, _ =	vpop (xrf0);
	(xrf0) =	vadd.scan.msk.s32 $0xffff, v4;
	s0 =	sshrl.u32 s25, $0x3;
	s1 =	sor.u32 s3, s26;
	s4 =	sshll.u32 s28, $0x12  }
0x53: {  	v60, _, _ =	vpop (xrf0);
	[tilespmem:s17], [sflag:$0x1] =	stream.strided.gather [hbm4b:s20+s7], $0x2000, s8, s7, $0x38;
	[tilespmem:$0x1E080] =	vst v63  }
0x54: {  	v61, _, _ =	vpop (xrf0);
	s0 =	sadd.s32 s2, s0;
	s1 =	sshrl.u32 s1, $0x3;
	s4 =	sor.u32 s3, s4  }
0x55: {  	v7, _, _ =	vpop (xrf0);
	[tilespmem:s6], [sflag:$0x1] =	stream.strided.gather [hbm4b:s0+s7], $0x2000, s8, s7, $0x38;
	[tilespmem:$0x1E080] =	vst v63  }
0x56: {  	v8, _, _ =	vpop (xrf0);
	s29 =	sadd.s32 s2, s1;
	s30 =	sshrl.u32 s4, $0x3;
	s31 =	spop (v2sf)  }
0x57: {  	v9, _, _ =	vpop (xrf0);
	(v2sf) =	vpush v56, $0xF;
	[tilespmem:s18], [sflag:$0x1] =	stream.strided.gather [hbm4b:s29+s7], $0x2000, s8, s7, $0x38;
	[tilespmem:$0x1E080] =	vst v63  }
0x58: {  	v62, _, _ =	vpop (xrf0);
	s19 =	simm.s32 $0x1;
	s1 =	sadd.s32 s2, s30;
	(v2sf) =	vpush v52, $0xF;
	s5 =	spop (v2sf)  }
0x59: {  	v63, _, _ =	vpop (xrf0);
	[tilespmem:s23], [sflag:$0x1] =	stream.strided.gather [hbm4b:s1+s7], $0x2000, s8, s7, $0x38;
	(v2sf) =	vpush v57, $0xF;
	[tilespmem:$0x1E080] =	vst v63  }
0x5a: {  	s6 =	sshll.u32 s31, $0x12;
	_ =	swait.ge [sflag:s19], $0x2000  }
0x5b: {  	s20 =	simm.s32 $0x14080;
	s0 =	sor.u32 s3, s6;
	[sflag:s19] =	ssyncset.done $0x0  }
0x5c: {  	s0 =	sshrl.u32 s0, $0x3;
	s9 =	spop (v2sf);
	[sflag:s19] =	ssyncadd.s32 $0xFFFFE000  }
0x5d: {  	[hbm4b:s21+s7] =	stream.strided.scatter [tilespmem:s11], [sflag:$0x2], $0x2000, s8, s7, $0x38;
	[tilespmem:$0x1E080] =	vst v63  }
0x5e: {  	[dreg:$0x1e] =	wrdreg s21;
	(v2sf) =	vpush v54, $0xF;
	s0 =	sadd.s32 s2, s0;
	s22 =	spop (v2sf)  }
0x5f: {  	(v2sf) =	vpush v59, $0xF;
	[tilespmem:s20], [sflag:$0x1] =	stream.strided.gather [hbm4b:s0+s7], $0x2000, s8, s7, $0x38;
	[tilespmem:$0x1E080] =	vst v63  }
0x60: {  	s24 =	sshll.u32 s5, $0x12;
	_ =	swait.ge [sflag:s19], $0x2000  }
0x61: {  	s0 =	sor.u32 s3, s24;
	[sflag:s19] =	ssyncset.done $0x0  }
0x62: {  	s0 =	sshrl.u32 s0, $0x3;
	s25 =	rddreg [dreg:$0x5];
	(v2sf) =	vpush v60, $0xF;
	[sflag:s19] =	ssyncadd.s32 $0xFFFFE000  }
0x63: {  	[hbm4b:s25+s7] =	stream.strided.scatter [tilespmem:s12], [sflag:$0x2], $0x2000, s8, s7, $0x38;
	[tilespmem:$0x1E080] =	vst v63  }
0x64: {  	s10 =	simm.s32 $0x16080;
	s0 =	sadd.s32 s2, s0;
	(v2sf) =	vpush v61, $0xF  }
0x65: {  	[tilespmem:s10], [sflag:$0x1] =	stream.strided.gather [hbm4b:s0+s7], $0x2000, s8, s7, $0x38;
	[tilespmem:$0x1E080] =	vst v63  }
0x66: {  	s29 =	spop (v2sf)  }
0x67: {  	(v2sf) =	vpush v7, $0xF;
	s26 =	spop (v2sf)  }
0x68: {  	_ =	swait.ge [sflag:s19], $0x2000  }
0x69: {  	s31 =	sshll.u32 s9, $0x12;
	[sflag:s19] =	ssyncset.done $0x0  }
0x6a: {  	s1 =	sor.u32 s3, s31;
	s30 =	rddreg [dreg:$0x6];
	[sflag:s19] =	ssyncadd.s32 $0xFFFFE000  }
0x6b: {  	(v2sf) =	vpush v8, $0xF;
	[hbm4b:s30+s7] =	stream.strided.scatter [tilespmem:s13], [sflag:$0x2], $0x2000, s8, s7, $0x38;
	[tilespmem:$0x1E080] =	vst v63  }
0x6c: {  	s9 =	simm.s32 $0x18080;
	s1 =	sshrl.u32 s1, $0x3;
	s30 =	spop (v2sf)  }
0x6d: {  	s6 =	sshll.u32 s22, $0x12;
	s1 =	sadd.s32 s2, s1;
	(v2sf) =	vpush v9, $0xF;
	s24 =	spop (v2sf)  }
0x6e: {  	[tilespmem:s9], [sflag:$0x1] =	stream.strided.gather [hbm4b:s1+s7], $0x2000, s8, s7, $0x38;
	[tilespmem:$0x1E080] =	vst v63  }
0x6f: {  	s1 =	sor.u32 s3, s6;
	_ =	swait.ge [sflag:s19], $0x2000  }
0x70: {  	s1 =	sshrl.u32 s1, $0x3;
	[sflag:s19] =	ssyncset.done $0x0;
	s31 =	spop (v2sf)  }
0x71: {  	s4 =	rddreg [dreg:$0x7];
	[sflag:s19] =	ssyncadd.s32 $0xFFFFE000;
	s28 =	spop (v2sf)  }
0x72: {  	(v2sf) =	vpush v62, $0xF;
	[hbm4b:s4+s7] =	stream.strided.scatter [tilespmem:s14], [sflag:$0x2], $0x2000, s8, s7, $0x38;
	[tilespmem:$0x1E080] =	vst v63  }
0x73: {  	s25 =	simm.s32 $0x1A080;
	s1 =	sadd.s32 s2, s1;
	(v2sf) =	vpush v63, $0xF;
	s22 =	spop (v2sf)  }
0x74: {  	[tilespmem:s25], [sflag:$0x1] =	stream.strided.gather [hbm4b:s1+s7], $0x2000, s8, s7, $0x38;
	[tilespmem:$0x1E080] =	vst v63  }
0x75: {  	_ =	swait.ge [sflag:s19], $0x2000  }
0x76: {  	s0 =	sshll.u32 s26, $0x12;
	[sflag:s19] =	ssyncset.done $0x0  }
0x77: {  	s0 =	sor.u32 s3, s0;
	s21 =	rddreg [dreg:$0x8];
	[sflag:s19] =	ssyncadd.s32 $0xFFFFE000  }
0x78: {  	[hbm4b:s21+s7] =	stream.strided.scatter [tilespmem:s15], [sflag:$0x2], $0x2000, s8, s7, $0x38;
	[tilespmem:$0x1E080] =	vst v63  }
0x79: {  	s0 =	sshrl.u32 s0, $0x3;
	s21 =	spop (v2sf)  }
0x7a: {  	s0 =	sadd.s32 s2, s0;
	s6 =	simm.s32 $0x1C080;
	s5 =	spop (v2sf)  }
0x7b: {  	[tilespmem:s6], [sflag:$0x1] =	stream.strided.gather [hbm4b:s0+s7], $0x2000, s8, s7, $0x38;
	[tilespmem:$0x1E080] =	vst v63  }
0x7c: {  	s4 =	spop (v2sf)  }
0x7d: {  	_ =	swait.ge [sflag:s19], $0x2000  }
0x7e: {  	[sflag:s19] =	ssyncset.done $0x0  }
0x7f: {  	s26 =	rddreg [dreg:$0x9];
	[sflag:s19] =	ssyncadd.s32 $0xFFFFE000  }
0x80: {  	[hbm4b:s26+s7] =	stream.strided.scatter [tilespmem:s16], [sflag:$0x2], $0x2000, s8, s7, $0x38;
	[tilespmem:$0x1E080] =	vst v63  }
0x81: {  	s1 =	spop (v2sf)  }
0x82: {  	s0 =	sshll.u32 s24, $0x12;
	s24 =	simm.s32 $0x2;
	s26 =	spop (v2sf)  }
0x83: {  	s0 =	sor.u32 s3, s0;
	_ =	swait.ge [sflag:s24], $0x2000  }
0x84: {  	s0 =	sshrl.u32 s0, $0x3;
	[sflag:s24] =	ssyncset.done $0x0  }
0x85: {  	s0 =	sadd.s32 s2, s0;
	[sflag:s24] =	ssyncadd.s32 $0xFFFFE000  }
0x86: {  	[tilespmem:s11], [sflag:$0x1] =	stream.strided.gather [hbm4b:s0+s7], $0x2000, s8, s7, $0x38;
	[tilespmem:$0x1E080] =	vst v63  }
0x87: {  	_ =	swait.ge [sflag:s19], $0x2000  }
0x88: {  	[sflag:s19] =	ssyncset.done $0x0  }
0x89: {  	s29 =	sshll.u32 s29, $0x12;
	s0 =	rddreg [dreg:$0xa];
	[sflag:s19] =	ssyncadd.s32 $0xFFFFE000  }
0x8a: {  	[hbm4b:s0+s7] =	stream.strided.scatter [tilespmem:s17], [sflag:$0x2], $0x2000, s8, s7, $0x38;
	[tilespmem:$0x1E080] =	vst v63  }
0x8b: {  	s0 =	sor.u32 s3, s29;
	_ =	swait.ge [sflag:s24], $0x2000  }
0x8c: {  	s0 =	sshrl.u32 s0, $0x3;
	[sflag:s24] =	ssyncset.done $0x0  }
0x8d: {  	s0 =	sadd.s32 s2, s0;
	[sflag:s24] =	ssyncadd.s32 $0xFFFFE000  }
0x8e: {  	[tilespmem:s12], [sflag:$0x1] =	stream.strided.gather [hbm4b:s0+s7], $0x2000, s8, s7, $0x38;
	[tilespmem:$0x1E080] =	vst v63  }
0x8f: {  	_ =	swait.ge [sflag:s19], $0x2000  }
0x90: {  	s30 =	sshll.u32 s30, $0x12;
	[sflag:s19] =	ssyncset.done $0x0  }
0x91: {  	s29 =	simm.s32 $0xE080;
	s0 =	rddreg [dreg:$0xb];
	[sflag:s19] =	ssyncadd.s32 $0xFFFFE000  }
0x92: {  	[hbm4b:s0+s7] =	stream.strided.scatter [tilespmem:s29], [sflag:$0x2], $0x2000, s8, s7, $0x38;
	[tilespmem:$0x1E080] =	vst v63  }
0x93: {  	s0 =	sor.u32 s3, s30;
	_ =	swait.ge [sflag:s24], $0x2000  }
0x94: {  	s0 =	sshrl.u32 s0, $0x3;
	[sflag:s24] =	ssyncset.done $0x0  }
0x95: {  	s0 =	sadd.s32 s2, s0;
	[sflag:s24] =	ssyncadd.s32 $0xFFFFE000  }
0x96: {  	[tilespmem:s13], [sflag:$0x1] =	stream.strided.gather [hbm4b:s0+s7], $0x2000, s8, s7, $0x38;
	[tilespmem:$0x1E080] =	vst v63  }
0x97: {  	_ =	swait.ge [sflag:s19], $0x2000  }
0x98: {  	[sflag:s19] =	ssyncset.done $0x0  }
0x99: {  	s31 =	sshll.u32 s31, $0x12;
	s30 =	rddreg [dreg:$0xc];
	[sflag:s19] =	ssyncadd.s32 $0xFFFFE000  }
0x9a: {  	[hbm4b:s30+s7] =	stream.strided.scatter [tilespmem:s18], [sflag:$0x2], $0x2000, s8, s7, $0x38;
	[tilespmem:$0x1E080] =	vst v63  }
0x9b: {  	s0 =	sor.u32 s3, s31;
	_ =	swait.ge [sflag:s24], $0x2000  }
0x9c: {  	s0 =	sshrl.u32 s0, $0x3;
	[sflag:s24] =	ssyncset.done $0x0  }
0x9d: {  	s0 =	sadd.s32 s2, s0;
	[sflag:s24] =	ssyncadd.s32 $0xFFFFE000  }
0x9e: {  	[tilespmem:s14], [sflag:$0x1] =	stream.strided.gather [hbm4b:s0+s7], $0x2000, s8, s7, $0x38;
	[tilespmem:$0x1E080] =	vst v63  }
0x9f: {  	_ =	swait.ge [sflag:s19], $0x2000  }
0xa0: {  	[sflag:s19] =	ssyncset.done $0x0  }
0xa1: {  	s31 =	sshll.u32 s28, $0x12;
	s30 =	rddreg [dreg:$0xd];
	[sflag:s19] =	ssyncadd.s32 $0xFFFFE000  }
0xa2: {  	[hbm4b:s30+s7] =	stream.strided.scatter [tilespmem:s23], [sflag:$0x2], $0x2000, s8, s7, $0x38;
	[tilespmem:$0x1E080] =	vst v63  }
0xa3: {  	s0 =	sor.u32 s3, s31;
	_ =	swait.ge [sflag:s24], $0x2000  }
0xa4: {  	s0 =	sshrl.u32 s0, $0x3;
	[sflag:s24] =	ssyncset.done $0x0  }
0xa5: {  	s0 =	sadd.s32 s2, s0;
	[sflag:s24] =	ssyncadd.s32 $0xFFFFE000  }
0xa6: {  	[tilespmem:s15], [sflag:$0x1] =	stream.strided.gather [hbm4b:s0+s7], $0x2000, s8, s7, $0x38;
	[tilespmem:$0x1E080] =	vst v63  }
0xa7: {  	_ =	swait.ge [sflag:s19], $0x2000  }
0xa8: {  	[sflag:s19] =	ssyncset.done $0x0  }
0xa9: {  	s30 =	sshll.u32 s22, $0x12;
	s28 =	rddreg [dreg:$0xe];
	[sflag:s19] =	ssyncadd.s32 $0xFFFFE000  }
0xaa: {  	[hbm4b:s28+s7] =	stream.strided.scatter [tilespmem:s20], [sflag:$0x2], $0x2000, s8, s7, $0x38;
	[tilespmem:$0x1E080] =	vst v63  }
0xab: {  	s0 =	sor.u32 s3, s30;
	_ =	swait.ge [sflag:s24], $0x2000  }
0xac: {  	s0 =	sshrl.u32 s0, $0x3;
	[sflag:s24] =	ssyncset.done $0x0  }
0xad: {  	s0 =	sadd.s32 s2, s0;
	[sflag:s24] =	ssyncadd.s32 $0xFFFFE000  }
0xae: {  	[tilespmem:s16], [sflag:$0x1] =	stream.strided.gather [hbm4b:s0+s7], $0x2000, s8, s7, $0x38;
	[tilespmem:$0x1E080] =	vst v63  }
0xaf: {  	_ =	swait.ge [sflag:s19], $0x2000  }
0xb0: {  	[sflag:s19] =	ssyncset.done $0x0  }
0xb1: {  	s21 =	sshll.u32 s21, $0x12;
	s31 =	rddreg [dreg:$0xf];
	[sflag:s19] =	ssyncadd.s32 $0xFFFFE000  }
0xb2: {  	[hbm4b:s31+s7] =	stream.strided.scatter [tilespmem:s10], [sflag:$0x2], $0x2000, s8, s7, $0x38;
	[tilespmem:$0x1E080] =	vst v63  }
0xb3: {  	s0 =	sor.u32 s3, s21;
	_ =	swait.ge [sflag:s24], $0x2000  }
0xb4: {  	s0 =	sshrl.u32 s0, $0x3;
	[sflag:s24] =	ssyncset.done $0x0  }
0xb5: {  	s0 =	sadd.s32 s2, s0;
	[sflag:s24] =	ssyncadd.s32 $0xFFFFE000  }
0xb6: {  	[tilespmem:s17], [sflag:$0x1] =	stream.strided.gather [hbm4b:s0+s7], $0x2000, s8, s7, $0x38;
	[tilespmem:$0x1E080] =	vst v63  }
0xb7: {  	_ =	swait.ge [sflag:s19], $0x2000  }
0xb8: {  	[sflag:s19] =	ssyncset.done $0x0  }
0xb9: {  	s28 =	sshll.u32 s5, $0x12;
	s22 =	rddreg [dreg:$0x10];
	[sflag:s19] =	ssyncadd.s32 $0xFFFFE000  }
0xba: {  	[hbm4b:s22+s7] =	stream.strided.scatter [tilespmem:s9], [sflag:$0x2], $0x2000, s8, s7, $0x38;
	[tilespmem:$0x1E080] =	vst v63  }
0xbb: {  	s0 =	sor.u32 s3, s28;
	_ =	swait.ge [sflag:s24], $0x2000  }
0xbc: {  	s0 =	sshrl.u32 s0, $0x3;
	[sflag:s24] =	ssyncset.done $0x0  }
0xbd: {  	s0 =	sadd.s32 s2, s0;
	[sflag:s24] =	ssyncadd.s32 $0xFFFFE000  }
0xbe: {  	[tilespmem:s29], [sflag:$0x1] =	stream.strided.gather [hbm4b:s0+s7], $0x2000, s8, s7, $0x38;
	[tilespmem:$0x1E080] =	vst v63  }
0xbf: {  	_ =	swait.ge [sflag:s19], $0x2000  }
0xc0: {  	[sflag:s19] =	ssyncset.done $0x0  }
0xc1: {  	s31 =	sshll.u32 s4, $0x12;
	s30 =	rddreg [dreg:$0x11];
	[sflag:s19] =	ssyncadd.s32 $0xFFFFE000  }
0xc2: {  	[hbm4b:s30+s7] =	stream.strided.scatter [tilespmem:s25], [sflag:$0x2], $0x2000, s8, s7, $0x38;
	[tilespmem:$0x1E080] =	vst v63  }
0xc3: {  	s0 =	sor.u32 s3, s31;
	_ =	swait.ge [sflag:s24], $0x2000  }
0xc4: {  	s0 =	sshrl.u32 s0, $0x3;
	[sflag:s24] =	ssyncset.done $0x0  }
0xc5: {  	s0 =	sadd.s32 s2, s0;
	[sflag:s24] =	ssyncadd.s32 $0xFFFFE000  }
0xc6: {  	[tilespmem:s18], [sflag:$0x1] =	stream.strided.gather [hbm4b:s0+s7], $0x2000, s8, s7, $0x38;
	[tilespmem:$0x1E080] =	vst v63  }
0xc7: {  	_ =	swait.ge [sflag:s19], $0x2000  }
0xc8: {  	[sflag:s19] =	ssyncset.done $0x0  }
0xc9: {  	s4 =	rddreg [dreg:$0x12];
	[sflag:s19] =	ssyncadd.s32 $0xFFFFE000  }
0xca: {  	[hbm4b:s4+s7] =	stream.strided.scatter [tilespmem:s6], [sflag:$0x2], $0x2000, s8, s7, $0x38;
	[tilespmem:$0x1E080] =	vst v63  }
0xcb: {  	s6 =	sshll.u32 s1, $0x12  }
0xcc: {  	s0 =	sor.u32 s3, s6;
	_ =	swait.ge [sflag:s24], $0x2000  }
0xcd: {  	s0 =	sshrl.u32 s0, $0x3;
	[sflag:s24] =	ssyncset.done $0x0  }
0xce: {  	[sflag:s24] =	ssyncadd.s32 $0xFFFFE000;
	s0 =	sadd.s32 s2, s0  }
0xcf: {  	[tilespmem:s23], [sflag:$0x1] =	stream.strided.gather [hbm4b:s0+s7], $0x2000, s8, s7, $0x38;
	[tilespmem:$0x1E080] =	vst v63  }
0xd0: {  	_ =	swait.ge [sflag:s19], $0x2000  }
0xd1: {  	[sflag:s19] =	ssyncset.done $0x0  }
0xd2: {  	s10 =	sshll.u32 s26, $0x12;
	s9 =	rddreg [dreg:$0x13];
	[sflag:s19] =	ssyncadd.s32 $0xFFFFE000  }
0xd3: {  	[hbm4b:s9+s7] =	stream.strided.scatter [tilespmem:s11], [sflag:$0x2], $0x2000, s8, s7, $0x38;
	[tilespmem:$0x1E080] =	vst v63  }
0xd4: {  	s0 =	sor.u32 s3, s10;
	_ =	swait.ge [sflag:s24], $0x2000  }
0xd5: {  	s0 =	sshrl.u32 s0, $0x3;
	[sflag:s24] =	ssyncset.done $0x0  }
0xd6: {  	s0 =	sadd.s32 s2, s0;
	[sflag:s24] =	ssyncadd.s32 $0xFFFFE000  }
0xd7: {  	[tilespmem:s20], [sflag:$0x1] =	stream.strided.gather [hbm4b:s0+s7], $0x2000, s8, s7, $0x38;
	[tilespmem:$0x1E080] =	vst v63  }
0xd8: {  	_ =	swait.ge [sflag:s19], $0x2000  }
0xd9: {  	[sflag:s19] =	ssyncset.done $0x0  }
0xda: {  	s11 =	rddreg [dreg:$0x14];
	[sflag:s19] =	ssyncadd.s32 $0xFFFFE000  }
0xdb: {  	[hbm4b:s11+s7] =	stream.strided.scatter [tilespmem:s12], [sflag:$0x2], $0x2000, s8, s7, $0x38;
	[tilespmem:$0x1E080] =	vst v63  }
0xdc: {  	_ =	swait.ge [sflag:s19], $0x2000  }
0xdd: {  	[sflag:s19] =	ssyncset.done $0x0  }
0xde: {  	s12 =	rddreg [dreg:$0x15];
	[sflag:s19] =	ssyncadd.s32 $0xFFFFE000  }
0xdf: {  	[hbm4b:s12+s7] =	stream.strided.scatter [tilespmem:s13], [sflag:$0x2], $0x2000, s8, s7, $0x38;
	[tilespmem:$0x1E080] =	vst v63  }
0xe0: {  	_ =	swait.ge [sflag:s19], $0x2000  }
0xe1: {  	[sflag:s19] =	ssyncset.done $0x0  }
0xe2: {  	s13 =	rddreg [dreg:$0x16];
	[sflag:s19] =	ssyncadd.s32 $0xFFFFE000  }
0xe3: {  	[hbm4b:s13+s7] =	stream.strided.scatter [tilespmem:s14], [sflag:$0x2], $0x2000, s8, s7, $0x38;
	[tilespmem:$0x1E080] =	vst v63  }
0xe4: {  	_ =	swait.ge [sflag:s19], $0x2000  }
0xe5: {  	[sflag:s19] =	ssyncset.done $0x0  }
0xe6: {  	s14 =	rddreg [dreg:$0x17];
	[sflag:s19] =	ssyncadd.s32 $0xFFFFE000  }
0xe7: {  	[hbm4b:s14+s7] =	stream.strided.scatter [tilespmem:s15], [sflag:$0x2], $0x2000, s8, s7, $0x38;
	[tilespmem:$0x1E080] =	vst v63  }
0xe8: {  	_ =	swait.ge [sflag:s19], $0x2000  }
0xe9: {  	[sflag:s19] =	ssyncset.done $0x0  }
0xea: {  	s21 =	rddreg [dreg:$0x18];
	[sflag:s19] =	ssyncadd.s32 $0xFFFFE000  }
0xeb: {  	[hbm4b:s21+s7] =	stream.strided.scatter [tilespmem:s16], [sflag:$0x2], $0x2000, s8, s7, $0x38;
	[tilespmem:$0x1E080] =	vst v63  }
0xec: {  	_ =	swait.ge [sflag:s19], $0x2000  }
0xed: {  	[sflag:s19] =	ssyncset.done $0x0  }
0xee: {  	s22 =	rddreg [dreg:$0x19];
	[sflag:s19] =	ssyncadd.s32 $0xFFFFE000  }
0xef: {  	[hbm4b:s22+s7] =	stream.strided.scatter [tilespmem:s17], [sflag:$0x2], $0x2000, s8, s7, $0x38;
	[tilespmem:$0x1E080] =	vst v63  }
0xf0: {  	_ =	swait.ge [sflag:s19], $0x2000  }
0xf1: {  	[sflag:s19] =	ssyncset.done $0x0  }
0xf2: {  	s29 =	simm.s32 $0xE080;
	s25 =	rddreg [dreg:$0x1a];
	[sflag:s19] =	ssyncadd.s32 $0xFFFFE000  }
0xf3: {  	[hbm4b:s25+s7] =	stream.strided.scatter [tilespmem:s29], [sflag:$0x2], $0x2000, s8, s7, $0x38;
	[tilespmem:$0x1E080] =	vst v63  }
0xf4: {  	_ =	swait.ge [sflag:s19], $0x2000  }
0xf5: {  	[sflag:s19] =	ssyncset.done $0x0  }
0xf6: {  	s26 =	rddreg [dreg:$0x1b];
	[sflag:s19] =	ssyncadd.s32 $0xFFFFE000  }
0xf7: {  	[hbm4b:s26+s7] =	stream.strided.scatter [tilespmem:s18], [sflag:$0x2], $0x2000, s8, s7, $0x38;
	[tilespmem:$0x1E080] =	vst v63  }
0xf8: {  	_ =	swait.ge [sflag:s19], $0x2000  }
0xf9: {  	[sflag:s19] =	ssyncset.done $0x0  }
0xfa: {  	s28 =	rddreg [dreg:$0x1c];
	[sflag:s19] =	ssyncadd.s32 $0xFFFFE000  }
0xfb: {  	[hbm4b:s28+s7] =	stream.strided.scatter [tilespmem:s23], [sflag:$0x2], $0x2000, s8, s7, $0x38;
	[tilespmem:$0x1E080] =	vst v63  }
0xfc: {  	_ =	swait.ge [sflag:s19], $0x2000  }
0xfd: {  	[sflag:s19] =	ssyncset.done $0x0  }
0xfe: {  	s29 =	rddreg [dreg:$0x1d];
	[sflag:s19] =	ssyncadd.s32 $0xFFFFE000  }
0xff: {  	[hbm4b:s29+s7] =	stream.strided.scatter [tilespmem:s20], [sflag:$0x2], $0x2000, s8, s7, $0x38;
	[tilespmem:$0x1E080] =	vst v63  }
0x100: {  	_ =	swait.ge [sflag:s24], $0x2000  }
0x101: {  	[sflag:s24] =	ssyncset.done $0x0  }
0x102: {  	[sflag:s24] =	ssyncadd.s32 $0xFFFFE000  }
0x103: {  	_ =	swait.ge [sflag:s24], $0x2000  }
0x104: {  	[sflag:s24] =	ssyncset.done $0x0  }
0x105: {  	[sflag:s24] =	ssyncadd.s32 $0xFFFFE000  }
0x106: {  	_ =	swait.ge [sflag:s24], $0x2000  }
0x107: {  	[sflag:s24] =	ssyncset.done $0x0  }
0x108: {  	[sflag:s24] =	ssyncadd.s32 $0xFFFFE000  }
0x109: {  	_ =	swait.ge [sflag:s24], $0x2000  }
0x10a: {  	[sflag:s24] =	ssyncset.done $0x0  }
0x10b: {  	[sflag:s24] =	ssyncadd.s32 $0xFFFFE000  }
0x10c: {  	_ =	swait.ge [sflag:s24], $0x2000  }
0x10d: {  	[sflag:s24] =	ssyncset.done $0x0  }
0x10e: {  	[sflag:s24] =	ssyncadd.s32 $0xFFFFE000  }
0x10f: {  	_ =	swait.ge [sflag:s24], $0x2000  }
0x110: {  	[sflag:s24] =	ssyncset.done $0x0  }
0x111: {  	[sflag:s24] =	ssyncadd.s32 $0xFFFFE000  }
0x112: {  	_ =	swait.ge [sflag:s24], $0x2000  }
0x113: {  	[sflag:s24] =	ssyncset.done $0x0  }
0x114: {  	[sflag:s24] =	ssyncadd.s32 $0xFFFFE000  }
0x115: {  	_ =	swait.ge [sflag:s24], $0x2000  }
0x116: {  	s30 =	rddreg [dreg:$0x1f]  }
0x117: {  	s0 =	ssub.s32 $0x2, s30  }
0x118: {  	s31 =	sshrl.u32 s0, $0x1  }
0x119: {  	s0 =	ssub.s32 s0, s31  }
0x11a: {  	s0 =	smax.u32 s0, $0x1  }
0x11b: {  	[sflag:s24] =	ssyncset.done $0x0;
	p0 =	sne.s32 s0, $0x1  }
.Ltmp0:
0x11c: {  	[sflag:s24] =	ssyncadd.s32 $0xFFFFE000;
	(pc) =	sbr.rel @!p0 .LBB2_3-.Ltmp0, $4  }
0x11d: {  	_ =	swait.ge [sflag:s24], $0x2000  }
0x11e: {  	[sflag:s24] =	ssyncset.done $0x0  }
0x11f: {  	[sflag:s24] =	ssyncadd.s32 $0xFFFFE000  }
0x120: {  	s26 =	sadd.s32 $0xFFFFFFFF, s0;
	_ =	swait.ge [sflag:s24], $0x2000  }
0x121: {  	s12 =	simm.s32 $0x80;
	s13 =	simm.s32 $0x2080;
	s14 =	simm.s32 $0x4080  }
0x122: {  	s16 =	simm.s32 $0x6080;
	s18 =	simm.s32 $0x8080;
	s20 =	simm.s32 $0xA080  }
0x123: {  	s17 =	simm.s32 $0xE080;
	s15 =	simm.s32 $0x14080;
	s11 =	simm.s32 $0x16080  }
0x124: {  	s10 =	simm.s32 $0x18080;
	s9 =	simm.s32 $0x1A080;
	s6 =	simm.s32 $0x1C080  }
.LBB2_2:
0x125: {  	[sflag:s24] =	ssyncset.done $0x0  }
0x126: {  	[sflag:s24] =	ssyncadd.s32 $0xFFFFE000  }
0x127: {  	_ =	swait.ge [sflag:s24], $0x2000  }
0x128: {  	[sflag:s24] =	ssyncset.done $0x0  }
0x129: {  	[sflag:s24] =	ssyncadd.s32 $0xFFFFE000  }
0x12a: {  	_ =	swait.ge [sflag:s24], $0x2000  }
0x12b: {  	[sflag:s24] =	ssyncset.done $0x0  }
0x12c: {  	[sflag:s24] =	ssyncadd.s32 $0xFFFFE000  }
0x12d: {  	_ =	swait.ge [sflag:s24], $0x2000  }
0x12e: {  	[sflag:s24] =	ssyncset.done $0x0  }
0x12f: {  	[sflag:s24] =	ssyncadd.s32 $0xFFFFE000  }
0x130: {  	_ =	swait.ge [sflag:s24], $0x2000  }
0x131: {  	[sflag:s24] =	ssyncset.done $0x0  }
0x132: {  	[sflag:s24] =	ssyncadd.s32 $0xFFFFE000  }
0x133: {  	_ =	swait.ge [sflag:s24], $0x2000  }
0x134: {  	s1 =	simm.s32 $0x0;
	[sflag:s24] =	ssyncset.done $0x0  }
0x135: {  	s22 =	simm.s32 $0x3;
	s0 =	rddreg [dreg:$0x4];
	[sflag:s24] =	ssyncadd.s32 $0xFFFFE000  }
0x136: {  	[tilespmem:s1], [sflag:$0x3] =	stream.linear.gather [hbm4b:s0+s1], $0x1A, $0x38;
	[tilespmem:$0x1E080] =	vst v63  }
0x137: {  	_ =	swait.ge [sflag:s22], $0x1A  }
0x138: {  	[sflag:s22] =	ssyncset.done $0x0  }
0x139: {  	[sflag:s22] =	ssyncadd.s32 $0xFFFFFFE6  }
0x13a: {  	v0 =	vld [tilespmem:$0x0];
	_ =	sdelay $0x4  }
0x13b: {  	v1 =	vsel vm0, $0x0, v0  }
0x13c: {  	v2 =	vsel vm1, $0x0, v0;
	(xrf0) =	vadd.scan.msk.s32 $0xffff, v1  }
0x13d: {  	v5 =	vsel vm2, $0x0, v0;
	(xrf0) =	vadd.scan.msk.s32 $0xffff, v2  }
0x13e: {  	v4 =	vnsel vm3, $0x0, v0;
	(xrf0) =	vadd.scan.msk.s32 $0xffff, v5  }
0x13f: {  	v31 =	vsel vm4, $0x0, v0;
	(xrf0) =	vadd.scan.msk.s32 $0xffff, v4  }
0x140: {  	v32 =	vsel vm5, $0x0, v0;
	(xrf0) =	vadd.scan.msk.s32 $0xffff, v31  }
0x141: {  	v11 =	vsel vm6, $0x0, v0;
	(xrf0) =	vadd.scan.msk.s32 $0xffff, v32  }
0x142: {  	v12 =	vsel vm7, $0x0, v0;
	v10, _, _ =	vpop (xrf0);
	(xrf0) =	vadd.scan.msk.s32 $0xffff, v11  }
0x143: {  	v33 =	vsel vm8, $0x0, v0;
	(v2sf) =	vpush v10, $0xF;
	v34, _, _ =	vpop (xrf0);
	(xrf0) =	vadd.scan.msk.s32 $0xffff, v12  }
0x144: {  	v30 =	vsel vm9, $0x0, v0;
	v35, _, _ =	vpop (xrf0);
	(v2sf) =	vpush v34, $0xF;
	(xrf0) =	vadd.scan.msk.s32 $0xffff, v33  }
0x145: {  	v36, _, _ =	vpop (xrf0);
	(v2sf) =	vpush v35, $0xF;
	(xrf0) =	vadd.scan.msk.s32 $0xffff, v30  }
0x146: {  	(v2sf) =	vpush v36, $0xF;
	v37, _, _ =	vpop (xrf0)  }
0x147: {  	v38, _, _ =	vpop (xrf0)  }
0x148: {  	v39, _, _ =	vpop (xrf0)  }
0x149: {  	(v2sf) =	vpush v37, $0xF;
	v40, _, _ =	vpop (xrf0)  }
0x14a: {  	(v2sf) =	vpush v40, $0xF;
	v41, _, _ =	vpop (xrf0)  }
0x14b: {  	v43, _, _ =	vpop (xrf0)  }
0x14c: {  	(v2sf) =	vpush v43, $0xF;
	_ =	sdelay $0x2  }
0x14d: {  	v29 =	vsel vm10, $0x0, v0  }
0x14e: {  	v3 =	vsel vm11, $0x0, v0;
	(xrf0) =	vadd.scan.msk.s32 $0xffff, v29  }
0x14f: {  	v6 =	vsel vm12, $0x0, v0;
	(xrf0) =	vadd.scan.msk.s32 $0xffff, v3  }
0x150: {  	v7 =	vsel vm13, $0x0, v0;
	(xrf0) =	vadd.scan.msk.s32 $0xffff, v6;
	s23 =	spop (v2sf)  }
0x151: {  	v8 =	vsel vm14, $0x0, v0;
	(xrf0) =	vadd.scan.msk.s32 $0xffff, v7;
	s25 =	spop (v2sf)  }
0x152: {  	v9 =	vsel vm15, $0x0, v0;
	(xrf0) =	vadd.scan.msk.s32 $0xffff, v8;
	s0 =	sshll.u32 s23, $0x12;
	s4 =	spop (v2sf);
	(v2sf) =	vpush v38, $0xF  }
0x153: {  	v42 =	vld [tilespmem:$0x10];
	(xrf0) =	vadd.scan.msk.s32 $0xffff, v9;
	s0 =	sor.u32 s3, s0;
	s1 =	sshll.u32 s25, $0x12;
	s5 =	spop (v2sf)  }
0x154: {  	v44, _, _ =	vpop (xrf0);
	s4 =	sshll.u32 s4, $0x12;
	s0 =	sshrl.u32 s0, $0x3;
	s5 =	sshll.u32 s5, $0x12  }
0x155: {  	v45, _, _ =	vpop (xrf0);
	s1 =	sor.u32 s3, s1;
	(v2sf) =	vpush v39, $0xF;
	s4 =	sor.u32 s3, s4;
	s5 =	sor.u32 s3, s5  }
0x156: {  	v46, _, _ =	vpop (xrf0);
	s1 =	sshrl.u32 s1, $0x3;
	s21 =	spop (v2sf);
	(v2sf) =	vpush v41, $0xF;
	s5 =	sshrl.u32 s5, $0x3  }
0x157: {  	v47, _, _ =	vpop (xrf0);
	s4 =	sshrl.u32 s4, $0x3;
	s5 =	sadd.s32 s2, s5;
	s22 =	spop (v2sf)  }
0x158: {  	v48 =	vnsel vm3, $0x0, v42;
	v51, _, _ =	vpop (xrf0);
	[tilespmem:s12], [sflag:$0x1] =	stream.strided.gather [hbm4b:s5+s7], $0x2000, s8, s7, $0x38;
	[tilespmem:$0x1E080] =	vst v63  }
0x159: {  	v52, _, _ =	vpop (xrf0);
	(xrf0) =	vadd.scan.msk.s32 $0xffff, v48;
	s4 =	sadd.s32 s2, s4;
	s28 =	sshll.u32 s22, $0x12;
	s29 =	spop (v2sf)  }
0x15a: {  	v49 =	vsel vm2, $0x0, v42;
	[tilespmem:s13], [sflag:$0x1] =	stream.strided.gather [hbm4b:s4+s7], $0x2000, s8, s7, $0x38;
	[tilespmem:$0x1E080] =	vst v63  }
0x15b: {  	(xrf0) =	vadd.scan.msk.s32 $0xffff, v49;
	s0 =	sadd.s32 s2, s0;
	(v2sf) =	vpush v44, $0xF;
	s30 =	sor.u32 s3, s28;
	s31 =	sshll.u32 s29, $0x12  }
0x15c: {  	v50 =	vsel vm0, $0x0, v42;
	[tilespmem:s14], [sflag:$0x1] =	stream.strided.gather [hbm4b:s0+s7], $0x2000, s8, s7, $0x38;
	[tilespmem:$0x1E080] =	vst v63  }
0x15d: {  	(xrf0) =	vadd.scan.msk.s32 $0xffff, v50;
	s1 =	sadd.s32 s2, s1;
	(v2sf) =	vpush v45, $0xF;
	s4 =	sshrl.u32 s30, $0x3;
	s22 =	sor.u32 s3, s31  }
0x15e: {  	v13 =	vsel vm1, $0x0, v42;
	[tilespmem:s16], [sflag:$0x1] =	stream.strided.gather [hbm4b:s1+s7], $0x2000, s8, s7, $0x38;
	[tilespmem:$0x1E080] =	vst v63  }
0x15f: {  	(xrf0) =	vadd.scan.msk.s32 $0xffff, v13;
	s21 =	sshll.u32 s21, $0x12;
	s23 =	sadd.s32 s2, s4;
	s25 =	sshrl.u32 s22, $0x3  }
0x160: {  	v14 =	vsel vm7, $0x0, v42;
	[tilespmem:s18], [sflag:$0x1] =	stream.strided.gather [hbm4b:s23+s7], $0x2000, s8, s7, $0x38;
	[tilespmem:$0x1E080] =	vst v63  }
0x161: {  	(xrf0) =	vadd.scan.msk.s32 $0xffff, v14;
	s28 =	sor.u32 s3, s21;
	s29 =	sadd.s32 s2, s25;
	s31 =	spop (v2sf)  }
0x162: {  	v15 =	vsel vm9, $0x0, v42;
	(v2sf) =	vpush v46, $0xF;
	[tilespmem:s20], [sflag:$0x1] =	stream.strided.gather [hbm4b:s29+s7], $0x2000, s8, s7, $0x38;
	[tilespmem:$0x1E080] =	vst v63  }
0x163: {  	v53 =	vsel vm4, $0x0, v42;
	(xrf0) =	vadd.scan.msk.s32 $0xffff, v15;
	s30 =	sshrl.u32 s28, $0x3;
	s22 =	simm.s32 $0xC080;
	s4 =	sshll.u32 s31, $0x12  }
0x164: {  	v16 =	vsel vm5, $0x0, v42;
	v54, _, _ =	vpop (xrf0);
	(xrf0) =	vadd.scan.msk.s32 $0xffff, v53;
	s1 =	sadd.s32 s2, s30;
	(v2sf) =	vpush v47, $0xF;
	s21 =	spop (v2sf);
	s23 =	sor.u32 s3, s4  }
0x165: {  	v55, _, _ =	vpop (xrf0);
	(xrf0) =	vadd.scan.msk.s32 $0xffff, v16;
	s25 =	sshll.u32 s21, $0x12;
	s28 =	spop (v2sf);
	s21 =	simm.s32 $0x10080  }
0x166: {  	v17 =	vsel vm6, $0x0, v42;
	[tilespmem:s22], [sflag:$0x1] =	stream.strided.gather [hbm4b:s1+s7], $0x2000, s8, s7, $0x38;
	[tilespmem:$0x1E080] =	vst v63  }
0x167: {  	v4 =	vsel vm8, $0x0, v42;
	v56, _, _ =	vpop (xrf0);
	(xrf0) =	vadd.scan.msk.s32 $0xffff, v17;
	(v2sf) =	vpush v54, $0xF;
	s0 =	sshrl.u32 s23, $0x3;
	s1 =	sor.u32 s3, s25;
	s4 =	sshll.u32 s28, $0x12  }
0x168: {  	v57, _, _ =	vpop (xrf0);
	(xrf0) =	vadd.scan.msk.s32 $0xffff, v4;
	(v2sf) =	vpush v51, $0xF;
	s0 =	sadd.s32 s2, s0;
	s1 =	sshrl.u32 s1, $0x3;
	s4 =	sor.u32 s3, s4  }
0x169: {  	v58, _, _ =	vpop (xrf0);
	[tilespmem:s17], [sflag:$0x1] =	stream.strided.gather [hbm4b:s0+s7], $0x2000, s8, s7, $0x38;
	[tilespmem:$0x1E080] =	vst v63  }
0x16a: {  	v59, _, _ =	vpop (xrf0);
	s29 =	sadd.s32 s2, s1;
	s30 =	sshrl.u32 s4, $0x3;
	s31 =	spop (v2sf)  }
0x16b: {  	v60, _, _ =	vpop (xrf0);
	[tilespmem:s21], [sflag:$0x1] =	stream.strided.gather [hbm4b:s29+s7], $0x2000, s8, s7, $0x38;
	[tilespmem:$0x1E080] =	vst v63  }
0x16c: {  	v61, _, _ =	vpop (xrf0);
	s28 =	simm.s32 $0x12080;
	s22 =	sadd.s32 s2, s30;
	s25 =	spop (v2sf)  }
0x16d: {  	v62, _, _ =	vpop (xrf0);
	[tilespmem:s28], [sflag:$0x1] =	stream.strided.gather [hbm4b:s22+s7], $0x2000, s8, s7, $0x38;
	[tilespmem:$0x1E080] =	vst v63  }
0x16e: {  	v63, _, _ =	vpop (xrf0);
	s23 =	sshll.u32 s31, $0x12;
	(v2sf) =	vpush v55, $0xF;
	s30 =	sshll.u32 s25, $0x12  }
0x16f: {  	s29 =	sor.u32 s3, s23;
	_ =	swait.ge [sflag:s19], $0x2000;
	s1 =	sor.u32 s3, s30  }
0x170: {  	s0 =	sshrl.u32 s29, $0x3;
	(v2sf) =	vpush v52, $0xF;
	[sflag:s19] =	ssyncset.done $0x0;
	s1 =	sshrl.u32 s1, $0x3  }
0x171: {  	s31 =	spop (v2sf);
	s21 =	rddreg [dreg:$0x1e];
	[sflag:s19] =	ssyncadd.s32 $0xFFFFE000  }
0x172: {  	[hbm4b:s21+s7] =	stream.strided.scatter [tilespmem:s12], [sflag:$0x2], $0x2000, s8, s7, $0x38;
	[tilespmem:$0x1E080] =	vst v63  }
0x173: {  	s0 =	sadd.s32 s2, s0;
	s4 =	sshll.u32 s31, $0x12;
	s22 =	spop (v2sf)  }
0x174: {  	[tilespmem:s15], [sflag:$0x1] =	stream.strided.gather [hbm4b:s0+s7], $0x2000, s8, s7, $0x38;
	(v2sf) =	vpush v56, $0xF;
	[tilespmem:$0x1E080] =	vst v63  }
0x175: {  	s23 =	sor.u32 s3, s4;
	_ =	swait.ge [sflag:s19], $0x2000;
	s25 =	sshll.u32 s22, $0x12  }
0x176: {  	(v2sf) =	vpush v57, $0xF;
	s28 =	rddreg [dreg:$0x5];
	[sflag:s19] =	ssyncset.done $0x0;
	s30 =	spop (v2sf)  }
0x177: {  	s29 =	sor.u32 s3, s25;
	[sflag:s19] =	ssyncadd.s32 $0xFFFFE000;
	s31 =	spop (v2sf);
	(v2sf) =	vpush v58, $0xF  }
0x178: {  	[hbm4b:s28+s7] =	stream.strided.scatter [tilespmem:s13], [sflag:$0x2], $0x2000, s8, s7, $0x38;
	[tilespmem:$0x1E080] =	vst v63  }
0x179: {  	s1 =	sadd.s32 s2, s1;
	s21 =	sshrl.u32 s23, $0x3;
	s0 =	sshrl.u32 s29, $0x3  }
0x17a: {  	(v2sf) =	vpush v59, $0xF;
	[tilespmem:s11], [sflag:$0x1] =	stream.strided.gather [hbm4b:s1+s7], $0x2000, s8, s7, $0x38;
	[tilespmem:$0x1E080] =	vst v63  }
0x17b: {  	s4 =	sshll.u32 s30, $0x12;
	s22 =	sshll.u32 s31, $0x12;
	_ =	swait.ge [sflag:s19], $0x2000  }
0x17c: {  	s4 =	sor.u32 s3, s4;
	s31 =	sadd.s32 s2, s21;
	[sflag:s19] =	ssyncset.done $0x0  }
0x17d: {  	s25 =	rddreg [dreg:$0x6];
	s28 =	spop (v2sf);
	[sflag:s19] =	ssyncadd.s32 $0xFFFFE000  }
0x17e: {  	[hbm4b:s25+s7] =	stream.strided.scatter [tilespmem:s14], [sflag:$0x2], $0x2000, s8, s7, $0x38;
	[tilespmem:$0x1E080] =	vst v63  }
0x17f: {  	s0 =	sadd.s32 s2, s0;
	s23 =	sor.u32 s3, s22;
	s30 =	spop (v2sf);
	(v2sf) =	vpush v60, $0xF  }
0x180: {  	(v2sf) =	vpush v61, $0xF;
	[tilespmem:s10], [sflag:$0x1] =	stream.strided.gather [hbm4b:s31+s7], $0x2000, s8, s7, $0x38;
	[tilespmem:$0x1E080] =	vst v63  }
0x181: {  	s5 =	sshrl.u32 s4, $0x3;
	s29 =	sshrl.u32 s23, $0x3;
	_ =	swait.ge [sflag:s19], $0x2000  }
0x182: {  	s29 =	sadd.s32 s2, s29;
	s1 =	sshll.u32 s28, $0x12;
	[sflag:s19] =	ssyncset.done $0x0  }
0x183: {  	s25 =	rddreg [dreg:$0x7];
	s23 =	spop (v2sf);
	[sflag:s19] =	ssyncadd.s32 $0xFFFFE000  }
0x184: {  	[hbm4b:s25+s7] =	stream.strided.scatter [tilespmem:s16], [sflag:$0x2], $0x2000, s8, s7, $0x38;
	[tilespmem:$0x1E080] =	vst v63  }
0x185: {  	s1 =	sor.u32 s3, s1;
	s22 =	sshll.u32 s30, $0x12;
	s30 =	spop (v2sf);
	(v2sf) =	vpush v62, $0xF  }
0x186: {  	s21 =	sshrl.u32 s1, $0x3;
	s1 =	sshll.u32 s23, $0x12;
	(v2sf) =	vpush v63, $0xF;
	s23 =	spop (v2sf)  }
0x187: {  	[tilespmem:s9], [sflag:$0x1] =	stream.strided.gather [hbm4b:s0+s7], $0x2000, s8, s7, $0x38;
	[tilespmem:$0x1E080] =	vst v63  }
0x188: {  	s22 =	sor.u32 s3, s22;
	s30 =	sshll.u32 s30, $0x12;
	_ =	swait.ge [sflag:s19], $0x2000  }
0x189: {  	s28 =	sshrl.u32 s22, $0x3;
	s31 =	sor.u32 s3, s30;
	[sflag:s19] =	ssyncset.done $0x0  }
0x18a: {  	s25 =	sshll.u32 s23, $0x12;
	s23 =	rddreg [dreg:$0x8];
	[sflag:s19] =	ssyncadd.s32 $0xFFFFE000  }
0x18b: {  	[hbm4b:s23+s7] =	stream.strided.scatter [tilespmem:s18], [sflag:$0x2], $0x2000, s8, s7, $0x38;
	[tilespmem:$0x1E080] =	vst v63  }
0x18c: {  	s1 =	sor.u32 s3, s1;
	s4 =	sshrl.u32 s31, $0x3;
	s31 =	spop (v2sf)  }
0x18d: {  	[tilespmem:s6], [sflag:$0x1] =	stream.strided.gather [hbm4b:s29+s7], $0x2000, s8, s7, $0x38;
	[tilespmem:$0x1E080] =	vst v63  }
0x18e: {  	s22 =	sshrl.u32 s1, $0x3;
	s1 =	sshll.u32 s31, $0x12;
	s31 =	spop (v2sf)  }
0x18f: {  	s23 =	spop (v2sf)  }
0x190: {  	s0 =	sor.u32 s3, s25;
	s25 =	sshll.u32 s31, $0x12;
	_ =	swait.ge [sflag:s19], $0x2000  }
0x191: {  	s29 =	sor.u32 s3, s25;
	[sflag:s19] =	ssyncset.done $0x0  }
0x192: {  	s25 =	sshll.u32 s23, $0x12;
	s23 =	rddreg [dreg:$0x9];
	[sflag:s19] =	ssyncadd.s32 $0xFFFFE000  }
0x193: {  	[hbm4b:s23+s7] =	stream.strided.scatter [tilespmem:s20], [sflag:$0x2], $0x2000, s8, s7, $0x38;
	[tilespmem:$0x1E080] =	vst v63  }
0x194: {  	s30 =	sor.u32 s3, s25;
	s25 =	spop (v2sf)  }
0x195: {  	s31 =	sshrl.u32 s29, $0x3;
	s29 =	sshll.u32 s25, $0x12;
	s25 =	spop (v2sf)  }
0x196: {  	_ =	swait.ge [sflag:s24], $0x2000  }
0x197: {  	s25 =	sshll.u32 s25, $0x12;
	[sflag:s24] =	ssyncset.done $0x0  }
0x198: {  	s23 =	sor.u32 s3, s25;
	s25 =	sadd.s32 s2, s28;
	[sflag:s24] =	ssyncadd.s32 $0xFFFFE000  }
0x199: {  	[tilespmem:s12], [sflag:$0x1] =	stream.strided.gather [hbm4b:s25+s7], $0x2000, s8, s7, $0x38;
	[tilespmem:$0x1E080] =	vst v63  }
0x19a: {  	_ =	swait.ge [sflag:s19], $0x2000  }
0x19b: {  	s28 =	sshrl.u32 s23, $0x3;
	[sflag:s19] =	ssyncset.done $0x0  }
0x19c: {  	s25 =	simm.s32 $0xC080;
	s23 =	rddreg [dreg:$0xa];
	[sflag:s19] =	ssyncadd.s32 $0xFFFFE000  }
0x19d: {  	[hbm4b:s23+s7] =	stream.strided.scatter [tilespmem:s25], [sflag:$0x2], $0x2000, s8, s7, $0x38;
	[tilespmem:$0x1E080] =	vst v63  }
0x19e: {  	_ =	swait.ge [sflag:s24], $0x2000  }
0x19f: {  	[sflag:s24] =	ssyncset.done $0x0  }
0x1a0: {  	s5 =	sadd.s32 s2, s5;
	[sflag:s24] =	ssyncadd.s32 $0xFFFFE000  }
0x1a1: {  	[tilespmem:s13], [sflag:$0x1] =	stream.strided.gather [hbm4b:s5+s7], $0x2000, s8, s7, $0x38;
	[tilespmem:$0x1E080] =	vst v63  }
0x1a2: {  	_ =	swait.ge [sflag:s19], $0x2000  }
0x1a3: {  	[sflag:s19] =	ssyncset.done $0x0  }
0x1a4: {  	s23 =	rddreg [dreg:$0xb];
	[sflag:s19] =	ssyncadd.s32 $0xFFFFE000  }
0x1a5: {  	[hbm4b:s23+s7] =	stream.strided.scatter [tilespmem:s17], [sflag:$0x2], $0x2000, s8, s7, $0x38;
	[tilespmem:$0x1E080] =	vst v63  }
0x1a6: {  	_ =	swait.ge [sflag:s24], $0x2000  }
0x1a7: {  	[sflag:s24] =	ssyncset.done $0x0  }
0x1a8: {  	s23 =	sadd.s32 s2, s21;
	[sflag:s24] =	ssyncadd.s32 $0xFFFFE000  }
0x1a9: {  	[tilespmem:s14], [sflag:$0x1] =	stream.strided.gather [hbm4b:s23+s7], $0x2000, s8, s7, $0x38;
	[tilespmem:$0x1E080] =	vst v63  }
0x1aa: {  	_ =	swait.ge [sflag:s19], $0x2000  }
0x1ab: {  	[sflag:s19] =	ssyncset.done $0x0  }
0x1ac: {  	s23 =	simm.s32 $0x10080;
	s21 =	rddreg [dreg:$0xc];
	[sflag:s19] =	ssyncadd.s32 $0xFFFFE000  }
0x1ad: {  	[hbm4b:s21+s7] =	stream.strided.scatter [tilespmem:s23], [sflag:$0x2], $0x2000, s8, s7, $0x38;
	[tilespmem:$0x1E080] =	vst v63  }
0x1ae: {  	_ =	swait.ge [sflag:s24], $0x2000  }
0x1af: {  	[sflag:s24] =	ssyncset.done $0x0  }
0x1b0: {  	s21 =	sadd.s32 s2, s22;
	[sflag:s24] =	ssyncadd.s32 $0xFFFFE000  }
0x1b1: {  	[tilespmem:s16], [sflag:$0x1] =	stream.strided.gather [hbm4b:s21+s7], $0x2000, s8, s7, $0x38;
	[tilespmem:$0x1E080] =	vst v63  }
0x1b2: {  	_ =	swait.ge [sflag:s19], $0x2000  }
0x1b3: {  	[sflag:s19] =	ssyncset.done $0x0  }
0x1b4: {  	s21 =	simm.s32 $0x12080;
	s22 =	rddreg [dreg:$0xd];
	[sflag:s19] =	ssyncadd.s32 $0xFFFFE000  }
0x1b5: {  	[hbm4b:s22+s7] =	stream.strided.scatter [tilespmem:s21], [sflag:$0x2], $0x2000, s8, s7, $0x38;
	[tilespmem:$0x1E080] =	vst v63  }
0x1b6: {  	_ =	swait.ge [sflag:s24], $0x2000  }
0x1b7: {  	[sflag:s24] =	ssyncset.done $0x0  }
0x1b8: {  	s4 =	sadd.s32 s2, s4;
	[sflag:s24] =	ssyncadd.s32 $0xFFFFE000  }
0x1b9: {  	[tilespmem:s18], [sflag:$0x1] =	stream.strided.gather [hbm4b:s4+s7], $0x2000, s8, s7, $0x38;
	[tilespmem:$0x1E080] =	vst v63  }
0x1ba: {  	_ =	swait.ge [sflag:s19], $0x2000  }
0x1bb: {  	[sflag:s19] =	ssyncset.done $0x0  }
0x1bc: {  	s22 =	rddreg [dreg:$0xe];
	[sflag:s19] =	ssyncadd.s32 $0xFFFFE000  }
0x1bd: {  	[hbm4b:s22+s7] =	stream.strided.scatter [tilespmem:s15], [sflag:$0x2], $0x2000, s8, s7, $0x38;
	[tilespmem:$0x1E080] =	vst v63  }
0x1be: {  	_ =	swait.ge [sflag:s24], $0x2000  }
0x1bf: {  	s0 =	sshrl.u32 s0, $0x3;
	[sflag:s24] =	ssyncset.done $0x0  }
0x1c0: {  	s0 =	sadd.s32 s2, s0;
	[sflag:s24] =	ssyncadd.s32 $0xFFFFE000  }
0x1c1: {  	[tilespmem:s20], [sflag:$0x1] =	stream.strided.gather [hbm4b:s0+s7], $0x2000, s8, s7, $0x38;
	[tilespmem:$0x1E080] =	vst v63  }
0x1c2: {  	_ =	swait.ge [sflag:s19], $0x2000  }
0x1c3: {  	[sflag:s19] =	ssyncset.done $0x0  }
0x1c4: {  	s5 =	rddreg [dreg:$0xf];
	[sflag:s19] =	ssyncadd.s32 $0xFFFFE000  }
0x1c5: {  	[hbm4b:s5+s7] =	stream.strided.scatter [tilespmem:s11], [sflag:$0x2], $0x2000, s8, s7, $0x38;
	[tilespmem:$0x1E080] =	vst v63  }
0x1c6: {  	s1 =	sor.u32 s3, s1;
	_ =	swait.ge [sflag:s24], $0x2000  }
0x1c7: {  	s1 =	sshrl.u32 s1, $0x3;
	[sflag:s24] =	ssyncset.done $0x0  }
0x1c8: {  	s22 =	sadd.s32 s2, s1;
	[sflag:s24] =	ssyncadd.s32 $0xFFFFE000  }
0x1c9: {  	[tilespmem:s25], [sflag:$0x1] =	stream.strided.gather [hbm4b:s22+s7], $0x2000, s8, s7, $0x38;
	[tilespmem:$0x1E080] =	vst v63  }
0x1ca: {  	_ =	swait.ge [sflag:s19], $0x2000  }
0x1cb: {  	[sflag:s19] =	ssyncset.done $0x0  }
0x1cc: {  	s25 =	rddreg [dreg:$0x10];
	[sflag:s19] =	ssyncadd.s32 $0xFFFFE000  }
0x1cd: {  	[hbm4b:s25+s7] =	stream.strided.scatter [tilespmem:s10], [sflag:$0x2], $0x2000, s8, s7, $0x38;
	[tilespmem:$0x1E080] =	vst v63  }
0x1ce: {  	_ =	swait.ge [sflag:s24], $0x2000  }
0x1cf: {  	[sflag:s24] =	ssyncset.done $0x0  }
0x1d0: {  	s31 =	sadd.s32 s2, s31;
	[sflag:s24] =	ssyncadd.s32 $0xFFFFE000  }
0x1d1: {  	[tilespmem:s17], [sflag:$0x1] =	stream.strided.gather [hbm4b:s31+s7], $0x2000, s8, s7, $0x38;
	[tilespmem:$0x1E080] =	vst v63  }
0x1d2: {  	_ =	swait.ge [sflag:s19], $0x2000  }
0x1d3: {  	[sflag:s19] =	ssyncset.done $0x0  }
0x1d4: {  	s1 =	rddreg [dreg:$0x11];
	[sflag:s19] =	ssyncadd.s32 $0xFFFFE000  }
0x1d5: {  	[hbm4b:s1+s7] =	stream.strided.scatter [tilespmem:s9], [sflag:$0x2], $0x2000, s8, s7, $0x38;
	[tilespmem:$0x1E080] =	vst v63  }
0x1d6: {  	_ =	swait.ge [sflag:s24], $0x2000  }
0x1d7: {  	s30 =	sshrl.u32 s30, $0x3;
	[sflag:s24] =	ssyncset.done $0x0  }
0x1d8: {  	s5 =	sadd.s32 s2, s30;
	[sflag:s24] =	ssyncadd.s32 $0xFFFFE000  }
0x1d9: {  	[tilespmem:s23], [sflag:$0x1] =	stream.strided.gather [hbm4b:s5+s7], $0x2000, s8, s7, $0x38;
	[tilespmem:$0x1E080] =	vst v63  }
0x1da: {  	_ =	swait.ge [sflag:s19], $0x2000  }
0x1db: {  	[sflag:s19] =	ssyncset.done $0x0  }
0x1dc: {  	s22 =	rddreg [dreg:$0x12];
	[sflag:s19] =	ssyncadd.s32 $0xFFFFE000  }
0x1dd: {  	[hbm4b:s22+s7] =	stream.strided.scatter [tilespmem:s6], [sflag:$0x2], $0x2000, s8, s7, $0x38;
	[tilespmem:$0x1E080] =	vst v63  }
0x1de: {  	s29 =	sor.u32 s3, s29;
	_ =	swait.ge [sflag:s24], $0x2000  }
0x1df: {  	s29 =	sshrl.u32 s29, $0x3;
	[sflag:s24] =	ssyncset.done $0x0  }
0x1e0: {  	s23 =	sadd.s32 s2, s29;
	[sflag:s24] =	ssyncadd.s32 $0xFFFFE000  }
0x1e1: {  	[tilespmem:s21], [sflag:$0x1] =	stream.strided.gather [hbm4b:s23+s7], $0x2000, s8, s7, $0x38;
	[tilespmem:$0x1E080] =	vst v63  }
0x1e2: {  	_ =	swait.ge [sflag:s19], $0x2000  }
0x1e3: {  	[sflag:s19] =	ssyncset.done $0x0  }
0x1e4: {  	s25 =	rddreg [dreg:$0x13];
	[sflag:s19] =	ssyncadd.s32 $0xFFFFE000  }
0x1e5: {  	[hbm4b:s25+s7] =	stream.strided.scatter [tilespmem:s12], [sflag:$0x2], $0x2000, s8, s7, $0x38;
	[tilespmem:$0x1E080] =	vst v63  }
0x1e6: {  	_ =	swait.ge [sflag:s24], $0x2000  }
0x1e7: {  	[sflag:s24] =	ssyncset.done $0x0  }
0x1e8: {  	s29 =	sadd.s32 s2, s28;
	[sflag:s24] =	ssyncadd.s32 $0xFFFFE000  }
0x1e9: {  	[tilespmem:s15], [sflag:$0x1] =	stream.strided.gather [hbm4b:s29+s7], $0x2000, s8, s7, $0x38;
	[tilespmem:$0x1E080] =	vst v63  }
0x1ea: {  	_ =	swait.ge [sflag:s19], $0x2000  }
0x1eb: {  	[sflag:s19] =	ssyncset.done $0x0  }
0x1ec: {  	s30 =	rddreg [dreg:$0x14];
	[sflag:s19] =	ssyncadd.s32 $0xFFFFE000  }
0x1ed: {  	[hbm4b:s30+s7] =	stream.strided.scatter [tilespmem:s13], [sflag:$0x2], $0x2000, s8, s7, $0x38;
	[tilespmem:$0x1E080] =	vst v63  }
0x1ee: {  	_ =	swait.ge [sflag:s19], $0x2000  }
0x1ef: {  	[sflag:s19] =	ssyncset.done $0x0  }
0x1f0: {  	s31 =	rddreg [dreg:$0x15];
	[sflag:s19] =	ssyncadd.s32 $0xFFFFE000  }
0x1f1: {  	[hbm4b:s31+s7] =	stream.strided.scatter [tilespmem:s14], [sflag:$0x2], $0x2000, s8, s7, $0x38;
	[tilespmem:$0x1E080] =	vst v63  }
0x1f2: {  	_ =	swait.ge [sflag:s19], $0x2000  }
0x1f3: {  	[sflag:s19] =	ssyncset.done $0x0  }
0x1f4: {  	s21 =	rddreg [dreg:$0x16];
	[sflag:s19] =	ssyncadd.s32 $0xFFFFE000  }
0x1f5: {  	[hbm4b:s21+s7] =	stream.strided.scatter [tilespmem:s16], [sflag:$0x2], $0x2000, s8, s7, $0x38;
	[tilespmem:$0x1E080] =	vst v63  }
0x1f6: {  	_ =	swait.ge [sflag:s19], $0x2000  }
0x1f7: {  	[sflag:s19] =	ssyncset.done $0x0  }
0x1f8: {  	s22 =	rddreg [dreg:$0x17];
	[sflag:s19] =	ssyncadd.s32 $0xFFFFE000  }
0x1f9: {  	[hbm4b:s22+s7] =	stream.strided.scatter [tilespmem:s18], [sflag:$0x2], $0x2000, s8, s7, $0x38;
	[tilespmem:$0x1E080] =	vst v63  }
0x1fa: {  	_ =	swait.ge [sflag:s19], $0x2000  }
0x1fb: {  	[sflag:s19] =	ssyncset.done $0x0  }
0x1fc: {  	s23 =	rddreg [dreg:$0x18];
	[sflag:s19] =	ssyncadd.s32 $0xFFFFE000  }
0x1fd: {  	[hbm4b:s23+s7] =	stream.strided.scatter [tilespmem:s20], [sflag:$0x2], $0x2000, s8, s7, $0x38;
	[tilespmem:$0x1E080] =	vst v63  }
0x1fe: {  	_ =	swait.ge [sflag:s19], $0x2000  }
0x1ff: {  	[sflag:s19] =	ssyncset.done $0x0  }
0x200: {  	s4 =	simm.s32 $0xC080;
	s25 =	rddreg [dreg:$0x19];
	[sflag:s19] =	ssyncadd.s32 $0xFFFFE000  }
0x201: {  	[hbm4b:s25+s7] =	stream.strided.scatter [tilespmem:s4], [sflag:$0x2], $0x2000, s8, s7, $0x38;
	[tilespmem:$0x1E080] =	vst v63  }
0x202: {  	_ =	swait.ge [sflag:s19], $0x2000  }
0x203: {  	[sflag:s19] =	ssyncset.done $0x0  }
0x204: {  	s28 =	rddreg [dreg:$0x1a];
	[sflag:s19] =	ssyncadd.s32 $0xFFFFE000  }
0x205: {  	[hbm4b:s28+s7] =	stream.strided.scatter [tilespmem:s17], [sflag:$0x2], $0x2000, s8, s7, $0x38;
	[tilespmem:$0x1E080] =	vst v63  }
0x206: {  	_ =	swait.ge [sflag:s19], $0x2000  }
0x207: {  	[sflag:s19] =	ssyncset.done $0x0  }
0x208: {  	s5 =	simm.s32 $0x10080;
	s29 =	rddreg [dreg:$0x1b];
	[sflag:s19] =	ssyncadd.s32 $0xFFFFE000  }
0x209: {  	[hbm4b:s29+s7] =	stream.strided.scatter [tilespmem:s5], [sflag:$0x2], $0x2000, s8, s7, $0x38;
	[tilespmem:$0x1E080] =	vst v63  }
0x20a: {  	_ =	swait.ge [sflag:s19], $0x2000  }
0x20b: {  	[sflag:s19] =	ssyncset.done $0x0  }
0x20c: {  	s1 =	simm.s32 $0x12080;
	s30 =	rddreg [dreg:$0x1c];
	[sflag:s19] =	ssyncadd.s32 $0xFFFFE000  }
0x20d: {  	[hbm4b:s30+s7] =	stream.strided.scatter [tilespmem:s1], [sflag:$0x2], $0x2000, s8, s7, $0x38;
	[tilespmem:$0x1E080] =	vst v63  }
0x20e: {  	_ =	swait.ge [sflag:s19], $0x2000  }
0x20f: {  	[sflag:s19] =	ssyncset.done $0x0  }
0x210: {  	s31 =	rddreg [dreg:$0x1d];
	[sflag:s19] =	ssyncadd.s32 $0xFFFFE000  }
0x211: {  	[hbm4b:s31+s7] =	stream.strided.scatter [tilespmem:s15], [sflag:$0x2], $0x2000, s8, s7, $0x38;
	[tilespmem:$0x1E080] =	vst v63  }
0x212: {  	_ =	swait.ge [sflag:s24], $0x2000  }
0x213: {  	[sflag:s24] =	ssyncset.done $0x0  }
0x214: {  	[sflag:s24] =	ssyncadd.s32 $0xFFFFE000  }
0x215: {  	_ =	swait.ge [sflag:s24], $0x2000  }
0x216: {  	[sflag:s24] =	ssyncset.done $0x0  }
0x217: {  	[sflag:s24] =	ssyncadd.s32 $0xFFFFE000  }
0x218: {  	_ =	swait.ge [sflag:s24], $0x2000  }
0x219: {  	[sflag:s24] =	ssyncset.done $0x0  }
0x21a: {  	[sflag:s24] =	ssyncadd.s32 $0xFFFFE000  }
0x21b: {  	_ =	swait.ge [sflag:s24], $0x2000  }
0x21c: {  	[sflag:s24] =	ssyncset.done $0x0  }
0x21d: {  	[sflag:s24] =	ssyncadd.s32 $0xFFFFE000  }
0x21e: {  	_ =	swait.ge [sflag:s24], $0x2000  }
0x21f: {  	[sflag:s24] =	ssyncset.done $0x0  }
0x220: {  	[sflag:s24] =	ssyncadd.s32 $0xFFFFE000  }
0x221: {  	_ =	swait.ge [sflag:s24], $0x2000  }
0x222: {  	[sflag:s24] =	ssyncset.done $0x0  }
0x223: {  	[sflag:s24] =	ssyncadd.s32 $0xFFFFE000  }
0x224: {  	_ =	swait.ge [sflag:s24], $0x2000  }
0x225: {  	[sflag:s24] =	ssyncset.done $0x0  }
0x226: {  	[sflag:s24] =	ssyncadd.s32 $0xFFFFE000  }
0x227: {  	_ =	swait.ge [sflag:s24], $0x2000  }
0x228: {  	p0 =	sne.s32 s26, $0x1;
	[sflag:s24] =	ssyncset.done $0x0  }
.Ltmp1:
0x229: {  	[sflag:s24] =	ssyncadd.s32 $0xFFFFE000;
	(pc) =	sbr.rel @p0 .LBB2_2-.Ltmp1, $4  }
0x22a: {  	_ =	swait.ge [sflag:s24], $0x2000  }
0x22b: {  	[sflag:s24] =	ssyncset.done $0x0  }
0x22c: {  	[sflag:s24] =	ssyncadd.s32 $0xFFFFE000  }
0x22d: {  	s26 =	sadd.s32 $0xFFFFFFFF, s26;
	_ =	swait.ge [sflag:s24], $0x2000  }
.LBB2_3:
0x22e: {  	[sflag:s24] =	ssyncset.done $0x0  }
0x22f: {  	[sflag:s24] =	ssyncadd.s32 $0xFFFFE000  }
0x230: {  	_ =	swait.ge [sflag:s24], $0x2000  }
0x231: {  	[sflag:s24] =	ssyncset.done $0x0  }
0x232: {  	[sflag:s24] =	ssyncadd.s32 $0xFFFFE000  }
0x233: {  	_ =	swait.ge [sflag:s24], $0x2000  }
0x234: {  	[sflag:s24] =	ssyncset.done $0x0  }
0x235: {  	[sflag:s24] =	ssyncadd.s32 $0xFFFFE000  }
0x236: {  	_ =	swait.ge [sflag:s24], $0x2000  }
0x237: {  	[sflag:s24] =	ssyncset.done $0x0  }
0x238: {  	[sflag:s24] =	ssyncadd.s32 $0xFFFFE000  }
0x239: {  	_ =	swait.ge [sflag:s24], $0x2000  }
0x23a: {  	[sflag:s24] =	ssyncset.done $0x0  }
0x23b: {  	[sflag:s24] =	ssyncadd.s32 $0xFFFFE000  }
0x23c: {  	_ =	swait.ge [sflag:s24], $0x2000  }
0x23d: {  	[sflag:s24] =	ssyncset.done $0x0  }
0x23e: {  	[sflag:s24] =	ssyncadd.s32 $0xFFFFE000  }
0x23f: {  	_ =	sfence.sel $0x180000  }
0x240: {  	[bflag:$0x0] =	sbarrier.arrive $0xFFFF  }
0x241: {  	_ =	strace $0x90000047  }
0x242: {  	s0 =	stileid.u32;
	[bflag:$0x2] =	sbarrier.arrive $0xFFFF  }
0x243: {  	p0 =	sne.s32 s0, $0x0;
	s0 =	rddreg [dreg:$0x3]  }
0x244: {  	s0 =	sadd.s32 @!p0 $0x100000, s0  }
0x245: {  	[sflag:s0] =	ssyncadd.tile.s32 @!p0 $0x1;
	_ =	shalt  }
.Lfunc_end2:
_tile_overlayer_lowered:
.L_overlay_start_2:
0x246: {  	(tag) =	ssettag $0x2  }
0x247: {  	s0 =	rddreg [dreg:$0x0];
	s2 =	stileid.u32  }
0x248: {  	s1 =	rddreg [dreg:$0x1];
	p0 =	sne.s32 s2, $0x0  }
0x249: {  	s3 =	rddreg [dreg:$0x2];
	[bflag:$0x3] =	sbarrier.arrive $0xFFFF;
	s2 =	simm.s32 @!p0 $0x1C03  }
0x24a: {  	[timem:s3], [sflag:s2] =	dma.local @!p0 [hbm:s0], s1  }
0x24b: {  	s0 =	simm.s32 @!p0 $0x3  }
0x24c: {  	_ =	swait.ge @!p0 [sflag:s0], s1  }
0x24d: {  	s1 =	ssub.s32 @!p0 $0x0, s1;
	[sflag:s0] =	ssyncset.done @!p0 $0x0  }
0x24e: {  	[sflag:s0] =	ssyncadd.s32 @!p0 s1  }
0x24f: {  	[bflag:$0x3] =	sbarrier.arrive $0xFFFF  }
0x250: {  	_ =	shalt  }

</sc_bundles>
